<compile_context>
chip_gen: v7x
topology: tpu7x:2x2x1
jax: 0.10.2.dev20260603
libtpu: 0.0.44.dev20260713+nightly
codegen_flags: <defaults>
</compile_context>

<pallas_src>
import functools

import jax
import jax.numpy as jnp
from jax import lax
from jax.experimental import pallas as pl
from jax.experimental.pallas import tpu as pltpu
from jax.experimental.pallas import tpu_sc as plsc

NN = 10000
EE = 320000
DD = 128
HH = 64
NP = 10240

NC = 2
NS = 16
NWK = NC * NS
CH = 128
NCHUNK = 80
TPT = NN // NS
EPW = NCHUNK * CH
EPAD = NWK * EPW
RPT = NP // NS

BN = 512


def _make_spmm(width, k_slow, k_fast, slow_cid):
  kmax = max(k_slow, k_fast)
  mesh = plsc.VectorSubcoreMesh(core_axis_name="c", subcore_axis_name="s")

  @functools.partial(
      pl.kernel,
      out_type=jax.ShapeDtypeStruct((NC, NP, width), jnp.float32),
      mesh=mesh,
      compiler_params=pltpu.CompilerParams(use_tc_tiling_on_sc=False),
      scratch_types=[
          pltpu.VMEM((kmax, CH), jnp.int32),
          pltpu.VMEM((kmax, CH), jnp.int32),
          pltpu.VMEM((CH, width), jnp.float32),
          pltpu.VMEM((CH, width), jnp.float32),
          pltpu.VMEM_SHARED((NP, width), jnp.float32),
          pltpu.VMEM_SHARED((NN, width), jnp.float32),
          [pltpu.SemaphoreType.DMA] * 2,
      ],
  )
  def spmm(table, srcs, dsts, zeros, out,
           src_v, dst_v, buf0, buf1, acc, tab_s, gsem):
    bufs = (buf0, buf1)
    cid = lax.axis_index("c")
    sid = lax.axis_index("s")
    slow = cid == slow_cid
    k_here = lax.select(slow, k_slow, k_fast)
    base = lax.select(slow, sid * k_slow, NS * k_slow + sid * k_fast)
    pltpu.sync_copy(srcs.at[pl.ds(base, kmax)], src_v)
    pltpu.sync_copy(dsts.at[pl.ds(base, kmax)], dst_v)
    sl = pl.ds(sid * RPT, RPT)
    pltpu.sync_copy(table.at[pl.ds(sid * TPT, TPT)], tab_s.at[pl.ds(sid * TPT, TPT)])
    pltpu.sync_copy(zeros.at[sl], acc.at[sl])
    plsc.subcore_barrier()

    pltpu.async_copy(tab_s.at[src_v.at[0]], bufs[0], gsem[0])

    @pl.loop(0, k_here, step=2)
    def _(j):
      pltpu.async_copy(tab_s.at[src_v.at[j + 1]], bufs[1], gsem[1])
      pltpu.make_async_copy(tab_s.at[src_v.at[j]], bufs[0], gsem[0]).wait()
      pltpu.sync_copy(bufs[0], acc.at[dst_v.at[j]], add=True)

      @pl.when(j + 2 < k_here)
      def _():
        pltpu.async_copy(tab_s.at[src_v.at[j + 2]], bufs[0], gsem[0])

      pltpu.make_async_copy(tab_s.at[src_v.at[j + 1]], bufs[1], gsem[1]).wait()
      pltpu.sync_copy(bufs[1], acc.at[dst_v.at[j + 1]], add=True)

    plsc.subcore_barrier()
    pltpu.sync_copy(acc.at[sl], out.at[cid, sl])

  return spmm


def _make_deg(k_slow, k_fast, slow_cid):
  kmax = max(k_slow, k_fast)
  mesh = plsc.VectorSubcoreMesh(core_axis_name="c", subcore_axis_name="s")

  @functools.partial(
      pl.kernel,
      out_type=jax.ShapeDtypeStruct((NC, NP, 8), jnp.float32),
      mesh=mesh,
      compiler_params=pltpu.CompilerParams(use_tc_tiling_on_sc=False),
      scratch_types=[
          pltpu.VMEM((kmax, CH), jnp.int32),
          pltpu.VMEM((CH, 8), jnp.float32),
          pltpu.VMEM_SHARED((NP, 8), jnp.float32),
          [pltpu.SemaphoreType.DMA] * 4,
      ],
  )
  def deg(ones, dsts, zeros, out, dst_v, ones_v, acc, ssem):
    cid = lax.axis_index("c")
    sid = lax.axis_index("s")
    slow = cid == slow_cid
    k_here = lax.select(slow, k_slow, k_fast)
    base = lax.select(slow, sid * k_slow, NS * k_slow + sid * k_fast)
    pltpu.sync_copy(dsts.at[pl.ds(base, kmax)], dst_v)
    pltpu.sync_copy(ones, ones_v)
    sl = pl.ds(sid * RPT, RPT)
    pltpu.sync_copy(zeros.at[sl], acc.at[sl])
    plsc.subcore_barrier()

    @pl.loop(0, k_here, step=4)
    def _(j):
      for b in range(4):
        jj = j + b

        @pl.when(jj >= 4)
        def _():
          pltpu.make_async_copy(
              ones_v, acc.at[dst_v.at[jj - 4]], ssem[b]).wait()

        pltpu.make_async_copy(
            ones_v, acc.at[dst_v.at[jj]], ssem[b]).start(add=True)

    for b in range(4):
      pltpu.make_async_copy(
          ones_v, acc.at[dst_v.at[k_here - 4 + b]], ssem[b]).wait()

    plsc.subcore_barrier()
    pltpu.sync_copy(acc.at[sl], out.at[cid, sl])

  return deg


FLATCH = 2592
SLOW = 0

_spmm64 = _make_spmm(HH, 80, 80, SLOW)
_spmm8 = _make_spmm(8, 80, 80, SLOW)
_deg = _make_deg(80, 80, SLOW)


PH = NN // 2


def _dinv_of(deg_ref):
  deg = deg_ref[0, :NN, 0] + deg_ref[1, :NN, 0] + 1.0
  return lax.rsqrt(deg)[:, None]


def _mm1_body(x_ref, w_ref, o_ref):
  o_ref[...] = jnp.dot(x_ref[...], w_ref[...],
                       preferred_element_type=jnp.float32)


def _scale_body(degp_ref, hp_ref, htp_ref, dp_ref, d16_ref):
  deg16 = degp_ref[0, :PH] + degp_ref[1, :PH] + 1.0
  d16 = lax.rsqrt(deg16)
  d16_ref[...] = d16
  pat = (lax.broadcasted_iota(jnp.int32, (16, 2 * HH), 1) // 8
         == lax.broadcasted_iota(jnp.int32, (16, 2 * HH), 0))
  dp = jnp.dot(d16, pat.astype(jnp.float32),
               preferred_element_type=jnp.float32)
  dp_ref[...] = dp
  htp_ref[...] = hp_ref[...] * dp


def _ln_half(u, eps=1e-5):
  mu = jnp.mean(u, axis=1, keepdims=True)
  var = jnp.mean((u - mu) ** 2, axis=1, keepdims=True)
  return (u - mu) * lax.rsqrt(var + eps)


def _mid_body(dp_ref, dsc_ref, a_ref, htp_ref, b_ref, g_ref, be_ref, w_ref,
              o_ref):
  dp = dp_ref[...]
  s = a_ref[0, :PH] + a_ref[1, :PH] + htp_ref[...]
  u = s * dp + b_ref[...]
  un = jnp.concatenate([_ln_half(u[:, :HH]), _ln_half(u[:, HH:])], axis=1)
  r = jnp.maximum(un * g_ref[...] + be_ref[...], 0.0)
  h = jnp.dot(r, w_ref[...], preferred_element_type=jnp.float32)
  o_ref[...] = h * dsc_ref[...]


def _fin_body(d16_ref, a_ref, htp_ref, b3_ref, o_ref):
  s = a_ref[0, :PH] + a_ref[1, :PH] + htp_ref[...]
  o_ref[...] = s * d16_ref[...] + b3_ref[0]


def _prep_body(ei_ref, src_ref, dst_ref):
  src_ref[pl.ds(0, EE // CH), :] = ei_ref[0].reshape(EE // CH, CH)
  dst_ref[pl.ds(0, EE // CH), :] = ei_ref[1].reshape(EE // CH, CH)
  pad_rows = FLATCH - EE // CH
  src_ref[pl.ds(EE // CH, pad_rows), :] = jnp.zeros((pad_rows, CH), jnp.int32)
  dst_ref[pl.ds(EE // CH, pad_rows), :] = jnp.full((pad_rows, CH), NN,
                                                   jnp.int32)


def _full(shape):
  return pl.BlockSpec(shape, lambda: tuple(0 for _ in shape))


def _mm1(xp, W1bd):
  return pl.pallas_call(
      _mm1_body,
      in_specs=[_full((PH, 2 * DD)), _full((2 * DD, 2 * HH))],
      out_specs=_full((PH, 2 * HH)),
      out_shape=jax.ShapeDtypeStruct((PH, 2 * HH), jnp.float32),
  )(xp, W1bd)


def _scale(deg_p, h1p):
  return pl.pallas_call(
      _scale_body,
      in_specs=[_full((NC, NP // 2, 16)), _full((PH, 2 * HH))],
      out_specs=[
          _full((PH, 2 * HH)),
          _full((PH, 2 * HH)),
          _full((PH, 16)),
      ],
      out_shape=[
          jax.ShapeDtypeStruct((PH, 2 * HH), jnp.float32),
          jax.ShapeDtypeStruct((PH, 2 * HH), jnp.float32),
          jax.ShapeDtypeStruct((PH, 16), jnp.float32),
      ],
  )(deg_p, h1p)


def _mid(dp, dsc, accp, htp, bp, gp, bep, Wbd, w2):
  return pl.pallas_call(
      _mid_body,
      in_specs=[
          _full((PH, 2 * HH)),
          _full((PH, w2)),
          _full((NC, NP // 2, 2 * HH)),
          _full((PH, 2 * HH)),
          _full((1, 2 * HH)),
          _full((1, 2 * HH)),
          _full((1, 2 * HH)),
          _full((2 * HH, w2)),
      ],
      out_specs=_full((PH, w2)),
      out_shape=jax.ShapeDtypeStruct((PH, w2), jnp.float32),
  )(dp, dsc, accp, htp, bp, gp, bep, Wbd)


def _fin(d16, accp, ht3p, b3):
  return pl.pallas_call(
      _fin_body,
      in_specs=[
          _full((PH, 16)),
          _full((NC, NP // 2, 16)),
          _full((PH, 16)),
          pl.BlockSpec(memory_space=pltpu.SMEM),
      ],
      out_specs=_full((PH, 16)),
      out_shape=jax.ShapeDtypeStruct((PH, 16), jnp.float32),
  )(d16, accp, ht3p, b3)


def _prep(edge_index):
  return pl.pallas_call(
      _prep_body,
      in_specs=[_full((2, EE))],
      out_specs=[_full((FLATCH, CH)), _full((FLATCH, CH))],
      out_shape=[
          jax.ShapeDtypeStruct((FLATCH, CH), jnp.int32),
          jax.ShapeDtypeStruct((FLATCH, CH), jnp.int32),
      ],
  )(edge_index)


def kernel(x, edge_index, W1, b1, g1, be1, W2, b2, g2, be2, W3, b3):
  srcs, dsts = _prep(edge_index)
  zeros64 = jnp.zeros((NP, HH), jnp.float32)
  zeros8 = jnp.zeros((NP, 8), jnp.float32)
  ones8 = jnp.ones((CH, 8), jnp.float32)
  zd = jnp.zeros((DD, HH), jnp.float32)
  zh = jnp.zeros((HH, HH), jnp.float32)
  z8 = jnp.zeros((HH, 8), jnp.float32)
  W1bd = jnp.block([[W1, zd], [zd, W1]])
  W2bd = jnp.block([[W2, zh], [zh, W2]])
  W3t = jnp.tile(W3, (1, 8))
  W3bd = jnp.block([[W3t, z8], [z8, W3t]])
  b1p, g1p, be1p = (jnp.tile(v, 2).reshape(1, 2 * HH) for v in (b1, g1, be1))
  b2p, g2p, be2p = (jnp.tile(v, 2).reshape(1, 2 * HH) for v in (b2, g2, be2))
  xp = x.reshape(PH, 2 * DD)

  deg_out = _deg(ones8, dsts, zeros8)
  h1p = _mm1(xp, W1bd)
  htp1, dp, d16 = _scale(deg_out.reshape(NC, NP // 2, 16), h1p)

  acc1 = _spmm64(htp1.reshape(NN, HH), srcs, dsts, zeros64)
  htp2 = _mid(dp, dp, acc1.reshape(NC, NP // 2, 2 * HH), htp1,
              b1p, g1p, be1p, W2bd, 2 * HH)

  acc2 = _spmm64(htp2.reshape(NN, HH), srcs, dsts, zeros64)
  ht3p = _mid(dp, d16, acc2.reshape(NC, NP // 2, 2 * HH), htp2,
              b2p, g2p, be2p, W3bd, 16)

  ht3 = ht3p.reshape(NN, 8)
  acc3 = _spmm8(ht3, srcs, dsts, zeros8)
  outp = _fin(d16, acc3.reshape(NC, NP // 2, 16), ht3p, b3)
  return outp.reshape(NN, 8)[:, 0]

# --- scband reference (transcript-rebuilt; emitter-appended) ---
"""Pipeline reference for scband-simple-gcn-21466246546229 (READ-ONLY COPY).

The authoritative reference and input builder live on the scoring server;
editing this copy changes nothing except your own understanding.
"""

import jax, jax.numpy as jnp
import numpy as np

N = 10000
E = 320000
D = 128
H = 64


def layer_norm(h, g, b):
    mu = jnp.mean(h, axis=-1, keepdims=True)
    var = jnp.mean((h - mu) ** 2, axis=-1, keepdims=True)
    return (h - mu) / jnp.sqrt(var + 1e-5) * g + b


def gcn_layer(x, W, b, src, dst, n):
    loop = jnp.arange(n, dtype=src.dtype)
    si = jnp.concatenate([src, loop])
    di = jnp.concatenate([dst, loop])
    deg = jnp.zeros((n,), x.dtype).at[di].add(1.0)
    dinv = jnp.where(deg > 0, jax.lax.rsqrt(deg), 0.0)
    norm = dinv[si] * dinv[di]
    h = x @ W
    msg = jnp.take(h, si, axis=0) * norm[:, None]
    out = jnp.zeros((n, W.shape[1]), x.dtype).at[di].add(msg)
    return out + b


def setup_inputs(seed: int = 0) -> dict:
    key = jax.random.key(seed)
    ks = jax.random.split(key, 12)
    x = jax.random.normal(ks[0], (N, D), dtype=jnp.float32)
    edge_index = jax.random.randint(ks[1], (2, E), 0, N, dtype=jnp.int32)
    W1 = jax.random.normal(ks[2], (D, H), dtype=jnp.float32) * 0.05
    b1 = jnp.zeros((H,), jnp.float32)
    g1 = jnp.ones((H,), jnp.float32)
    be1 = jnp.zeros((H,), jnp.float32)
    W2 = jax.random.normal(ks[3], (H, H), dtype=jnp.float32) * 0.05
    b2 = jnp.zeros((H,), jnp.float32)
    g2 = jnp.ones((H,), jnp.float32)
    be2 = jnp.zeros((H,), jnp.float32)
    W3 = jax.random.normal(ks[4], (H, 1), dtype=jnp.float32) * 0.05
    b3 = jnp.zeros((1,), jnp.float32)
    return {"x": x, "edge_index": edge_index, "W1": W1, "b1": b1, "g1": g1, "be1": be1, "W2": W2, "b2": b2, "g2": g2, "be2": be2, "W3": W3, "b3": b3}


def reference(x, edge_index, W1, b1, g1, be1, W2, b2, g2, be2, W3, b3):
    src = edge_index[0]
    dst = edge_index[1]
    h = gcn_layer(x, W1, b1, src, dst, N)
    h = jax.nn.relu(layer_norm(h, g1, be1))
    # dropout is identity in eval mode
    h = gcn_layer(h, W2, b2, src, dst, N)
    h = jax.nn.relu(layer_norm(h, g2, be2))
    h = gcn_layer(h, W3, b3, src, dst, N)
    out = jnp.squeeze(h, axis=-1)
    return out

if __name__ == "__main__":
    import jax
    _d = setup_inputs()
    print(jax.jit(kernel)(*tuple(_d.values())))

</pallas_src>

<mosaic_0001>
#map = affine_map<(d0, d1) -> (0, 0)>
#map1 = affine_map<(d0, d1) -> (0, 0, 0)>
module attributes {stable_mosaic.version = 14 : i64} {
  func.func @spmm(%arg0: i32, %arg1: i32, %arg2: memref<10000x8xf32, #tpu.memory_space<hbm>>, %arg3: memref<2592x128xi32, #tpu.memory_space<hbm>>, %arg4: memref<2592x128xi32, #tpu.memory_space<hbm>>, %arg5: memref<10240x8xf32, #tpu.memory_space<hbm>>, %arg6: memref<2x10240x8xf32, #tpu.memory_space<hbm>>, %arg7: memref<80x128xi32, #tpu.memory_space<vmem>>, %arg8: memref<80x128xi32, #tpu.memory_space<vmem>>, %arg9: memref<128x8xf32, #tpu.memory_space<vmem>>, %arg10: memref<128x8xf32, #tpu.memory_space<vmem>>, %arg11: memref<10240x8xf32, #tpu.memory_space<vmem_shared>>, %arg12: memref<10000x8xf32, #tpu.memory_space<vmem_shared>>, %arg13: memref<!tpu.dma_semaphore, #tpu.memory_space<semaphore_mem>>, %arg14: memref<!tpu.dma_semaphore, #tpu.memory_space<semaphore_mem>>) attributes {dimension_semantics = [#tpu.dimension_semantics<core_parallel>, #tpu.dimension_semantics<subcore_parallel>], iteration_bounds = array<i64: 2, 16>, scalar_prefetch = 0 : i64, scratch_operands = 8 : i64, tpu.core_type = #tpu.core_type<sc_vector_subcore>, window_params = [{transform_indices = #map}, {transform_indices = #map}, {transform_indices = #map}, {transform_indices = #map}, {transform_indices = #map1}]} {
    %eq3A = arith.constant 0 : i32
    %eq3A_0 = arith.cmpi eq, %arg0, %eq3A : i32
    %select_n3A = arith.constant 80 : i32
    %select_n3A_1 = arith.constant 80 : i32
    %select_n3A_2 = arith.select %eq3A_0, %select_n3A_1, %select_n3A : i32
    %mul3A = arith.constant 80 : i32
    %mul3A_3 = arith.muli %arg1, %mul3A : i32
    %mul3A_4 = arith.constant 80 : i32
    %mul3A_5 = arith.muli %arg1, %mul3A_4 : i32
    %add3A = arith.constant 1280 : i32
    %add3A_6 = arith.addi %add3A, %mul3A_5 : i32
    %select_n3A_7 = arith.select %eq3A_0, %mul3A_3, %add3A_6 : i32
    "tpu.region"() ({
      %run_scoped3A = tpu.sem_alloc : memref<!tpu.dma_semaphore, #tpu.memory_space<semaphore_mem>>
      %dma_start3A_37 = arith.constant 0 : i32
      %dma_start3A_38 = tpu.memref_slice %arg3[%select_n3A_7, %dma_start3A_37] : memref<2592x128xi32, #tpu.memory_space<hbm>> -> memref<80x128xi32, #tpu.memory_space<hbm>>
      %dma_start3A_39 = arith.constant 0 : i32
      %dma_start3A_40 = tpu.memref_slice %arg3[%select_n3A_7, %dma_start3A_39] : memref<2592x128xi32, #tpu.memory_space<hbm>> -> memref<80x128xi32, #tpu.memory_space<hbm>>
      tpu.enqueue_dma source(%dma_start3A_40 : memref<80x128xi32, #tpu.memory_space<hbm>>) target(%arg7 : memref<80x128xi32, #tpu.memory_space<vmem>>) target_semaphore(%run_scoped3A : memref<!tpu.dma_semaphore, #tpu.memory_space<semaphore_mem>>)
      %dma_wait3A = arith.constant 0 : i32
      %dma_wait3A_41 = tpu.memref_slice %arg3[%select_n3A_7, %dma_wait3A] : memref<2592x128xi32, #tpu.memory_space<hbm>> -> memref<80x128xi32, #tpu.memory_space<hbm>>
      %dma_wait3A_42 = arith.constant 0 : i32
      %dma_wait3A_43 = tpu.memref_slice %arg3[%select_n3A_7, %dma_wait3A_42] : memref<2592x128xi32, #tpu.memory_space<hbm>> -> memref<80x128xi32, #tpu.memory_space<hbm>>
      tpu.wait_dma2 semaphore(%run_scoped3A : memref<!tpu.dma_semaphore, #tpu.memory_space<semaphore_mem>>) src(%dma_wait3A_43 : memref<80x128xi32, #tpu.memory_space<hbm>>) dst(%arg7 : memref<80x128xi32, #tpu.memory_space<vmem>>)
      tpu.yield
    }) : () -> ()
    "tpu.region"() ({
      %run_scoped3A = tpu.sem_alloc : memref<!tpu.dma_semaphore, #tpu.memory_space<semaphore_mem>>
      %dma_start3A_37 = arith.constant 0 : i32
      %dma_start3A_38 = tpu.memref_slice %arg4[%select_n3A_7, %dma_start3A_37] : memref<2592x128xi32, #tpu.memory_space<hbm>> -> memref<80x128xi32, #tpu.memory_space<hbm>>
      %dma_start3A_39 = arith.constant 0 : i32
      %dma_start3A_40 = tpu.memref_slice %arg4[%select_n3A_7, %dma_start3A_39] : memref<2592x128xi32, #tpu.memory_space<hbm>> -> memref<80x128xi32, #tpu.memory_space<hbm>>
      tpu.enqueue_dma source(%dma_start3A_40 : memref<80x128xi32, #tpu.memory_space<hbm>>) target(%arg8 : memref<80x128xi32, #tpu.memory_space<vmem>>) target_semaphore(%run_scoped3A : memref<!tpu.dma_semaphore, #tpu.memory_space<semaphore_mem>>)
      %dma_wait3A = arith.constant 0 : i32
      %dma_wait3A_41 = tpu.memref_slice %arg4[%select_n3A_7, %dma_wait3A] : memref<2592x128xi32, #tpu.memory_space<hbm>> -> memref<80x128xi32, #tpu.memory_space<hbm>>
      %dma_wait3A_42 = arith.constant 0 : i32
      %dma_wait3A_43 = tpu.memref_slice %arg4[%select_n3A_7, %dma_wait3A_42] : memref<2592x128xi32, #tpu.memory_space<hbm>> -> memref<80x128xi32, #tpu.memory_space<hbm>>
      tpu.wait_dma2 semaphore(%run_scoped3A : memref<!tpu.dma_semaphore, #tpu.memory_space<semaphore_mem>>) src(%dma_wait3A_43 : memref<80x128xi32, #tpu.memory_space<hbm>>) dst(%arg8 : memref<80x128xi32, #tpu.memory_space<vmem>>)
      tpu.yield
    }) : () -> ()
    %mul3A_8 = arith.constant 640 : i32
    %mul3A_9 = arith.muli %arg1, %mul3A_8 : i32
    %mul3A_10 = arith.constant 625 : i32
    %mul3A_11 = arith.muli %arg1, %mul3A_10 : i32
    %mul3A_12 = arith.constant 625 : i32
    %mul3A_13 = arith.muli %arg1, %mul3A_12 : i32
    "tpu.region"() ({
      %run_scoped3A = tpu.sem_alloc : memref<!tpu.dma_semaphore, #tpu.memory_space<semaphore_mem>>
      %dma_start3A_37 = arith.constant 0 : i32
      %dma_start3A_38 = tpu.memref_slice %arg12[%mul3A_13, %dma_start3A_37] : memref<10000x8xf32, #tpu.memory_space<vmem_shared>> -> memref<625x8xf32, #tpu.memory_space<vmem_shared>>
      %dma_start3A_39 = arith.constant 0 : i32
      %dma_start3A_40 = tpu.memref_slice %arg2[%mul3A_11, %dma_start3A_39] : memref<10000x8xf32, #tpu.memory_space<hbm>> -> memref<625x8xf32, #tpu.memory_space<hbm>>
      tpu.enqueue_dma source(%dma_start3A_40 : memref<625x8xf32, #tpu.memory_space<hbm>>) target(%dma_start3A_38 : memref<625x8xf32, #tpu.memory_space<vmem_shared>>) target_semaphore(%run_scoped3A : memref<!tpu.dma_semaphore, #tpu.memory_space<semaphore_mem>>)
      %dma_wait3A = arith.constant 0 : i32
      %dma_wait3A_41 = tpu.memref_slice %arg12[%mul3A_13, %dma_wait3A] : memref<10000x8xf32, #tpu.memory_space<vmem_shared>> -> memref<625x8xf32, #tpu.memory_space<vmem_shared>>
      %dma_wait3A_42 = arith.constant 0 : i32
      %dma_wait3A_43 = tpu.memref_slice %arg2[%mul3A_11, %dma_wait3A_42] : memref<10000x8xf32, #tpu.memory_space<hbm>> -> memref<625x8xf32, #tpu.memory_space<hbm>>
      tpu.wait_dma2 semaphore(%run_scoped3A : memref<!tpu.dma_semaphore, #tpu.memory_space<semaphore_mem>>) src(%dma_wait3A_43 : memref<625x8xf32, #tpu.memory_space<hbm>>) dst(%dma_wait3A_41 : memref<625x8xf32, #tpu.memory_space<vmem_shared>>)
      tpu.yield
    }) : () -> ()
    "tpu.region"() ({
      %run_scoped3A = tpu.sem_alloc : memref<!tpu.dma_semaphore, #tpu.memory_space<semaphore_mem>>
      %dma_start3A_37 = arith.constant 0 : i32
      %dma_start3A_38 = tpu.memref_slice %arg11[%mul3A_9, %dma_start3A_37] : memref<10240x8xf32, #tpu.memory_space<vmem_shared>> -> memref<640x8xf32, #tpu.memory_space<vmem_shared>>
      %dma_start3A_39 = arith.constant 0 : i32
      %dma_start3A_40 = tpu.memref_slice %arg5[%mul3A_9, %dma_start3A_39] : memref<10240x8xf32, #tpu.memory_space<hbm>> -> memref<640x8xf32, #tpu.memory_space<hbm>>
      tpu.enqueue_dma source(%dma_start3A_40 : memref<640x8xf32, #tpu.memory_space<hbm>>) target(%dma_start3A_38 : memref<640x8xf32, #tpu.memory_space<vmem_shared>>) target_semaphore(%run_scoped3A : memref<!tpu.dma_semaphore, #tpu.memory_space<semaphore_mem>>)
      %dma_wait3A = arith.constant 0 : i32
      %dma_wait3A_41 = tpu.memref_slice %arg11[%mul3A_9, %dma_wait3A] : memref<10240x8xf32, #tpu.memory_space<vmem_shared>> -> memref<640x8xf32, #tpu.memory_space<vmem_shared>>
      %dma_wait3A_42 = arith.constant 0 : i32
      %dma_wait3A_43 = tpu.memref_slice %arg5[%mul3A_9, %dma_wait3A_42] : memref<10240x8xf32, #tpu.memory_space<hbm>> -> memref<640x8xf32, #tpu.memory_space<hbm>>
      tpu.wait_dma2 semaphore(%run_scoped3A : memref<!tpu.dma_semaphore, #tpu.memory_space<semaphore_mem>>) src(%dma_wait3A_43 : memref<640x8xf32, #tpu.memory_space<hbm>>) dst(%dma_wait3A_41 : memref<640x8xf32, #tpu.memory_space<vmem_shared>>)
      tpu.yield
    }) : () -> ()
    %barrier3A = arith.constant 0 : index
    tpu.barrier barrier_id(%barrier3A)
    %dma_start3A = arith.constant 0 : i32
    %dma_start3A_14 = arith.constant 0 : i32
    %dma_start3A_15 = tpu.memref_slice %arg7[%dma_start3A, %dma_start3A_14] : memref<80x128xi32, #tpu.memory_space<vmem>> -> memref<1x128xi32, #tpu.memory_space<vmem>>
    %dma_start3A_16 = tpu.memref_squeeze %dma_start3A_15 : memref<1x128xi32, #tpu.memory_space<vmem>> -> memref<128xi32, #tpu.memory_space<vmem>>
    %dma_start3A_17 = arith.constant 0 : i32
    %dma_start3A_18 = arith.constant 0 : i32
    %dma_start3A_19 = tpu.memref_slice %arg12[%dma_start3A_17, %dma_start3A_18] : memref<10000x8xf32, #tpu.memory_space<vmem_shared>> -> memref<10000x8xf32, #tpu.memory_space<vmem_shared>>
    tpu.enqueue_indirect_dma source(%dma_start3A_19 : memref<10000x8xf32, #tpu.memory_space<vmem_shared>>) target(%arg9 : memref<128x8xf32, #tpu.memory_space<vmem>>) offsets(%dma_start3A_16 : memref<128xi32, #tpu.memory_space<vmem>>) semaphore(%arg13 : memref<!tpu.dma_semaphore, #tpu.memory_space<semaphore_mem>>)
    %sub3A = arith.constant 0 : i32
    %sub3A_20 = arith.subi %select_n3A_2, %sub3A : i32
    %sub3A_21 = arith.constant 2 : i32
    %sub3A_22 = arith.constant 1 : i32
    %sub3A_23 = arith.subi %sub3A_21, %sub3A_22 : i32
    %add3A_24 = arith.addi %sub3A_20, %sub3A_23 : i32
    %div3A = arith.constant 2 : i32
    %div3A_25 = arith.divsi %add3A_24, %div3A : i32
    %while3A = arith.constant 2 : i32
    %while3A_26 = arith.constant 0 : i32
    %while3A_27 = arith.constant 0 : i32
    %while3A_28 = arith.subi %div3A_25, %while3A_27 : i32
    %while3A_29 = arith.addi %while3A_27, %while3A_28 : i32
    %while3A_30 = arith.constant 1 : i32
    %while3A_31 = arith.divsi %while3A_28, %while3A_30 : i32
    %while3A_32 = arith.muli %while3A_31, %while3A_30 : i32
    %while3A_33 = arith.addi %while3A_27, %while3A_32 : i32
    %while3A_34 = arith.constant 1 : i32
    scf.for %while3A_37 = %while3A_27 to %while3A_33 step %while3A_34  : i32 {
      %mul3A_38 = arith.muli %while3A_37, %while3A : i32
      %add3A_39 = arith.addi %while3A_26, %mul3A_38 : i32
      %add3A_40 = arith.constant 1 : i32
      %add3A_41 = arith.addi %add3A_39, %add3A_40 : i32
      %dma_start3A_42 = arith.constant 0 : i32
      %dma_start3A_43 = tpu.memref_slice %arg7[%add3A_41, %dma_start3A_42] : memref<80x128xi32, #tpu.memory_space<vmem>> -> memref<1x128xi32, #tpu.memory_space<vmem>>
      %dma_start3A_44 = tpu.memref_squeeze %dma_start3A_43 : memref<1x128xi32, #tpu.memory_space<vmem>> -> memref<128xi32, #tpu.memory_space<vmem>>
      %dma_start3A_45 = arith.constant 0 : i32
      %dma_start3A_46 = arith.constant 0 : i32
      %dma_start3A_47 = tpu.memref_slice %arg12[%dma_start3A_45, %dma_start3A_46] : memref<10000x8xf32, #tpu.memory_space<vmem_shared>> -> memref<10000x8xf32, #tpu.memory_space<vmem_shared>>
      tpu.enqueue_indirect_dma source(%dma_start3A_47 : memref<10000x8xf32, #tpu.memory_space<vmem_shared>>) target(%arg10 : memref<128x8xf32, #tpu.memory_space<vmem>>) offsets(%dma_start3A_44 : memref<128xi32, #tpu.memory_space<vmem>>) semaphore(%arg14 : memref<!tpu.dma_semaphore, #tpu.memory_space<semaphore_mem>>)
      %dma_wait3A = arith.constant 0 : i32
      %dma_wait3A_48 = tpu.memref_slice %arg7[%add3A_39, %dma_wait3A] : memref<80x128xi32, #tpu.memory_space<vmem>> -> memref<1x128xi32, #tpu.memory_space<vmem>>
      %dma_wait3A_49 = tpu.memref_squeeze %dma_wait3A_48 : memref<1x128xi32, #tpu.memory_space<vmem>> -> memref<128xi32, #tpu.memory_space<vmem>>
      %dma_wait3A_50 = arith.constant 0 : i32
      %dma_wait3A_51 = arith.constant 0 : i32
      %dma_wait3A_52 = tpu.memref_slice %arg12[%dma_wait3A_50, %dma_wait3A_51] : memref<10000x8xf32, #tpu.memory_space<vmem_shared>> -> memref<10000x8xf32, #tpu.memory_space<vmem_shared>>
      tpu.wait_indirect_dma semaphore(%arg13 : memref<!tpu.dma_semaphore, #tpu.memory_space<semaphore_mem>>) src(%dma_wait3A_52 : memref<10000x8xf32, #tpu.memory_space<vmem_shared>>) dst(%arg9 : memref<128x8xf32, #tpu.memory_space<vmem>>)
      "tpu.region"() ({
        %run_scoped3A = tpu.sem_alloc : memref<!tpu.dma_semaphore, #tpu.memory_space<semaphore_mem>>
        %dma_start3A_66 = arith.constant 0 : i32
        %dma_start3A_67 = tpu.memref_slice %arg8[%add3A_39, %dma_start3A_66] : memref<80x128xi32, #tpu.memory_space<vmem>> -> memref<1x128xi32, #tpu.memory_space<vmem>>
        %dma_start3A_68 = tpu.memref_squeeze %dma_start3A_67 : memref<1x128xi32, #tpu.memory_space<vmem>> -> memref<128xi32, #tpu.memory_space<vmem>>
        %dma_start3A_69 = arith.constant 0 : i32
        %dma_start3A_70 = arith.constant 0 : i32
        %dma_start3A_71 = tpu.memref_slice %arg11[%dma_start3A_69, %dma_start3A_70] : memref<10240x8xf32, #tpu.memory_space<vmem_shared>> -> memref<10240x8xf32, #tpu.memory_space<vmem_shared>>
        tpu.enqueue_indirect_dma source(%arg9 : memref<128x8xf32, #tpu.memory_space<vmem>>) target(%dma_start3A_71 : memref<10240x8xf32, #tpu.memory_space<vmem_shared>>) offsets(%dma_start3A_68 : memref<128xi32, #tpu.memory_space<vmem>>) semaphore(%run_scoped3A : memref<!tpu.dma_semaphore, #tpu.memory_space<semaphore_mem>>) {add = true}
        %dma_wait3A_72 = arith.constant 0 : i32
        %dma_wait3A_73 = tpu.memref_slice %arg8[%add3A_39, %dma_wait3A_72] : memref<80x128xi32, #tpu.memory_space<vmem>> -> memref<1x128xi32, #tpu.memory_space<vmem>>
        %dma_wait3A_74 = tpu.memref_squeeze %dma_wait3A_73 : memref<1x128xi32, #tpu.memory_space<vmem>> -> memref<128xi32, #tpu.memory_space<vmem>>
        %dma_wait3A_75 = arith.constant 0 : i32
        %dma_wait3A_76 = arith.constant 0 : i32
        %dma_wait3A_77 = tpu.memref_slice %arg11[%dma_wait3A_75, %dma_wait3A_76] : memref<10240x8xf32, #tpu.memory_space<vmem_shared>> -> memref<10240x8xf32, #tpu.memory_space<vmem_shared>>
        tpu.wait_indirect_dma semaphore(%run_scoped3A : memref<!tpu.dma_semaphore, #tpu.memory_space<semaphore_mem>>) src(%arg9 : memref<128x8xf32, #tpu.memory_space<vmem>>) dst(%dma_wait3A_77 : memref<10240x8xf32, #tpu.memory_space<vmem_shared>>)
        tpu.yield
      }) : () -> ()
      %add3A_53 = arith.constant 2 : i32
      %add3A_54 = arith.addi %add3A_39, %add3A_53 : i32
      %lt3A = arith.cmpi slt, %add3A_54, %select_n3A_2 : i32
      %convert_element_type3A = arith.extui %lt3A : i1 to i32
      %cond3A = arith.constant 0 : i32
      %cond3A_55 = arith.cmpi ne, %convert_element_type3A, %cond3A : i32
      scf.if %cond3A_55 {
        %add3A_66 = arith.constant 2 : i32
        %add3A_67 = arith.addi %add3A_39, %add3A_66 : i32
        %dma_start3A_68 = arith.constant 0 : i32
        %dma_start3A_69 = tpu.memref_slice %arg7[%add3A_67, %dma_start3A_68] : memref<80x128xi32, #tpu.memory_space<vmem>> -> memref<1x128xi32, #tpu.memory_space<vmem>>
        %dma_start3A_70 = tpu.memref_squeeze %dma_start3A_69 : memref<1x128xi32, #tpu.memory_space<vmem>> -> memref<128xi32, #tpu.memory_space<vmem>>
        %dma_start3A_71 = arith.constant 0 : i32
        %dma_start3A_72 = arith.constant 0 : i32
        %dma_start3A_73 = tpu.memref_slice %arg12[%dma_start3A_71, %dma_start3A_72] : memref<10000x8xf32, #tpu.memory_space<vmem_shared>> -> memref<10000x8xf32, #tpu.memory_space<vmem_shared>>
        tpu.enqueue_indirect_dma source(%dma_start3A_73 : memref<10000x8xf32, #tpu.memory_space<vmem_shared>>) target(%arg9 : memref<128x8xf32, #tpu.memory_space<vmem>>) offsets(%dma_start3A_70 : memref<128xi32, #tpu.memory_space<vmem>>) semaphore(%arg13 : memref<!tpu.dma_semaphore, #tpu.memory_space<semaphore_mem>>)
      } else {
      }
      %add3A_56 = arith.constant 1 : i32
      %add3A_57 = arith.addi %add3A_39, %add3A_56 : i32
      %dma_wait3A_58 = arith.constant 0 : i32
      %dma_wait3A_59 = tpu.memref_slice %arg7[%add3A_57, %dma_wait3A_58] : memref<80x128xi32, #tpu.memory_space<vmem>> -> memref<1x128xi32, #tpu.memory_space<vmem>>
      %dma_wait3A_60 = tpu.memref_squeeze %dma_wait3A_59 : memref<1x128xi32, #tpu.memory_space<vmem>> -> memref<128xi32, #tpu.memory_space<vmem>>
      %dma_wait3A_61 = arith.constant 0 : i32
      %dma_wait3A_62 = arith.constant 0 : i32
      %dma_wait3A_63 = tpu.memref_slice %arg12[%dma_wait3A_61, %dma_wait3A_62] : memref<10000x8xf32, #tpu.memory_space<vmem_shared>> -> memref<10000x8xf32, #tpu.memory_space<vmem_shared>>
      tpu.wait_indirect_dma semaphore(%arg14 : memref<!tpu.dma_semaphore, #tpu.memory_space<semaphore_mem>>) src(%dma_wait3A_63 : memref<10000x8xf32, #tpu.memory_space<vmem_shared>>) dst(%arg10 : memref<128x8xf32, #tpu.memory_space<vmem>>)
      %add3A_64 = arith.constant 1 : i32
      %add3A_65 = arith.addi %add3A_39, %add3A_64 : i32
      "tpu.region"() ({
        %run_scoped3A = tpu.sem_alloc : memref<!tpu.dma_semaphore, #tpu.memory_space<semaphore_mem>>
        %dma_start3A_66 = arith.constant 0 : i32
        %dma_start3A_67 = tpu.memref_slice %arg8[%add3A_65, %dma_start3A_66] : memref<80x128xi32, #tpu.memory_space<vmem>> -> memref<1x128xi32, #tpu.memory_space<vmem>>
        %dma_start3A_68 = tpu.memref_squeeze %dma_start3A_67 : memref<1x128xi32, #tpu.memory_space<vmem>> -> memref<128xi32, #tpu.memory_space<vmem>>
        %dma_start3A_69 = arith.constant 0 : i32
        %dma_start3A_70 = arith.constant 0 : i32
        %dma_start3A_71 = tpu.memref_slice %arg11[%dma_start3A_69, %dma_start3A_70] : memref<10240x8xf32, #tpu.memory_space<vmem_shared>> -> memref<10240x8xf32, #tpu.memory_space<vmem_shared>>
        tpu.enqueue_indirect_dma source(%arg10 : memref<128x8xf32, #tpu.memory_space<vmem>>) target(%dma_start3A_71 : memref<10240x8xf32, #tpu.memory_space<vmem_shared>>) offsets(%dma_start3A_68 : memref<128xi32, #tpu.memory_space<vmem>>) semaphore(%run_scoped3A : memref<!tpu.dma_semaphore, #tpu.memory_space<semaphore_mem>>) {add = true}
        %dma_wait3A_72 = arith.constant 0 : i32
        %dma_wait3A_73 = tpu.memref_slice %arg8[%add3A_65, %dma_wait3A_72] : memref<80x128xi32, #tpu.memory_space<vmem>> -> memref<1x128xi32, #tpu.memory_space<vmem>>
        %dma_wait3A_74 = tpu.memref_squeeze %dma_wait3A_73 : memref<1x128xi32, #tpu.memory_space<vmem>> -> memref<128xi32, #tpu.memory_space<vmem>>
        %dma_wait3A_75 = arith.constant 0 : i32
        %dma_wait3A_76 = arith.constant 0 : i32
        %dma_wait3A_77 = tpu.memref_slice %arg11[%dma_wait3A_75, %dma_wait3A_76] : memref<10240x8xf32, #tpu.memory_space<vmem_shared>> -> memref<10240x8xf32, #tpu.memory_space<vmem_shared>>
        tpu.wait_indirect_dma semaphore(%run_scoped3A : memref<!tpu.dma_semaphore, #tpu.memory_space<semaphore_mem>>) src(%arg10 : memref<128x8xf32, #tpu.memory_space<vmem>>) dst(%dma_wait3A_77 : memref<10240x8xf32, #tpu.memory_space<vmem_shared>>)
        tpu.yield
      }) : () -> ()
    }
    %while3A_35 = arith.constant 1 : i32
    scf.for %while3A_37 = %while3A_33 to %while3A_29 step %while3A_35  : i32 {
      %mul3A_38 = arith.muli %while3A_37, %while3A : i32
      %add3A_39 = arith.addi %while3A_26, %mul3A_38 : i32
      %add3A_40 = arith.constant 1 : i32
      %add3A_41 = arith.addi %add3A_39, %add3A_40 : i32
      %dma_start3A_42 = arith.constant 0 : i32
      %dma_start3A_43 = tpu.memref_slice %arg7[%add3A_41, %dma_start3A_42] : memref<80x128xi32, #tpu.memory_space<vmem>> -> memref<1x128xi32, #tpu.memory_space<vmem>>
      %dma_start3A_44 = tpu.memref_squeeze %dma_start3A_43 : memref<1x128xi32, #tpu.memory_space<vmem>> -> memref<128xi32, #tpu.memory_space<vmem>>
      %dma_start3A_45 = arith.constant 0 : i32
      %dma_start3A_46 = arith.constant 0 : i32
      %dma_start3A_47 = tpu.memref_slice %arg12[%dma_start3A_45, %dma_start3A_46] : memref<10000x8xf32, #tpu.memory_space<vmem_shared>> -> memref<10000x8xf32, #tpu.memory_space<vmem_shared>>
      tpu.enqueue_indirect_dma source(%dma_start3A_47 : memref<10000x8xf32, #tpu.memory_space<vmem_shared>>) target(%arg10 : memref<128x8xf32, #tpu.memory_space<vmem>>) offsets(%dma_start3A_44 : memref<128xi32, #tpu.memory_space<vmem>>) semaphore(%arg14 : memref<!tpu.dma_semaphore, #tpu.memory_space<semaphore_mem>>)
      %dma_wait3A = arith.constant 0 : i32
      %dma_wait3A_48 = tpu.memref_slice %arg7[%add3A_39, %dma_wait3A] : memref<80x128xi32, #tpu.memory_space<vmem>> -> memref<1x128xi32, #tpu.memory_space<vmem>>
      %dma_wait3A_49 = tpu.memref_squeeze %dma_wait3A_48 : memref<1x128xi32, #tpu.memory_space<vmem>> -> memref<128xi32, #tpu.memory_space<vmem>>
      %dma_wait3A_50 = arith.constant 0 : i32
      %dma_wait3A_51 = arith.constant 0 : i32
      %dma_wait3A_52 = tpu.memref_slice %arg12[%dma_wait3A_50, %dma_wait3A_51] : memref<10000x8xf32, #tpu.memory_space<vmem_shared>> -> memref<10000x8xf32, #tpu.memory_space<vmem_shared>>
      tpu.wait_indirect_dma semaphore(%arg13 : memref<!tpu.dma_semaphore, #tpu.memory_space<semaphore_mem>>) src(%dma_wait3A_52 : memref<10000x8xf32, #tpu.memory_space<vmem_shared>>) dst(%arg9 : memref<128x8xf32, #tpu.memory_space<vmem>>)
      "tpu.region"() ({
        %run_scoped3A = tpu.sem_alloc : memref<!tpu.dma_semaphore, #tpu.memory_space<semaphore_mem>>
        %dma_start3A_66 = arith.constant 0 : i32
        %dma_start3A_67 = tpu.memref_slice %arg8[%add3A_39, %dma_start3A_66] : memref<80x128xi32, #tpu.memory_space<vmem>> -> memref<1x128xi32, #tpu.memory_space<vmem>>
        %dma_start3A_68 = tpu.memref_squeeze %dma_start3A_67 : memref<1x128xi32, #tpu.memory_space<vmem>> -> memref<128xi32, #tpu.memory_space<vmem>>
        %dma_start3A_69 = arith.constant 0 : i32
        %dma_start3A_70 = arith.constant 0 : i32
        %dma_start3A_71 = tpu.memref_slice %arg11[%dma_start3A_69, %dma_start3A_70] : memref<10240x8xf32, #tpu.memory_space<vmem_shared>> -> memref<10240x8xf32, #tpu.memory_space<vmem_shared>>
        tpu.enqueue_indirect_dma source(%arg9 : memref<128x8xf32, #tpu.memory_space<vmem>>) target(%dma_start3A_71 : memref<10240x8xf32, #tpu.memory_space<vmem_shared>>) offsets(%dma_start3A_68 : memref<128xi32, #tpu.memory_space<vmem>>) semaphore(%run_scoped3A : memref<!tpu.dma_semaphore, #tpu.memory_space<semaphore_mem>>) {add = true}
        %dma_wait3A_72 = arith.constant 0 : i32
        %dma_wait3A_73 = tpu.memref_slice %arg8[%add3A_39, %dma_wait3A_72] : memref<80x128xi32, #tpu.memory_space<vmem>> -> memref<1x128xi32, #tpu.memory_space<vmem>>
        %dma_wait3A_74 = tpu.memref_squeeze %dma_wait3A_73 : memref<1x128xi32, #tpu.memory_space<vmem>> -> memref<128xi32, #tpu.memory_space<vmem>>
        %dma_wait3A_75 = arith.constant 0 : i32
        %dma_wait3A_76 = arith.constant 0 : i32
        %dma_wait3A_77 = tpu.memref_slice %arg11[%dma_wait3A_75, %dma_wait3A_76] : memref<10240x8xf32, #tpu.memory_space<vmem_shared>> -> memref<10240x8xf32, #tpu.memory_space<vmem_shared>>
        tpu.wait_indirect_dma semaphore(%run_scoped3A : memref<!tpu.dma_semaphore, #tpu.memory_space<semaphore_mem>>) src(%arg9 : memref<128x8xf32, #tpu.memory_space<vmem>>) dst(%dma_wait3A_77 : memref<10240x8xf32, #tpu.memory_space<vmem_shared>>)
        tpu.yield
      }) : () -> ()
      %add3A_53 = arith.constant 2 : i32
      %add3A_54 = arith.addi %add3A_39, %add3A_53 : i32
      %lt3A = arith.cmpi slt, %add3A_54, %select_n3A_2 : i32
      %convert_element_type3A = arith.extui %lt3A : i1 to i32
      %cond3A = arith.constant 0 : i32
      %cond3A_55 = arith.cmpi ne, %convert_element_type3A, %cond3A : i32
      scf.if %cond3A_55 {
        %add3A_66 = arith.constant 2 : i32
        %add3A_67 = arith.addi %add3A_39, %add3A_66 : i32
        %dma_start3A_68 = arith.constant 0 : i32
        %dma_start3A_69 = tpu.memref_slice %arg7[%add3A_67, %dma_start3A_68] : memref<80x128xi32, #tpu.memory_space<vmem>> -> memref<1x128xi32, #tpu.memory_space<vmem>>
        %dma_start3A_70 = tpu.memref_squeeze %dma_start3A_69 : memref<1x128xi32, #tpu.memory_space<vmem>> -> memref<128xi32, #tpu.memory_space<vmem>>
        %dma_start3A_71 = arith.constant 0 : i32
        %dma_start3A_72 = arith.constant 0 : i32
        %dma_start3A_73 = tpu.memref_slice %arg12[%dma_start3A_71, %dma_start3A_72] : memref<10000x8xf32, #tpu.memory_space<vmem_shared>> -> memref<10000x8xf32, #tpu.memory_space<vmem_shared>>
        tpu.enqueue_indirect_dma source(%dma_start3A_73 : memref<10000x8xf32, #tpu.memory_space<vmem_shared>>) target(%arg9 : memref<128x8xf32, #tpu.memory_space<vmem>>) offsets(%dma_start3A_70 : memref<128xi32, #tpu.memory_space<vmem>>) semaphore(%arg13 : memref<!tpu.dma_semaphore, #tpu.memory_space<semaphore_mem>>)
      } else {
      }
      %add3A_56 = arith.constant 1 : i32
      %add3A_57 = arith.addi %add3A_39, %add3A_56 : i32
      %dma_wait3A_58 = arith.constant 0 : i32
      %dma_wait3A_59 = tpu.memref_slice %arg7[%add3A_57, %dma_wait3A_58] : memref<80x128xi32, #tpu.memory_space<vmem>> -> memref<1x128xi32, #tpu.memory_space<vmem>>
      %dma_wait3A_60 = tpu.memref_squeeze %dma_wait3A_59 : memref<1x128xi32, #tpu.memory_space<vmem>> -> memref<128xi32, #tpu.memory_space<vmem>>
      %dma_wait3A_61 = arith.constant 0 : i32
      %dma_wait3A_62 = arith.constant 0 : i32
      %dma_wait3A_63 = tpu.memref_slice %arg12[%dma_wait3A_61, %dma_wait3A_62] : memref<10000x8xf32, #tpu.memory_space<vmem_shared>> -> memref<10000x8xf32, #tpu.memory_space<vmem_shared>>
      tpu.wait_indirect_dma semaphore(%arg14 : memref<!tpu.dma_semaphore, #tpu.memory_space<semaphore_mem>>) src(%dma_wait3A_63 : memref<10000x8xf32, #tpu.memory_space<vmem_shared>>) dst(%arg10 : memref<128x8xf32, #tpu.memory_space<vmem>>)
      %add3A_64 = arith.constant 1 : i32
      %add3A_65 = arith.addi %add3A_39, %add3A_64 : i32
      "tpu.region"() ({
        %run_scoped3A = tpu.sem_alloc : memref<!tpu.dma_semaphore, #tpu.memory_space<semaphore_mem>>
        %dma_start3A_66 = arith.constant 0 : i32
        %dma_start3A_67 = tpu.memref_slice %arg8[%add3A_65, %dma_start3A_66] : memref<80x128xi32, #tpu.memory_space<vmem>> -> memref<1x128xi32, #tpu.memory_space<vmem>>
        %dma_start3A_68 = tpu.memref_squeeze %dma_start3A_67 : memref<1x128xi32, #tpu.memory_space<vmem>> -> memref<128xi32, #tpu.memory_space<vmem>>
        %dma_start3A_69 = arith.constant 0 : i32
        %dma_start3A_70 = arith.constant 0 : i32
        %dma_start3A_71 = tpu.memref_slice %arg11[%dma_start3A_69, %dma_start3A_70] : memref<10240x8xf32, #tpu.memory_space<vmem_shared>> -> memref<10240x8xf32, #tpu.memory_space<vmem_shared>>
        tpu.enqueue_indirect_dma source(%arg10 : memref<128x8xf32, #tpu.memory_space<vmem>>) target(%dma_start3A_71 : memref<10240x8xf32, #tpu.memory_space<vmem_shared>>) offsets(%dma_start3A_68 : memref<128xi32, #tpu.memory_space<vmem>>) semaphore(%run_scoped3A : memref<!tpu.dma_semaphore, #tpu.memory_space<semaphore_mem>>) {add = true}
        %dma_wait3A_72 = arith.constant 0 : i32
        %dma_wait3A_73 = tpu.memref_slice %arg8[%add3A_65, %dma_wait3A_72] : memref<80x128xi32, #tpu.memory_space<vmem>> -> memref<1x128xi32, #tpu.memory_space<vmem>>
        %dma_wait3A_74 = tpu.memref_squeeze %dma_wait3A_73 : memref<1x128xi32, #tpu.memory_space<vmem>> -> memref<128xi32, #tpu.memory_space<vmem>>
        %dma_wait3A_75 = arith.constant 0 : i32
        %dma_wait3A_76 = arith.constant 0 : i32
        %dma_wait3A_77 = tpu.memref_slice %arg11[%dma_wait3A_75, %dma_wait3A_76] : memref<10240x8xf32, #tpu.memory_space<vmem_shared>> -> memref<10240x8xf32, #tpu.memory_space<vmem_shared>>
        tpu.wait_indirect_dma semaphore(%run_scoped3A : memref<!tpu.dma_semaphore, #tpu.memory_space<semaphore_mem>>) src(%arg10 : memref<128x8xf32, #tpu.memory_space<vmem>>) dst(%dma_wait3A_77 : memref<10240x8xf32, #tpu.memory_space<vmem_shared>>)
        tpu.yield
      }) : () -> ()
    }
    %barrier3A_36 = arith.constant 0 : index
    tpu.barrier barrier_id(%barrier3A_36)
    "tpu.region"() ({
      %run_scoped3A = tpu.sem_alloc : memref<!tpu.dma_semaphore, #tpu.memory_space<semaphore_mem>>
      %dma_start3A_37 = arith.constant 0 : i32
      %dma_start3A_38 = tpu.memref_slice %arg6[%arg0, %mul3A_9, %dma_start3A_37] : memref<2x10240x8xf32, #tpu.memory_space<hbm>> -> memref<1x640x8xf32, #tpu.memory_space<hbm>>
      %dma_start3A_39 = tpu.memref_squeeze %dma_start3A_38 : memref<1x640x8xf32, #tpu.memory_space<hbm>> -> memref<640x8xf32, #tpu.memory_space<hbm>>
      %dma_start3A_40 = arith.constant 0 : i32
      %dma_start3A_41 = tpu.memref_slice %arg11[%mul3A_9, %dma_start3A_40] : memref<10240x8xf32, #tpu.memory_space<vmem_shared>> -> memref<640x8xf32, #tpu.memory_space<vmem_shared>>
      tpu.enqueue_dma source(%dma_start3A_41 : memref<640x8xf32, #tpu.memory_space<vmem_shared>>) target(%dma_start3A_39 : memref<640x8xf32, #tpu.memory_space<hbm>>) target_semaphore(%run_scoped3A : memref<!tpu.dma_semaphore, #tpu.memory_space<semaphore_mem>>)
      %dma_wait3A = arith.constant 0 : i32
      %dma_wait3A_42 = tpu.memref_slice %arg6[%arg0, %mul3A_9, %dma_wait3A] : memref<2x10240x8xf32, #tpu.memory_space<hbm>> -> memref<1x640x8xf32, #tpu.memory_space<hbm>>
      %dma_wait3A_43 = tpu.memref_squeeze %dma_wait3A_42 : memref<1x640x8xf32, #tpu.memory_space<hbm>> -> memref<640x8xf32, #tpu.memory_space<hbm>>
      %dma_wait3A_44 = arith.constant 0 : i32
      %dma_wait3A_45 = tpu.memref_slice %arg11[%mul3A_9, %dma_wait3A_44] : memref<10240x8xf32, #tpu.memory_space<vmem_shared>> -> memref<640x8xf32, #tpu.memory_space<vmem_shared>>
      tpu.wait_dma2 semaphore(%run_scoped3A : memref<!tpu.dma_semaphore, #tpu.memory_space<semaphore_mem>>) src(%dma_wait3A_45 : memref<640x8xf32, #tpu.memory_space<vmem_shared>>) dst(%dma_wait3A_43 : memref<640x8xf32, #tpu.memory_space<hbm>>)
      tpu.yield
    }) : () -> ()
    return
  }
}

#map = affine_map<(d0, d1) -> (0, 0)>
#map1 = affine_map<(d0, d1) -> (0, 0, 0)>
module attributes {stable_mosaic.version = 14 : i64} {
  func.func @deg(%arg0: i32, %arg1: i32, %arg2: memref<128x8xf32, #tpu.memory_space<hbm>>, %arg3: memref<2592x128xi32, #tpu.memory_space<hbm>>, %arg4: memref<10240x8xf32, #tpu.memory_space<hbm>>, %arg5: memref<2x10240x8xf32, #tpu.memory_space<hbm>>, %arg6: memref<80x128xi32, #tpu.memory_space<vmem>>, %arg7: memref<128x8xf32, #tpu.memory_space<vmem>>, %arg8: memref<10240x8xf32, #tpu.memory_space<vmem_shared>>, %arg9: memref<!tpu.dma_semaphore, #tpu.memory_space<semaphore_mem>>, %arg10: memref<!tpu.dma_semaphore, #tpu.memory_space<semaphore_mem>>, %arg11: memref<!tpu.dma_semaphore, #tpu.memory_space<semaphore_mem>>, %arg12: memref<!tpu.dma_semaphore, #tpu.memory_space<semaphore_mem>>) attributes {dimension_semantics = [#tpu.dimension_semantics<core_parallel>, #tpu.dimension_semantics<subcore_parallel>], iteration_bounds = array<i64: 2, 16>, scalar_prefetch = 0 : i64, scratch_operands = 7 : i64, tpu.core_type = #tpu.core_type<sc_vector_subcore>, window_params = [{transform_indices = #map}, {transform_indices = #map}, {transform_indices = #map}, {transform_indices = #map1}]} {
    %eq3A = arith.constant 0 : i32
    %eq3A_0 = arith.cmpi eq, %arg0, %eq3A : i32
    %select_n3A = arith.constant 80 : i32
    %select_n3A_1 = arith.constant 80 : i32
    %select_n3A_2 = arith.select %eq3A_0, %select_n3A_1, %select_n3A : i32
    %mul3A = arith.constant 80 : i32
    %mul3A_3 = arith.muli %arg1, %mul3A : i32
    %mul3A_4 = arith.constant 80 : i32
    %mul3A_5 = arith.muli %arg1, %mul3A_4 : i32
    %add3A = arith.constant 1280 : i32
    %add3A_6 = arith.addi %add3A, %mul3A_5 : i32
    %select_n3A_7 = arith.select %eq3A_0, %mul3A_3, %add3A_6 : i32
    "tpu.region"() ({
      %run_scoped3A = tpu.sem_alloc : memref<!tpu.dma_semaphore, #tpu.memory_space<semaphore_mem>>
      %dma_start3A = arith.constant 0 : i32
      %dma_start3A_66 = tpu.memref_slice %arg3[%select_n3A_7, %dma_start3A] : memref<2592x128xi32, #tpu.memory_space<hbm>> -> memref<80x128xi32, #tpu.memory_space<hbm>>
      %dma_start3A_67 = arith.constant 0 : i32
      %dma_start3A_68 = tpu.memref_slice %arg3[%select_n3A_7, %dma_start3A_67] : memref<2592x128xi32, #tpu.memory_space<hbm>> -> memref<80x128xi32, #tpu.memory_space<hbm>>
      tpu.enqueue_dma source(%dma_start3A_68 : memref<80x128xi32, #tpu.memory_space<hbm>>) target(%arg6 : memref<80x128xi32, #tpu.memory_space<vmem>>) target_semaphore(%run_scoped3A : memref<!tpu.dma_semaphore, #tpu.memory_space<semaphore_mem>>)
      %dma_wait3A_69 = arith.constant 0 : i32
      %dma_wait3A_70 = tpu.memref_slice %arg3[%select_n3A_7, %dma_wait3A_69] : memref<2592x128xi32, #tpu.memory_space<hbm>> -> memref<80x128xi32, #tpu.memory_space<hbm>>
      %dma_wait3A_71 = arith.constant 0 : i32
      %dma_wait3A_72 = tpu.memref_slice %arg3[%select_n3A_7, %dma_wait3A_71] : memref<2592x128xi32, #tpu.memory_space<hbm>> -> memref<80x128xi32, #tpu.memory_space<hbm>>
      tpu.wait_dma2 semaphore(%run_scoped3A : memref<!tpu.dma_semaphore, #tpu.memory_space<semaphore_mem>>) src(%dma_wait3A_72 : memref<80x128xi32, #tpu.memory_space<hbm>>) dst(%arg6 : memref<80x128xi32, #tpu.memory_space<vmem>>)
      tpu.yield
    }) : () -> ()
    "tpu.region"() ({
      %run_scoped3A = tpu.sem_alloc : memref<!tpu.dma_semaphore, #tpu.memory_space<semaphore_mem>>
      tpu.enqueue_dma source(%arg2 : memref<128x8xf32, #tpu.memory_space<hbm>>) target(%arg7 : memref<128x8xf32, #tpu.memory_space<vmem>>) target_semaphore(%run_scoped3A : memref<!tpu.dma_semaphore, #tpu.memory_space<semaphore_mem>>)
      tpu.wait_dma2 semaphore(%run_scoped3A : memref<!tpu.dma_semaphore, #tpu.memory_space<semaphore_mem>>) src(%arg2 : memref<128x8xf32, #tpu.memory_space<hbm>>) dst(%arg7 : memref<128x8xf32, #tpu.memory_space<vmem>>)
      tpu.yield
    }) : () -> ()
    %mul3A_8 = arith.constant 640 : i32
    %mul3A_9 = arith.muli %arg1, %mul3A_8 : i32
    "tpu.region"() ({
      %run_scoped3A = tpu.sem_alloc : memref<!tpu.dma_semaphore, #tpu.memory_space<semaphore_mem>>
      %dma_start3A = arith.constant 0 : i32
      %dma_start3A_66 = tpu.memref_slice %arg8[%mul3A_9, %dma_start3A] : memref<10240x8xf32, #tpu.memory_space<vmem_shared>> -> memref<640x8xf32, #tpu.memory_space<vmem_shared>>
      %dma_start3A_67 = arith.constant 0 : i32
      %dma_start3A_68 = tpu.memref_slice %arg4[%mul3A_9, %dma_start3A_67] : memref<10240x8xf32, #tpu.memory_space<hbm>> -> memref<640x8xf32, #tpu.memory_space<hbm>>
      tpu.enqueue_dma source(%dma_start3A_68 : memref<640x8xf32, #tpu.memory_space<hbm>>) target(%dma_start3A_66 : memref<640x8xf32, #tpu.memory_space<vmem_shared>>) target_semaphore(%run_scoped3A : memref<!tpu.dma_semaphore, #tpu.memory_space<semaphore_mem>>)
      %dma_wait3A_69 = arith.constant 0 : i32
      %dma_wait3A_70 = tpu.memref_slice %arg8[%mul3A_9, %dma_wait3A_69] : memref<10240x8xf32, #tpu.memory_space<vmem_shared>> -> memref<640x8xf32, #tpu.memory_space<vmem_shared>>
      %dma_wait3A_71 = arith.constant 0 : i32
      %dma_wait3A_72 = tpu.memref_slice %arg4[%mul3A_9, %dma_wait3A_71] : memref<10240x8xf32, #tpu.memory_space<hbm>> -> memref<640x8xf32, #tpu.memory_space<hbm>>
      tpu.wait_dma2 semaphore(%run_scoped3A : memref<!tpu.dma_semaphore, #tpu.memory_space<semaphore_mem>>) src(%dma_wait3A_72 : memref<640x8xf32, #tpu.memory_space<hbm>>) dst(%dma_wait3A_70 : memref<640x8xf32, #tpu.memory_space<vmem_shared>>)
      tpu.yield
    }) : () -> ()
    %barrier3A = arith.constant 0 : index
    tpu.barrier barrier_id(%barrier3A)
    %sub3A = arith.constant 0 : i32
    %sub3A_10 = arith.subi %select_n3A_2, %sub3A : i32
    %sub3A_11 = arith.constant 4 : i32
    %sub3A_12 = arith.constant 1 : i32
    %sub3A_13 = arith.subi %sub3A_11, %sub3A_12 : i32
    %add3A_14 = arith.addi %sub3A_10, %sub3A_13 : i32
    %div3A = arith.constant 4 : i32
    %div3A_15 = arith.divsi %add3A_14, %div3A : i32
    %while3A = arith.constant 4 : i32
    %while3A_16 = arith.constant 0 : i32
    %while3A_17 = arith.constant 0 : i32
    %while3A_18 = arith.subi %div3A_15, %while3A_17 : i32
    %while3A_19 = arith.addi %while3A_17, %while3A_18 : i32
    %while3A_20 = arith.constant 1 : i32
    %while3A_21 = arith.divsi %while3A_18, %while3A_20 : i32
    %while3A_22 = arith.muli %while3A_21, %while3A_20 : i32
    %while3A_23 = arith.addi %while3A_17, %while3A_22 : i32
    %while3A_24 = arith.constant 1 : i32
    scf.for %while3A_66 = %while3A_17 to %while3A_23 step %while3A_24  : i32 {
      %mul3A_67 = arith.muli %while3A_66, %while3A : i32
      %add3A_68 = arith.addi %while3A_16, %mul3A_67 : i32
      %add3A_69 = arith.constant 0 : i32
      %add3A_70 = arith.addi %add3A_68, %add3A_69 : i32
      %ge3A = arith.constant 4 : i32
      %ge3A_71 = arith.cmpi sge, %add3A_70, %ge3A : i32
      %convert_element_type3A = arith.extui %ge3A_71 : i1 to i32
      %cond3A = arith.constant 0 : i32
      %cond3A_72 = arith.cmpi ne, %convert_element_type3A, %cond3A : i32
      scf.if %cond3A_72 {
        %sub3A_117 = arith.constant 4 : i32
        %sub3A_118 = arith.subi %add3A_70, %sub3A_117 : i32
        %dma_wait3A_119 = arith.constant 0 : i32
        %dma_wait3A_120 = tpu.memref_slice %arg6[%sub3A_118, %dma_wait3A_119] : memref<80x128xi32, #tpu.memory_space<vmem>> -> memref<1x128xi32, #tpu.memory_space<vmem>>
        %dma_wait3A_121 = tpu.memref_squeeze %dma_wait3A_120 : memref<1x128xi32, #tpu.memory_space<vmem>> -> memref<128xi32, #tpu.memory_space<vmem>>
        %dma_wait3A_122 = arith.constant 0 : i32
        %dma_wait3A_123 = arith.constant 0 : i32
        %dma_wait3A_124 = tpu.memref_slice %arg8[%dma_wait3A_122, %dma_wait3A_123] : memref<10240x8xf32, #tpu.memory_space<vmem_shared>> -> memref<10240x8xf32, #tpu.memory_space<vmem_shared>>
        tpu.wait_indirect_dma semaphore(%arg9 : memref<!tpu.dma_semaphore, #tpu.memory_space<semaphore_mem>>) src(%arg7 : memref<128x8xf32, #tpu.memory_space<vmem>>) dst(%dma_wait3A_124 : memref<10240x8xf32, #tpu.memory_space<vmem_shared>>)
      } else {
      }
      %dma_start3A = arith.constant 0 : i32
      %dma_start3A_73 = tpu.memref_slice %arg6[%add3A_70, %dma_start3A] : memref<80x128xi32, #tpu.memory_space<vmem>> -> memref<1x128xi32, #tpu.memory_space<vmem>>
      %dma_start3A_74 = tpu.memref_squeeze %dma_start3A_73 : memref<1x128xi32, #tpu.memory_space<vmem>> -> memref<128xi32, #tpu.memory_space<vmem>>
      %dma_start3A_75 = arith.constant 0 : i32
      %dma_start3A_76 = arith.constant 0 : i32
      %dma_start3A_77 = tpu.memref_slice %arg8[%dma_start3A_75, %dma_start3A_76] : memref<10240x8xf32, #tpu.memory_space<vmem_shared>> -> memref<10240x8xf32, #tpu.memory_space<vmem_shared>>
      tpu.enqueue_indirect_dma source(%arg7 : memref<128x8xf32, #tpu.memory_space<vmem>>) target(%dma_start3A_77 : memref<10240x8xf32, #tpu.memory_space<vmem_shared>>) offsets(%dma_start3A_74 : memref<128xi32, #tpu.memory_space<vmem>>) semaphore(%arg9 : memref<!tpu.dma_semaphore, #tpu.memory_space<semaphore_mem>>) {add = true}
      %add3A_78 = arith.constant 1 : i32
      %add3A_79 = arith.addi %add3A_68, %add3A_78 : i32
      %ge3A_80 = arith.constant 4 : i32
      %ge3A_81 = arith.cmpi sge, %add3A_79, %ge3A_80 : i32
      %convert_element_type3A_82 = arith.extui %ge3A_81 : i1 to i32
      %cond3A_83 = arith.constant 0 : i32
      %cond3A_84 = arith.cmpi ne, %convert_element_type3A_82, %cond3A_83 : i32
      scf.if %cond3A_84 {
        %sub3A_117 = arith.constant 4 : i32
        %sub3A_118 = arith.subi %add3A_79, %sub3A_117 : i32
        %dma_wait3A_119 = arith.constant 0 : i32
        %dma_wait3A_120 = tpu.memref_slice %arg6[%sub3A_118, %dma_wait3A_119] : memref<80x128xi32, #tpu.memory_space<vmem>> -> memref<1x128xi32, #tpu.memory_space<vmem>>
        %dma_wait3A_121 = tpu.memref_squeeze %dma_wait3A_120 : memref<1x128xi32, #tpu.memory_space<vmem>> -> memref<128xi32, #tpu.memory_space<vmem>>
        %dma_wait3A_122 = arith.constant 0 : i32
        %dma_wait3A_123 = arith.constant 0 : i32
        %dma_wait3A_124 = tpu.memref_slice %arg8[%dma_wait3A_122, %dma_wait3A_123] : memref<10240x8xf32, #tpu.memory_space<vmem_shared>> -> memref<10240x8xf32, #tpu.memory_space<vmem_shared>>
        tpu.wait_indirect_dma semaphore(%arg10 : memref<!tpu.dma_semaphore, #tpu.memory_space<semaphore_mem>>) src(%arg7 : memref<128x8xf32, #tpu.memory_space<vmem>>) dst(%dma_wait3A_124 : memref<10240x8xf32, #tpu.memory_space<vmem_shared>>)
      } else {
      }
      %dma_start3A_85 = arith.constant 0 : i32
      %dma_start3A_86 = tpu.memref_slice %arg6[%add3A_79, %dma_start3A_85] : memref<80x128xi32, #tpu.memory_space<vmem>> -> memref<1x128xi32, #tpu.memory_space<vmem>>
      %dma_start3A_87 = tpu.memref_squeeze %dma_start3A_86 : memref<1x128xi32, #tpu.memory_space<vmem>> -> memref<128xi32, #tpu.memory_space<vmem>>
      %dma_start3A_88 = arith.constant 0 : i32
      %dma_start3A_89 = arith.constant 0 : i32
      %dma_start3A_90 = tpu.memref_slice %arg8[%dma_start3A_88, %dma_start3A_89] : memref<10240x8xf32, #tpu.memory_space<vmem_shared>> -> memref<10240x8xf32, #tpu.memory_space<vmem_shared>>
      tpu.enqueue_indirect_dma source(%arg7 : memref<128x8xf32, #tpu.memory_space<vmem>>) target(%dma_start3A_90 : memref<10240x8xf32, #tpu.memory_space<vmem_shared>>) offsets(%dma_start3A_87 : memref<128xi32, #tpu.memory_space<vmem>>) semaphore(%arg10 : memref<!tpu.dma_semaphore, #tpu.memory_space<semaphore_mem>>) {add = true}
      %add3A_91 = arith.constant 2 : i32
      %add3A_92 = arith.addi %add3A_68, %add3A_91 : i32
      %ge3A_93 = arith.constant 4 : i32
      %ge3A_94 = arith.cmpi sge, %add3A_92, %ge3A_93 : i32
      %convert_element_type3A_95 = arith.extui %ge3A_94 : i1 to i32
      %cond3A_96 = arith.constant 0 : i32
      %cond3A_97 = arith.cmpi ne, %convert_element_type3A_95, %cond3A_96 : i32
      scf.if %cond3A_97 {
        %sub3A_117 = arith.constant 4 : i32
        %sub3A_118 = arith.subi %add3A_92, %sub3A_117 : i32
        %dma_wait3A_119 = arith.constant 0 : i32
        %dma_wait3A_120 = tpu.memref_slice %arg6[%sub3A_118, %dma_wait3A_119] : memref<80x128xi32, #tpu.memory_space<vmem>> -> memref<1x128xi32, #tpu.memory_space<vmem>>
        %dma_wait3A_121 = tpu.memref_squeeze %dma_wait3A_120 : memref<1x128xi32, #tpu.memory_space<vmem>> -> memref<128xi32, #tpu.memory_space<vmem>>
        %dma_wait3A_122 = arith.constant 0 : i32
        %dma_wait3A_123 = arith.constant 0 : i32
        %dma_wait3A_124 = tpu.memref_slice %arg8[%dma_wait3A_122, %dma_wait3A_123] : memref<10240x8xf32, #tpu.memory_space<vmem_shared>> -> memref<10240x8xf32, #tpu.memory_space<vmem_shared>>
        tpu.wait_indirect_dma semaphore(%arg11 : memref<!tpu.dma_semaphore, #tpu.memory_space<semaphore_mem>>) src(%arg7 : memref<128x8xf32, #tpu.memory_space<vmem>>) dst(%dma_wait3A_124 : memref<10240x8xf32, #tpu.memory_space<vmem_shared>>)
      } else {
      }
      %dma_start3A_98 = arith.constant 0 : i32
      %dma_start3A_99 = tpu.memref_slice %arg6[%add3A_92, %dma_start3A_98] : memref<80x128xi32, #tpu.memory_space<vmem>> -> memref<1x128xi32, #tpu.memory_space<vmem>>
      %dma_start3A_100 = tpu.memref_squeeze %dma_start3A_99 : memref<1x128xi32, #tpu.memory_space<vmem>> -> memref<128xi32, #tpu.memory_space<vmem>>
      %dma_start3A_101 = arith.constant 0 : i32
      %dma_start3A_102 = arith.constant 0 : i32
      %dma_start3A_103 = tpu.memref_slice %arg8[%dma_start3A_101, %dma_start3A_102] : memref<10240x8xf32, #tpu.memory_space<vmem_shared>> -> memref<10240x8xf32, #tpu.memory_space<vmem_shared>>
      tpu.enqueue_indirect_dma source(%arg7 : memref<128x8xf32, #tpu.memory_space<vmem>>) target(%dma_start3A_103 : memref<10240x8xf32, #tpu.memory_space<vmem_shared>>) offsets(%dma_start3A_100 : memref<128xi32, #tpu.memory_space<vmem>>) semaphore(%arg11 : memref<!tpu.dma_semaphore, #tpu.memory_space<semaphore_mem>>) {add = true}
      %add3A_104 = arith.constant 3 : i32
      %add3A_105 = arith.addi %add3A_68, %add3A_104 : i32
      %ge3A_106 = arith.constant 4 : i32
      %ge3A_107 = arith.cmpi sge, %add3A_105, %ge3A_106 : i32
      %convert_element_type3A_108 = arith.extui %ge3A_107 : i1 to i32
      %cond3A_109 = arith.constant 0 : i32
      %cond3A_110 = arith.cmpi ne, %convert_element_type3A_108, %cond3A_109 : i32
      scf.if %cond3A_110 {
        %sub3A_117 = arith.constant 4 : i32
        %sub3A_118 = arith.subi %add3A_105, %sub3A_117 : i32
        %dma_wait3A_119 = arith.constant 0 : i32
        %dma_wait3A_120 = tpu.memref_slice %arg6[%sub3A_118, %dma_wait3A_119] : memref<80x128xi32, #tpu.memory_space<vmem>> -> memref<1x128xi32, #tpu.memory_space<vmem>>
        %dma_wait3A_121 = tpu.memref_squeeze %dma_wait3A_120 : memref<1x128xi32, #tpu.memory_space<vmem>> -> memref<128xi32, #tpu.memory_space<vmem>>
        %dma_wait3A_122 = arith.constant 0 : i32
        %dma_wait3A_123 = arith.constant 0 : i32
        %dma_wait3A_124 = tpu.memref_slice %arg8[%dma_wait3A_122, %dma_wait3A_123] : memref<10240x8xf32, #tpu.memory_space<vmem_shared>> -> memref<10240x8xf32, #tpu.memory_space<vmem_shared>>
        tpu.wait_indirect_dma semaphore(%arg12 : memref<!tpu.dma_semaphore, #tpu.memory_space<semaphore_mem>>) src(%arg7 : memref<128x8xf32, #tpu.memory_space<vmem>>) dst(%dma_wait3A_124 : memref<10240x8xf32, #tpu.memory_space<vmem_shared>>)
      } else {
      }
      %dma_start3A_111 = arith.constant 0 : i32
      %dma_start3A_112 = tpu.memref_slice %arg6[%add3A_105, %dma_start3A_111] : memref<80x128xi32, #tpu.memory_space<vmem>> -> memref<1x128xi32, #tpu.memory_space<vmem>>
      %dma_start3A_113 = tpu.memref_squeeze %dma_start3A_112 : memref<1x128xi32, #tpu.memory_space<vmem>> -> memref<128xi32, #tpu.memory_space<vmem>>
      %dma_start3A_114 = arith.constant 0 : i32
      %dma_start3A_115 = arith.constant 0 : i32
      %dma_start3A_116 = tpu.memref_slice %arg8[%dma_start3A_114, %dma_start3A_115] : memref<10240x8xf32, #tpu.memory_space<vmem_shared>> -> memref<10240x8xf32, #tpu.memory_space<vmem_shared>>
      tpu.enqueue_indirect_dma source(%arg7 : memref<128x8xf32, #tpu.memory_space<vmem>>) target(%dma_start3A_116 : memref<10240x8xf32, #tpu.memory_space<vmem_shared>>) offsets(%dma_start3A_113 : memref<128xi32, #tpu.memory_space<vmem>>) semaphore(%arg12 : memref<!tpu.dma_semaphore, #tpu.memory_space<semaphore_mem>>) {add = true}
    }
    %while3A_25 = arith.constant 1 : i32
    scf.for %while3A_66 = %while3A_23 to %while3A_19 step %while3A_25  : i32 {
      %mul3A_67 = arith.muli %while3A_66, %while3A : i32
      %add3A_68 = arith.addi %while3A_16, %mul3A_67 : i32
      %add3A_69 = arith.constant 0 : i32
      %add3A_70 = arith.addi %add3A_68, %add3A_69 : i32
      %ge3A = arith.constant 4 : i32
      %ge3A_71 = arith.cmpi sge, %add3A_70, %ge3A : i32
      %convert_element_type3A = arith.extui %ge3A_71 : i1 to i32
      %cond3A = arith.constant 0 : i32
      %cond3A_72 = arith.cmpi ne, %convert_element_type3A, %cond3A : i32
      scf.if %cond3A_72 {
        %sub3A_117 = arith.constant 4 : i32
        %sub3A_118 = arith.subi %add3A_70, %sub3A_117 : i32
        %dma_wait3A_119 = arith.constant 0 : i32
        %dma_wait3A_120 = tpu.memref_slice %arg6[%sub3A_118, %dma_wait3A_119] : memref<80x128xi32, #tpu.memory_space<vmem>> -> memref<1x128xi32, #tpu.memory_space<vmem>>
        %dma_wait3A_121 = tpu.memref_squeeze %dma_wait3A_120 : memref<1x128xi32, #tpu.memory_space<vmem>> -> memref<128xi32, #tpu.memory_space<vmem>>
        %dma_wait3A_122 = arith.constant 0 : i32
        %dma_wait3A_123 = arith.constant 0 : i32
        %dma_wait3A_124 = tpu.memref_slice %arg8[%dma_wait3A_122, %dma_wait3A_123] : memref<10240x8xf32, #tpu.memory_space<vmem_shared>> -> memref<10240x8xf32, #tpu.memory_space<vmem_shared>>
        tpu.wait_indirect_dma semaphore(%arg9 : memref<!tpu.dma_semaphore, #tpu.memory_space<semaphore_mem>>) src(%arg7 : memref<128x8xf32, #tpu.memory_space<vmem>>) dst(%dma_wait3A_124 : memref<10240x8xf32, #tpu.memory_space<vmem_shared>>)
      } else {
      }
      %dma_start3A = arith.constant 0 : i32
      %dma_start3A_73 = tpu.memref_slice %arg6[%add3A_70, %dma_start3A] : memref<80x128xi32, #tpu.memory_space<vmem>> -> memref<1x128xi32, #tpu.memory_space<vmem>>
      %dma_start3A_74 = tpu.memref_squeeze %dma_start3A_73 : memref<1x128xi32, #tpu.memory_space<vmem>> -> memref<128xi32, #tpu.memory_space<vmem>>
      %dma_start3A_75 = arith.constant 0 : i32
      %dma_start3A_76 = arith.constant 0 : i32
      %dma_start3A_77 = tpu.memref_slice %arg8[%dma_start3A_75, %dma_start3A_76] : memref<10240x8xf32, #tpu.memory_space<vmem_shared>> -> memref<10240x8xf32, #tpu.memory_space<vmem_shared>>
      tpu.enqueue_indirect_dma source(%arg7 : memref<128x8xf32, #tpu.memory_space<vmem>>) target(%dma_start3A_77 : memref<10240x8xf32, #tpu.memory_space<vmem_shared>>) offsets(%dma_start3A_74 : memref<128xi32, #tpu.memory_space<vmem>>) semaphore(%arg9 : memref<!tpu.dma_semaphore, #tpu.memory_space<semaphore_mem>>) {add = true}
      %add3A_78 = arith.constant 1 : i32
      %add3A_79 = arith.addi %add3A_68, %add3A_78 : i32
      %ge3A_80 = arith.constant 4 : i32
      %ge3A_81 = arith.cmpi sge, %add3A_79, %ge3A_80 : i32
      %convert_element_type3A_82 = arith.extui %ge3A_81 : i1 to i32
      %cond3A_83 = arith.constant 0 : i32
      %cond3A_84 = arith.cmpi ne, %convert_element_type3A_82, %cond3A_83 : i32
      scf.if %cond3A_84 {
        %sub3A_117 = arith.constant 4 : i32
        %sub3A_118 = arith.subi %add3A_79, %sub3A_117 : i32
        %dma_wait3A_119 = arith.constant 0 : i32
        %dma_wait3A_120 = tpu.memref_slice %arg6[%sub3A_118, %dma_wait3A_119] : memref<80x128xi32, #tpu.memory_space<vmem>> -> memref<1x128xi32, #tpu.memory_space<vmem>>
        %dma_wait3A_121 = tpu.memref_squeeze %dma_wait3A_120 : memref<1x128xi32, #tpu.memory_space<vmem>> -> memref<128xi32, #tpu.memory_space<vmem>>
        %dma_wait3A_122 = arith.constant 0 : i32
        %dma_wait3A_123 = arith.constant 0 : i32
        %dma_wait3A_124 = tpu.memref_slice %arg8[%dma_wait3A_122, %dma_wait3A_123] : memref<10240x8xf32, #tpu.memory_space<vmem_shared>> -> memref<10240x8xf32, #tpu.memory_space<vmem_shared>>
        tpu.wait_indirect_dma semaphore(%arg10 : memref<!tpu.dma_semaphore, #tpu.memory_space<semaphore_mem>>) src(%arg7 : memref<128x8xf32, #tpu.memory_space<vmem>>) dst(%dma_wait3A_124 : memref<10240x8xf32, #tpu.memory_space<vmem_shared>>)
      } else {
      }
      %dma_start3A_85 = arith.constant 0 : i32
      %dma_start3A_86 = tpu.memref_slice %arg6[%add3A_79, %dma_start3A_85] : memref<80x128xi32, #tpu.memory_space<vmem>> -> memref<1x128xi32, #tpu.memory_space<vmem>>
      %dma_start3A_87 = tpu.memref_squeeze %dma_start3A_86 : memref<1x128xi32, #tpu.memory_space<vmem>> -> memref<128xi32, #tpu.memory_space<vmem>>
      %dma_start3A_88 = arith.constant 0 : i32
      %dma_start3A_89 = arith.constant 0 : i32
      %dma_start3A_90 = tpu.memref_slice %arg8[%dma_start3A_88, %dma_start3A_89] : memref<10240x8xf32, #tpu.memory_space<vmem_shared>> -> memref<10240x8xf32, #tpu.memory_space<vmem_shared>>
      tpu.enqueue_indirect_dma source(%arg7 : memref<128x8xf32, #tpu.memory_space<vmem>>) target(%dma_start3A_90 : memref<10240x8xf32, #tpu.memory_space<vmem_shared>>) offsets(%dma_start3A_87 : memref<128xi32, #tpu.memory_space<vmem>>) semaphore(%arg10 : memref<!tpu.dma_semaphore, #tpu.memory_space<semaphore_mem>>) {add = true}
      %add3A_91 = arith.constant 2 : i32
      %add3A_92 = arith.addi %add3A_68, %add3A_91 : i32
      %ge3A_93 = arith.constant 4 : i32
      %ge3A_94 = arith.cmpi sge, %add3A_92, %ge3A_93 : i32
      %convert_element_type3A_95 = arith.extui %ge3A_94 : i1 to i32
      %cond3A_96 = arith.constant 0 : i32
      %cond3A_97 = arith.cmpi ne, %convert_element_type3A_95, %cond3A_96 : i32
      scf.if %cond3A_97 {
        %sub3A_117 = arith.constant 4 : i32
        %sub3A_118 = arith.subi %add3A_92, %sub3A_117 : i32
        %dma_wait3A_119 = arith.constant 0 : i32
        %dma_wait3A_120 = tpu.memref_slice %arg6[%sub3A_118, %dma_wait3A_119] : memref<80x128xi32, #tpu.memory_space<vmem>> -> memref<1x128xi32, #tpu.memory_space<vmem>>
        %dma_wait3A_121 = tpu.memref_squeeze %dma_wait3A_120 : memref<1x128xi32, #tpu.memory_space<vmem>> -> memref<128xi32, #tpu.memory_space<vmem>>
        %dma_wait3A_122 = arith.constant 0 : i32
        %dma_wait3A_123 = arith.constant 0 : i32
        %dma_wait3A_124 = tpu.memref_slice %arg8[%dma_wait3A_122, %dma_wait3A_123] : memref<10240x8xf32, #tpu.memory_space<vmem_shared>> -> memref<10240x8xf32, #tpu.memory_space<vmem_shared>>
        tpu.wait_indirect_dma semaphore(%arg11 : memref<!tpu.dma_semaphore, #tpu.memory_space<semaphore_mem>>) src(%arg7 : memref<128x8xf32, #tpu.memory_space<vmem>>) dst(%dma_wait3A_124 : memref<10240x8xf32, #tpu.memory_space<vmem_shared>>)
      } else {
      }
      %dma_start3A_98 = arith.constant 0 : i32
      %dma_start3A_99 = tpu.memref_slice %arg6[%add3A_92, %dma_start3A_98] : memref<80x128xi32, #tpu.memory_space<vmem>> -> memref<1x128xi32, #tpu.memory_space<vmem>>
      %dma_start3A_100 = tpu.memref_squeeze %dma_start3A_99 : memref<1x128xi32, #tpu.memory_space<vmem>> -> memref<128xi32, #tpu.memory_space<vmem>>
      %dma_start3A_101 = arith.constant 0 : i32
      %dma_start3A_102 = arith.constant 0 : i32
      %dma_start3A_103 = tpu.memref_slice %arg8[%dma_start3A_101, %dma_start3A_102] : memref<10240x8xf32, #tpu.memory_space<vmem_shared>> -> memref<10240x8xf32, #tpu.memory_space<vmem_shared>>
      tpu.enqueue_indirect_dma source(%arg7 : memref<128x8xf32, #tpu.memory_space<vmem>>) target(%dma_start3A_103 : memref<10240x8xf32, #tpu.memory_space<vmem_shared>>) offsets(%dma_start3A_100 : memref<128xi32, #tpu.memory_space<vmem>>) semaphore(%arg11 : memref<!tpu.dma_semaphore, #tpu.memory_space<semaphore_mem>>) {add = true}
      %add3A_104 = arith.constant 3 : i32
      %add3A_105 = arith.addi %add3A_68, %add3A_104 : i32
      %ge3A_106 = arith.constant 4 : i32
      %ge3A_107 = arith.cmpi sge, %add3A_105, %ge3A_106 : i32
      %convert_element_type3A_108 = arith.extui %ge3A_107 : i1 to i32
      %cond3A_109 = arith.constant 0 : i32
      %cond3A_110 = arith.cmpi ne, %convert_element_type3A_108, %cond3A_109 : i32
      scf.if %cond3A_110 {
        %sub3A_117 = arith.constant 4 : i32
        %sub3A_118 = arith.subi %add3A_105, %sub3A_117 : i32
        %dma_wait3A_119 = arith.constant 0 : i32
        %dma_wait3A_120 = tpu.memref_slice %arg6[%sub3A_118, %dma_wait3A_119] : memref<80x128xi32, #tpu.memory_space<vmem>> -> memref<1x128xi32, #tpu.memory_space<vmem>>
        %dma_wait3A_121 = tpu.memref_squeeze %dma_wait3A_120 : memref<1x128xi32, #tpu.memory_space<vmem>> -> memref<128xi32, #tpu.memory_space<vmem>>
        %dma_wait3A_122 = arith.constant 0 : i32
        %dma_wait3A_123 = arith.constant 0 : i32
        %dma_wait3A_124 = tpu.memref_slice %arg8[%dma_wait3A_122, %dma_wait3A_123] : memref<10240x8xf32, #tpu.memory_space<vmem_shared>> -> memref<10240x8xf32, #tpu.memory_space<vmem_shared>>
        tpu.wait_indirect_dma semaphore(%arg12 : memref<!tpu.dma_semaphore, #tpu.memory_space<semaphore_mem>>) src(%arg7 : memref<128x8xf32, #tpu.memory_space<vmem>>) dst(%dma_wait3A_124 : memref<10240x8xf32, #tpu.memory_space<vmem_shared>>)
      } else {
      }
      %dma_start3A_111 = arith.constant 0 : i32
      %dma_start3A_112 = tpu.memref_slice %arg6[%add3A_105, %dma_start3A_111] : memref<80x128xi32, #tpu.memory_space<vmem>> -> memref<1x128xi32, #tpu.memory_space<vmem>>
      %dma_start3A_113 = tpu.memref_squeeze %dma_start3A_112 : memref<1x128xi32, #tpu.memory_space<vmem>> -> memref<128xi32, #tpu.memory_space<vmem>>
      %dma_start3A_114 = arith.constant 0 : i32
      %dma_start3A_115 = arith.constant 0 : i32
      %dma_start3A_116 = tpu.memref_slice %arg8[%dma_start3A_114, %dma_start3A_115] : memref<10240x8xf32, #tpu.memory_space<vmem_shared>> -> memref<10240x8xf32, #tpu.memory_space<vmem_shared>>
      tpu.enqueue_indirect_dma source(%arg7 : memref<128x8xf32, #tpu.memory_space<vmem>>) target(%dma_start3A_116 : memref<10240x8xf32, #tpu.memory_space<vmem_shared>>) offsets(%dma_start3A_113 : memref<128xi32, #tpu.memory_space<vmem>>) semaphore(%arg12 : memref<!tpu.dma_semaphore, #tpu.memory_space<semaphore_mem>>) {add = true}
    }
    %sub3A_26 = arith.constant 4 : i32
    %sub3A_27 = arith.subi %select_n3A_2, %sub3A_26 : i32
    %add3A_28 = arith.constant 0 : i32
    %add3A_29 = arith.addi %sub3A_27, %add3A_28 : i32
    %dma_wait3A = arith.constant 0 : i32
    %dma_wait3A_30 = tpu.memref_slice %arg6[%add3A_29, %dma_wait3A] : memref<80x128xi32, #tpu.memory_space<vmem>> -> memref<1x128xi32, #tpu.memory_space<vmem>>
    %dma_wait3A_31 = tpu.memref_squeeze %dma_wait3A_30 : memref<1x128xi32, #tpu.memory_space<vmem>> -> memref<128xi32, #tpu.memory_space<vmem>>
    %dma_wait3A_32 = arith.constant 0 : i32
    %dma_wait3A_33 = arith.constant 0 : i32
    %dma_wait3A_34 = tpu.memref_slice %arg8[%dma_wait3A_32, %dma_wait3A_33] : memref<10240x8xf32, #tpu.memory_space<vmem_shared>> -> memref<10240x8xf32, #tpu.memory_space<vmem_shared>>
    tpu.wait_indirect_dma semaphore(%arg9 : memref<!tpu.dma_semaphore, #tpu.memory_space<semaphore_mem>>) src(%arg7 : memref<128x8xf32, #tpu.memory_space<vmem>>) dst(%dma_wait3A_34 : memref<10240x8xf32, #tpu.memory_space<vmem_shared>>)
    %sub3A_35 = arith.constant 4 : i32
    %sub3A_36 = arith.subi %select_n3A_2, %sub3A_35 : i32
    %add3A_37 = arith.constant 1 : i32
    %add3A_38 = arith.addi %sub3A_36, %add3A_37 : i32
    %dma_wait3A_39 = arith.constant 0 : i32
    %dma_wait3A_40 = tpu.memref_slice %arg6[%add3A_38, %dma_wait3A_39] : memref<80x128xi32, #tpu.memory_space<vmem>> -> memref<1x128xi32, #tpu.memory_space<vmem>>
    %dma_wait3A_41 = tpu.memref_squeeze %dma_wait3A_40 : memref<1x128xi32, #tpu.memory_space<vmem>> -> memref<128xi32, #tpu.memory_space<vmem>>
    %dma_wait3A_42 = arith.constant 0 : i32
    %dma_wait3A_43 = arith.constant 0 : i32
    %dma_wait3A_44 = tpu.memref_slice %arg8[%dma_wait3A_42, %dma_wait3A_43] : memref<10240x8xf32, #tpu.memory_space<vmem_shared>> -> memref<10240x8xf32, #tpu.memory_space<vmem_shared>>
    tpu.wait_indirect_dma semaphore(%arg10 : memref<!tpu.dma_semaphore, #tpu.memory_space<semaphore_mem>>) src(%arg7 : memref<128x8xf32, #tpu.memory_space<vmem>>) dst(%dma_wait3A_44 : memref<10240x8xf32, #tpu.memory_space<vmem_shared>>)
    %sub3A_45 = arith.constant 4 : i32
    %sub3A_46 = arith.subi %select_n3A_2, %sub3A_45 : i32
    %add3A_47 = arith.constant 2 : i32
    %add3A_48 = arith.addi %sub3A_46, %add3A_47 : i32
    %dma_wait3A_49 = arith.constant 0 : i32
    %dma_wait3A_50 = tpu.memref_slice %arg6[%add3A_48, %dma_wait3A_49] : memref<80x128xi32, #tpu.memory_space<vmem>> -> memref<1x128xi32, #tpu.memory_space<vmem>>
    %dma_wait3A_51 = tpu.memref_squeeze %dma_wait3A_50 : memref<1x128xi32, #tpu.memory_space<vmem>> -> memref<128xi32, #tpu.memory_space<vmem>>
    %dma_wait3A_52 = arith.constant 0 : i32
    %dma_wait3A_53 = arith.constant 0 : i32
    %dma_wait3A_54 = tpu.memref_slice %arg8[%dma_wait3A_52, %dma_wait3A_53] : memref<10240x8xf32, #tpu.memory_space<vmem_shared>> -> memref<10240x8xf32, #tpu.memory_space<vmem_shared>>
    tpu.wait_indirect_dma semaphore(%arg11 : memref<!tpu.dma_semaphore, #tpu.memory_space<semaphore_mem>>) src(%arg7 : memref<128x8xf32, #tpu.memory_space<vmem>>) dst(%dma_wait3A_54 : memref<10240x8xf32, #tpu.memory_space<vmem_shared>>)
    %sub3A_55 = arith.constant 4 : i32
    %sub3A_56 = arith.subi %select_n3A_2, %sub3A_55 : i32
    %add3A_57 = arith.constant 3 : i32
    %add3A_58 = arith.addi %sub3A_56, %add3A_57 : i32
    %dma_wait3A_59 = arith.constant 0 : i32
    %dma_wait3A_60 = tpu.memref_slice %arg6[%add3A_58, %dma_wait3A_59] : memref<80x128xi32, #tpu.memory_space<vmem>> -> memref<1x128xi32, #tpu.memory_space<vmem>>
    %dma_wait3A_61 = tpu.memref_squeeze %dma_wait3A_60 : memref<1x128xi32, #tpu.memory_space<vmem>> -> memref<128xi32, #tpu.memory_space<vmem>>
    %dma_wait3A_62 = arith.constant 0 : i32
    %dma_wait3A_63 = arith.constant 0 : i32
    %dma_wait3A_64 = tpu.memref_slice %arg8[%dma_wait3A_62, %dma_wait3A_63] : memref<10240x8xf32, #tpu.memory_space<vmem_shared>> -> memref<10240x8xf32, #tpu.memory_space<vmem_shared>>
    tpu.wait_indirect_dma semaphore(%arg12 : memref<!tpu.dma_semaphore, #tpu.memory_space<semaphore_mem>>) src(%arg7 : memref<128x8xf32, #tpu.memory_space<vmem>>) dst(%dma_wait3A_64 : memref<10240x8xf32, #tpu.memory_space<vmem_shared>>)
    %barrier3A_65 = arith.constant 0 : index
    tpu.barrier barrier_id(%barrier3A_65)
    "tpu.region"() ({
      %run_scoped3A = tpu.sem_alloc : memref<!tpu.dma_semaphore, #tpu.memory_space<semaphore_mem>>
      %dma_start3A = arith.constant 0 : i32
      %dma_start3A_66 = tpu.memref_slice %arg5[%arg0, %mul3A_9, %dma_start3A] : memref<2x10240x8xf32, #tpu.memory_space<hbm>> -> memref<1x640x8xf32, #tpu.memory_space<hbm>>
      %dma_start3A_67 = tpu.memref_squeeze %dma_start3A_66 : memref<1x640x8xf32, #tpu.memory_space<hbm>> -> memref<640x8xf32, #tpu.memory_space<hbm>>
      %dma_start3A_68 = arith.constant 0 : i32
      %dma_start3A_69 = tpu.memref_slice %arg8[%mul3A_9, %dma_start3A_68] : memref<10240x8xf32, #tpu.memory_space<vmem_shared>> -> memref<640x8xf32, #tpu.memory_space<vmem_shared>>
      tpu.enqueue_dma source(%dma_start3A_69 : memref<640x8xf32, #tpu.memory_space<vmem_shared>>) target(%dma_start3A_67 : memref<640x8xf32, #tpu.memory_space<hbm>>) target_semaphore(%run_scoped3A : memref<!tpu.dma_semaphore, #tpu.memory_space<semaphore_mem>>)
      %dma_wait3A_70 = arith.constant 0 : i32
      %dma_wait3A_71 = tpu.memref_slice %arg5[%arg0, %mul3A_9, %dma_wait3A_70] : memref<2x10240x8xf32, #tpu.memory_space<hbm>> -> memref<1x640x8xf32, #tpu.memory_space<hbm>>
      %dma_wait3A_72 = tpu.memref_squeeze %dma_wait3A_71 : memref<1x640x8xf32, #tpu.memory_space<hbm>> -> memref<640x8xf32, #tpu.memory_space<hbm>>
      %dma_wait3A_73 = arith.constant 0 : i32
      %dma_wait3A_74 = tpu.memref_slice %arg8[%mul3A_9, %dma_wait3A_73] : memref<10240x8xf32, #tpu.memory_space<vmem_shared>> -> memref<640x8xf32, #tpu.memory_space<vmem_shared>>
      tpu.wait_dma2 semaphore(%run_scoped3A : memref<!tpu.dma_semaphore, #tpu.memory_space<semaphore_mem>>) src(%dma_wait3A_74 : memref<640x8xf32, #tpu.memory_space<vmem_shared>>) dst(%dma_wait3A_72 : memref<640x8xf32, #tpu.memory_space<hbm>>)
      tpu.yield
    }) : () -> ()
    return
  }
}

#map = affine_map<(d0, d1) -> (0, 0)>
#map1 = affine_map<(d0, d1) -> (0, 0, 0)>
module attributes {stable_mosaic.version = 14 : i64} {
  func.func @spmm(%arg0: i32, %arg1: i32, %arg2: memref<10000x64xf32, #tpu.memory_space<hbm>>, %arg3: memref<2592x128xi32, #tpu.memory_space<hbm>>, %arg4: memref<2592x128xi32, #tpu.memory_space<hbm>>, %arg5: memref<10240x64xf32, #tpu.memory_space<hbm>>, %arg6: memref<2x10240x64xf32, #tpu.memory_space<hbm>>, %arg7: memref<80x128xi32, #tpu.memory_space<vmem>>, %arg8: memref<80x128xi32, #tpu.memory_space<vmem>>, %arg9: memref<128x64xf32, #tpu.memory_space<vmem>>, %arg10: memref<128x64xf32, #tpu.memory_space<vmem>>, %arg11: memref<10240x64xf32, #tpu.memory_space<vmem_shared>>, %arg12: memref<10000x64xf32, #tpu.memory_space<vmem_shared>>, %arg13: memref<!tpu.dma_semaphore, #tpu.memory_space<semaphore_mem>>, %arg14: memref<!tpu.dma_semaphore, #tpu.memory_space<semaphore_mem>>) attributes {dimension_semantics = [#tpu.dimension_semantics<core_parallel>, #tpu.dimension_semantics<subcore_parallel>], iteration_bounds = array<i64: 2, 16>, scalar_prefetch = 0 : i64, scratch_operands = 8 : i64, tpu.core_type = #tpu.core_type<sc_vector_subcore>, window_params = [{transform_indices = #map}, {transform_indices = #map}, {transform_indices = #map}, {transform_indices = #map}, {transform_indices = #map1}]} {
    %eq3A = arith.constant 0 : i32
    %eq3A_0 = arith.cmpi eq, %arg0, %eq3A : i32
    %select_n3A = arith.constant 80 : i32
    %select_n3A_1 = arith.constant 80 : i32
    %select_n3A_2 = arith.select %eq3A_0, %select_n3A_1, %select_n3A : i32
    %mul3A = arith.constant 80 : i32
    %mul3A_3 = arith.muli %arg1, %mul3A : i32
    %mul3A_4 = arith.constant 80 : i32
    %mul3A_5 = arith.muli %arg1, %mul3A_4 : i32
    %add3A = arith.constant 1280 : i32
    %add3A_6 = arith.addi %add3A, %mul3A_5 : i32
    %select_n3A_7 = arith.select %eq3A_0, %mul3A_3, %add3A_6 : i32
    "tpu.region"() ({
      %run_scoped3A = tpu.sem_alloc : memref<!tpu.dma_semaphore, #tpu.memory_space<semaphore_mem>>
      %dma_start3A_37 = arith.constant 0 : i32
      %dma_start3A_38 = tpu.memref_slice %arg3[%select_n3A_7, %dma_start3A_37] : memref<2592x128xi32, #tpu.memory_space<hbm>> -> memref<80x128xi32, #tpu.memory_space<hbm>>
      %dma_start3A_39 = arith.constant 0 : i32
      %dma_start3A_40 = tpu.memref_slice %arg3[%select_n3A_7, %dma_start3A_39] : memref<2592x128xi32, #tpu.memory_space<hbm>> -> memref<80x128xi32, #tpu.memory_space<hbm>>
      tpu.enqueue_dma source(%dma_start3A_40 : memref<80x128xi32, #tpu.memory_space<hbm>>) target(%arg7 : memref<80x128xi32, #tpu.memory_space<vmem>>) target_semaphore(%run_scoped3A : memref<!tpu.dma_semaphore, #tpu.memory_space<semaphore_mem>>)
      %dma_wait3A = arith.constant 0 : i32
      %dma_wait3A_41 = tpu.memref_slice %arg3[%select_n3A_7, %dma_wait3A] : memref<2592x128xi32, #tpu.memory_space<hbm>> -> memref<80x128xi32, #tpu.memory_space<hbm>>
      %dma_wait3A_42 = arith.constant 0 : i32
      %dma_wait3A_43 = tpu.memref_slice %arg3[%select_n3A_7, %dma_wait3A_42] : memref<2592x128xi32, #tpu.memory_space<hbm>> -> memref<80x128xi32, #tpu.memory_space<hbm>>
      tpu.wait_dma2 semaphore(%run_scoped3A : memref<!tpu.dma_semaphore, #tpu.memory_space<semaphore_mem>>) src(%dma_wait3A_43 : memref<80x128xi32, #tpu.memory_space<hbm>>) dst(%arg7 : memref<80x128xi32, #tpu.memory_space<vmem>>)
      tpu.yield
    }) : () -> ()
    "tpu.region"() ({
      %run_scoped3A = tpu.sem_alloc : memref<!tpu.dma_semaphore, #tpu.memory_space<semaphore_mem>>
      %dma_start3A_37 = arith.constant 0 : i32
      %dma_start3A_38 = tpu.memref_slice %arg4[%select_n3A_7, %dma_start3A_37] : memref<2592x128xi32, #tpu.memory_space<hbm>> -> memref<80x128xi32, #tpu.memory_space<hbm>>
      %dma_start3A_39 = arith.constant 0 : i32
      %dma_start3A_40 = tpu.memref_slice %arg4[%select_n3A_7, %dma_start3A_39] : memref<2592x128xi32, #tpu.memory_space<hbm>> -> memref<80x128xi32, #tpu.memory_space<hbm>>
      tpu.enqueue_dma source(%dma_start3A_40 : memref<80x128xi32, #tpu.memory_space<hbm>>) target(%arg8 : memref<80x128xi32, #tpu.memory_space<vmem>>) target_semaphore(%run_scoped3A : memref<!tpu.dma_semaphore, #tpu.memory_space<semaphore_mem>>)
      %dma_wait3A = arith.constant 0 : i32
      %dma_wait3A_41 = tpu.memref_slice %arg4[%select_n3A_7, %dma_wait3A] : memref<2592x128xi32, #tpu.memory_space<hbm>> -> memref<80x128xi32, #tpu.memory_space<hbm>>
      %dma_wait3A_42 = arith.constant 0 : i32
      %dma_wait3A_43 = tpu.memref_slice %arg4[%select_n3A_7, %dma_wait3A_42] : memref<2592x128xi32, #tpu.memory_space<hbm>> -> memref<80x128xi32, #tpu.memory_space<hbm>>
      tpu.wait_dma2 semaphore(%run_scoped3A : memref<!tpu.dma_semaphore, #tpu.memory_space<semaphore_mem>>) src(%dma_wait3A_43 : memref<80x128xi32, #tpu.memory_space<hbm>>) dst(%arg8 : memref<80x128xi32, #tpu.memory_space<vmem>>)
      tpu.yield
    }) : () -> ()
    %mul3A_8 = arith.constant 640 : i32
    %mul3A_9 = arith.muli %arg1, %mul3A_8 : i32
    %mul3A_10 = arith.constant 625 : i32
    %mul3A_11 = arith.muli %arg1, %mul3A_10 : i32
    %mul3A_12 = arith.constant 625 : i32
    %mul3A_13 = arith.muli %arg1, %mul3A_12 : i32
    "tpu.region"() ({
      %run_scoped3A = tpu.sem_alloc : memref<!tpu.dma_semaphore, #tpu.memory_space<semaphore_mem>>
      %dma_start3A_37 = arith.constant 0 : i32
      %dma_start3A_38 = tpu.memref_slice %arg12[%mul3A_13, %dma_start3A_37] : memref<10000x64xf32, #tpu.memory_space<vmem_shared>> -> memref<625x64xf32, #tpu.memory_space<vmem_shared>>
      %dma_start3A_39 = arith.constant 0 : i32
      %dma_start3A_40 = tpu.memref_slice %arg2[%mul3A_11, %dma_start3A_39] : memref<10000x64xf32, #tpu.memory_space<hbm>> -> memref<625x64xf32, #tpu.memory_space<hbm>>
      tpu.enqueue_dma source(%dma_start3A_40 : memref<625x64xf32, #tpu.memory_space<hbm>>) target(%dma_start3A_38 : memref<625x64xf32, #tpu.memory_space<vmem_shared>>) target_semaphore(%run_scoped3A : memref<!tpu.dma_semaphore, #tpu.memory_space<semaphore_mem>>)
      %dma_wait3A = arith.constant 0 : i32
      %dma_wait3A_41 = tpu.memref_slice %arg12[%mul3A_13, %dma_wait3A] : memref<10000x64xf32, #tpu.memory_space<vmem_shared>> -> memref<625x64xf32, #tpu.memory_space<vmem_shared>>
      %dma_wait3A_42 = arith.constant 0 : i32
      %dma_wait3A_43 = tpu.memref_slice %arg2[%mul3A_11, %dma_wait3A_42] : memref<10000x64xf32, #tpu.memory_space<hbm>> -> memref<625x64xf32, #tpu.memory_space<hbm>>
      tpu.wait_dma2 semaphore(%run_scoped3A : memref<!tpu.dma_semaphore, #tpu.memory_space<semaphore_mem>>) src(%dma_wait3A_43 : memref<625x64xf32, #tpu.memory_space<hbm>>) dst(%dma_wait3A_41 : memref<625x64xf32, #tpu.memory_space<vmem_shared>>)
      tpu.yield
    }) : () -> ()
    "tpu.region"() ({
      %run_scoped3A = tpu.sem_alloc : memref<!tpu.dma_semaphore, #tpu.memory_space<semaphore_mem>>
      %dma_start3A_37 = arith.constant 0 : i32
      %dma_start3A_38 = tpu.memref_slice %arg11[%mul3A_9, %dma_start3A_37] : memref<10240x64xf32, #tpu.memory_space<vmem_shared>> -> memref<640x64xf32, #tpu.memory_space<vmem_shared>>
      %dma_start3A_39 = arith.constant 0 : i32
      %dma_start3A_40 = tpu.memref_slice %arg5[%mul3A_9, %dma_start3A_39] : memref<10240x64xf32, #tpu.memory_space<hbm>> -> memref<640x64xf32, #tpu.memory_space<hbm>>
      tpu.enqueue_dma source(%dma_start3A_40 : memref<640x64xf32, #tpu.memory_space<hbm>>) target(%dma_start3A_38 : memref<640x64xf32, #tpu.memory_space<vmem_shared>>) target_semaphore(%run_scoped3A : memref<!tpu.dma_semaphore, #tpu.memory_space<semaphore_mem>>)
      %dma_wait3A = arith.constant 0 : i32
      %dma_wait3A_41 = tpu.memref_slice %arg11[%mul3A_9, %dma_wait3A] : memref<10240x64xf32, #tpu.memory_space<vmem_shared>> -> memref<640x64xf32, #tpu.memory_space<vmem_shared>>
      %dma_wait3A_42 = arith.constant 0 : i32
      %dma_wait3A_43 = tpu.memref_slice %arg5[%mul3A_9, %dma_wait3A_42] : memref<10240x64xf32, #tpu.memory_space<hbm>> -> memref<640x64xf32, #tpu.memory_space<hbm>>
      tpu.wait_dma2 semaphore(%run_scoped3A : memref<!tpu.dma_semaphore, #tpu.memory_space<semaphore_mem>>) src(%dma_wait3A_43 : memref<640x64xf32, #tpu.memory_space<hbm>>) dst(%dma_wait3A_41 : memref<640x64xf32, #tpu.memory_space<vmem_shared>>)
      tpu.yield
    }) : () -> ()
    %barrier3A = arith.constant 0 : index
    tpu.barrier barrier_id(%barrier3A)
    %dma_start3A = arith.constant 0 : i32
    %dma_start3A_14 = arith.constant 0 : i32
    %dma_start3A_15 = tpu.memref_slice %arg7[%dma_start3A, %dma_start3A_14] : memref<80x128xi32, #tpu.memory_space<vmem>> -> memref<1x128xi32, #tpu.memory_space<vmem>>
    %dma_start3A_16 = tpu.memref_squeeze %dma_start3A_15 : memref<1x128xi32, #tpu.memory_space<vmem>> -> memref<128xi32, #tpu.memory_space<vmem>>
    %dma_start3A_17 = arith.constant 0 : i32
    %dma_start3A_18 = arith.constant 0 : i32
    %dma_start3A_19 = tpu.memref_slice %arg12[%dma_start3A_17, %dma_start3A_18] : memref<10000x64xf32, #tpu.memory_space<vmem_shared>> -> memref<10000x64xf32, #tpu.memory_space<vmem_shared>>
    tpu.enqueue_indirect_dma source(%dma_start3A_19 : memref<10000x64xf32, #tpu.memory_space<vmem_shared>>) target(%arg9 : memref<128x64xf32, #tpu.memory_space<vmem>>) offsets(%dma_start3A_16 : memref<128xi32, #tpu.memory_space<vmem>>) semaphore(%arg13 : memref<!tpu.dma_semaphore, #tpu.memory_space<semaphore_mem>>)
    %sub3A = arith.constant 0 : i32
    %sub3A_20 = arith.subi %select_n3A_2, %sub3A : i32
    %sub3A_21 = arith.constant 2 : i32
    %sub3A_22 = arith.constant 1 : i32
    %sub3A_23 = arith.subi %sub3A_21, %sub3A_22 : i32
    %add3A_24 = arith.addi %sub3A_20, %sub3A_23 : i32
    %div3A = arith.constant 2 : i32
    %div3A_25 = arith.divsi %add3A_24, %div3A : i32
    %while3A = arith.constant 2 : i32
    %while3A_26 = arith.constant 0 : i32
    %while3A_27 = arith.constant 0 : i32
    %while3A_28 = arith.subi %div3A_25, %while3A_27 : i32
    %while3A_29 = arith.addi %while3A_27, %while3A_28 : i32
    %while3A_30 = arith.constant 1 : i32
    %while3A_31 = arith.divsi %while3A_28, %while3A_30 : i32
    %while3A_32 = arith.muli %while3A_31, %while3A_30 : i32
    %while3A_33 = arith.addi %while3A_27, %while3A_32 : i32
    %while3A_34 = arith.constant 1 : i32
    scf.for %while3A_37 = %while3A_27 to %while3A_33 step %while3A_34  : i32 {
      %mul3A_38 = arith.muli %while3A_37, %while3A : i32
      %add3A_39 = arith.addi %while3A_26, %mul3A_38 : i32
      %add3A_40 = arith.constant 1 : i32
      %add3A_41 = arith.addi %add3A_39, %add3A_40 : i32
      %dma_start3A_42 = arith.constant 0 : i32
      %dma_start3A_43 = tpu.memref_slice %arg7[%add3A_41, %dma_start3A_42] : memref<80x128xi32, #tpu.memory_space<vmem>> -> memref<1x128xi32, #tpu.memory_space<vmem>>
      %dma_start3A_44 = tpu.memref_squeeze %dma_start3A_43 : memref<1x128xi32, #tpu.memory_space<vmem>> -> memref<128xi32, #tpu.memory_space<vmem>>
      %dma_start3A_45 = arith.constant 0 : i32
      %dma_start3A_46 = arith.constant 0 : i32
      %dma_start3A_47 = tpu.memref_slice %arg12[%dma_start3A_45, %dma_start3A_46] : memref<10000x64xf32, #tpu.memory_space<vmem_shared>> -> memref<10000x64xf32, #tpu.memory_space<vmem_shared>>
      tpu.enqueue_indirect_dma source(%dma_start3A_47 : memref<10000x64xf32, #tpu.memory_space<vmem_shared>>) target(%arg10 : memref<128x64xf32, #tpu.memory_space<vmem>>) offsets(%dma_start3A_44 : memref<128xi32, #tpu.memory_space<vmem>>) semaphore(%arg14 : memref<!tpu.dma_semaphore, #tpu.memory_space<semaphore_mem>>)
      %dma_wait3A = arith.constant 0 : i32
      %dma_wait3A_48 = tpu.memref_slice %arg7[%add3A_39, %dma_wait3A] : memref<80x128xi32, #tpu.memory_space<vmem>> -> memref<1x128xi32, #tpu.memory_space<vmem>>
      %dma_wait3A_49 = tpu.memref_squeeze %dma_wait3A_48 : memref<1x128xi32, #tpu.memory_space<vmem>> -> memref<128xi32, #tpu.memory_space<vmem>>
      %dma_wait3A_50 = arith.constant 0 : i32
      %dma_wait3A_51 = arith.constant 0 : i32
      %dma_wait3A_52 = tpu.memref_slice %arg12[%dma_wait3A_50, %dma_wait3A_51] : memref<10000x64xf32, #tpu.memory_space<vmem_shared>> -> memref<10000x64xf32, #tpu.memory_space<vmem_shared>>
      tpu.wait_indirect_dma semaphore(%arg13 : memref<!tpu.dma_semaphore, #tpu.memory_space<semaphore_mem>>) src(%dma_wait3A_52 : memref<10000x64xf32, #tpu.memory_space<vmem_shared>>) dst(%arg9 : memref<128x64xf32, #tpu.memory_space<vmem>>)
      "tpu.region"() ({
        %run_scoped3A = tpu.sem_alloc : memref<!tpu.dma_semaphore, #tpu.memory_space<semaphore_mem>>
        %dma_start3A_66 = arith.constant 0 : i32
        %dma_start3A_67 = tpu.memref_slice %arg8[%add3A_39, %dma_start3A_66] : memref<80x128xi32, #tpu.memory_space<vmem>> -> memref<1x128xi32, #tpu.memory_space<vmem>>
        %dma_start3A_68 = tpu.memref_squeeze %dma_start3A_67 : memref<1x128xi32, #tpu.memory_space<vmem>> -> memref<128xi32, #tpu.memory_space<vmem>>
        %dma_start3A_69 = arith.constant 0 : i32
        %dma_start3A_70 = arith.constant 0 : i32
        %dma_start3A_71 = tpu.memref_slice %arg11[%dma_start3A_69, %dma_start3A_70] : memref<10240x64xf32, #tpu.memory_space<vmem_shared>> -> memref<10240x64xf32, #tpu.memory_space<vmem_shared>>
        tpu.enqueue_indirect_dma source(%arg9 : memref<128x64xf32, #tpu.memory_space<vmem>>) target(%dma_start3A_71 : memref<10240x64xf32, #tpu.memory_space<vmem_shared>>) offsets(%dma_start3A_68 : memref<128xi32, #tpu.memory_space<vmem>>) semaphore(%run_scoped3A : memref<!tpu.dma_semaphore, #tpu.memory_space<semaphore_mem>>) {add = true}
        %dma_wait3A_72 = arith.constant 0 : i32
        %dma_wait3A_73 = tpu.memref_slice %arg8[%add3A_39, %dma_wait3A_72] : memref<80x128xi32, #tpu.memory_space<vmem>> -> memref<1x128xi32, #tpu.memory_space<vmem>>
        %dma_wait3A_74 = tpu.memref_squeeze %dma_wait3A_73 : memref<1x128xi32, #tpu.memory_space<vmem>> -> memref<128xi32, #tpu.memory_space<vmem>>
        %dma_wait3A_75 = arith.constant 0 : i32
        %dma_wait3A_76 = arith.constant 0 : i32
        %dma_wait3A_77 = tpu.memref_slice %arg11[%dma_wait3A_75, %dma_wait3A_76] : memref<10240x64xf32, #tpu.memory_space<vmem_shared>> -> memref<10240x64xf32, #tpu.memory_space<vmem_shared>>
        tpu.wait_indirect_dma semaphore(%run_scoped3A : memref<!tpu.dma_semaphore, #tpu.memory_space<semaphore_mem>>) src(%arg9 : memref<128x64xf32, #tpu.memory_space<vmem>>) dst(%dma_wait3A_77 : memref<10240x64xf32, #tpu.memory_space<vmem_shared>>)
        tpu.yield
      }) : () -> ()
      %add3A_53 = arith.constant 2 : i32
      %add3A_54 = arith.addi %add3A_39, %add3A_53 : i32
      %lt3A = arith.cmpi slt, %add3A_54, %select_n3A_2 : i32
      %convert_element_type3A = arith.extui %lt3A : i1 to i32
      %cond3A = arith.constant 0 : i32
      %cond3A_55 = arith.cmpi ne, %convert_element_type3A, %cond3A : i32
      scf.if %cond3A_55 {
        %add3A_66 = arith.constant 2 : i32
        %add3A_67 = arith.addi %add3A_39, %add3A_66 : i32
        %dma_start3A_68 = arith.constant 0 : i32
        %dma_start3A_69 = tpu.memref_slice %arg7[%add3A_67, %dma_start3A_68] : memref<80x128xi32, #tpu.memory_space<vmem>> -> memref<1x128xi32, #tpu.memory_space<vmem>>
        %dma_start3A_70 = tpu.memref_squeeze %dma_start3A_69 : memref<1x128xi32, #tpu.memory_space<vmem>> -> memref<128xi32, #tpu.memory_space<vmem>>
        %dma_start3A_71 = arith.constant 0 : i32
        %dma_start3A_72 = arith.constant 0 : i32
        %dma_start3A_73 = tpu.memref_slice %arg12[%dma_start3A_71, %dma_start3A_72] : memref<10000x64xf32, #tpu.memory_space<vmem_shared>> -> memref<10000x64xf32, #tpu.memory_space<vmem_shared>>
        tpu.enqueue_indirect_dma source(%dma_start3A_73 : memref<10000x64xf32, #tpu.memory_space<vmem_shared>>) target(%arg9 : memref<128x64xf32, #tpu.memory_space<vmem>>) offsets(%dma_start3A_70 : memref<128xi32, #tpu.memory_space<vmem>>) semaphore(%arg13 : memref<!tpu.dma_semaphore, #tpu.memory_space<semaphore_mem>>)
      } else {
      }
      %add3A_56 = arith.constant 1 : i32
      %add3A_57 = arith.addi %add3A_39, %add3A_56 : i32
      %dma_wait3A_58 = arith.constant 0 : i32
      %dma_wait3A_59 = tpu.memref_slice %arg7[%add3A_57, %dma_wait3A_58] : memref<80x128xi32, #tpu.memory_space<vmem>> -> memref<1x128xi32, #tpu.memory_space<vmem>>
      %dma_wait3A_60 = tpu.memref_squeeze %dma_wait3A_59 : memref<1x128xi32, #tpu.memory_space<vmem>> -> memref<128xi32, #tpu.memory_space<vmem>>
      %dma_wait3A_61 = arith.constant 0 : i32
      %dma_wait3A_62 = arith.constant 0 : i32
      %dma_wait3A_63 = tpu.memref_slice %arg12[%dma_wait3A_61, %dma_wait3A_62] : memref<10000x64xf32, #tpu.memory_space<vmem_shared>> -> memref<10000x64xf32, #tpu.memory_space<vmem_shared>>
      tpu.wait_indirect_dma semaphore(%arg14 : memref<!tpu.dma_semaphore, #tpu.memory_space<semaphore_mem>>) src(%dma_wait3A_63 : memref<10000x64xf32, #tpu.memory_space<vmem_shared>>) dst(%arg10 : memref<128x64xf32, #tpu.memory_space<vmem>>)
      %add3A_64 = arith.constant 1 : i32
      %add3A_65 = arith.addi %add3A_39, %add3A_64 : i32
      "tpu.region"() ({
        %run_scoped3A = tpu.sem_alloc : memref<!tpu.dma_semaphore, #tpu.memory_space<semaphore_mem>>
        %dma_start3A_66 = arith.constant 0 : i32
        %dma_start3A_67 = tpu.memref_slice %arg8[%add3A_65, %dma_start3A_66] : memref<80x128xi32, #tpu.memory_space<vmem>> -> memref<1x128xi32, #tpu.memory_space<vmem>>
        %dma_start3A_68 = tpu.memref_squeeze %dma_start3A_67 : memref<1x128xi32, #tpu.memory_space<vmem>> -> memref<128xi32, #tpu.memory_space<vmem>>
        %dma_start3A_69 = arith.constant 0 : i32
        %dma_start3A_70 = arith.constant 0 : i32
        %dma_start3A_71 = tpu.memref_slice %arg11[%dma_start3A_69, %dma_start3A_70] : memref<10240x64xf32, #tpu.memory_space<vmem_shared>> -> memref<10240x64xf32, #tpu.memory_space<vmem_shared>>
        tpu.enqueue_indirect_dma source(%arg10 : memref<128x64xf32, #tpu.memory_space<vmem>>) target(%dma_start3A_71 : memref<10240x64xf32, #tpu.memory_space<vmem_shared>>) offsets(%dma_start3A_68 : memref<128xi32, #tpu.memory_space<vmem>>) semaphore(%run_scoped3A : memref<!tpu.dma_semaphore, #tpu.memory_space<semaphore_mem>>) {add = true}
        %dma_wait3A_72 = arith.constant 0 : i32
        %dma_wait3A_73 = tpu.memref_slice %arg8[%add3A_65, %dma_wait3A_72] : memref<80x128xi32, #tpu.memory_space<vmem>> -> memref<1x128xi32, #tpu.memory_space<vmem>>
        %dma_wait3A_74 = tpu.memref_squeeze %dma_wait3A_73 : memref<1x128xi32, #tpu.memory_space<vmem>> -> memref<128xi32, #tpu.memory_space<vmem>>
        %dma_wait3A_75 = arith.constant 0 : i32
        %dma_wait3A_76 = arith.constant 0 : i32
        %dma_wait3A_77 = tpu.memref_slice %arg11[%dma_wait3A_75, %dma_wait3A_76] : memref<10240x64xf32, #tpu.memory_space<vmem_shared>> -> memref<10240x64xf32, #tpu.memory_space<vmem_shared>>
        tpu.wait_indirect_dma semaphore(%run_scoped3A : memref<!tpu.dma_semaphore, #tpu.memory_space<semaphore_mem>>) src(%arg10 : memref<128x64xf32, #tpu.memory_space<vmem>>) dst(%dma_wait3A_77 : memref<10240x64xf32, #tpu.memory_space<vmem_shared>>)
        tpu.yield
      }) : () -> ()
    }
    %while3A_35 = arith.constant 1 : i32
    scf.for %while3A_37 = %while3A_33 to %while3A_29 step %while3A_35  : i32 {
      %mul3A_38 = arith.muli %while3A_37, %while3A : i32
      %add3A_39 = arith.addi %while3A_26, %mul3A_38 : i32
      %add3A_40 = arith.constant 1 : i32
      %add3A_41 = arith.addi %add3A_39, %add3A_40 : i32
      %dma_start3A_42 = arith.constant 0 : i32
      %dma_start3A_43 = tpu.memref_slice %arg7[%add3A_41, %dma_start3A_42] : memref<80x128xi32, #tpu.memory_space<vmem>> -> memref<1x128xi32, #tpu.memory_space<vmem>>
      %dma_start3A_44 = tpu.memref_squeeze %dma_start3A_43 : memref<1x128xi32, #tpu.memory_space<vmem>> -> memref<128xi32, #tpu.memory_space<vmem>>
      %dma_start3A_45 = arith.constant 0 : i32
      %dma_start3A_46 = arith.constant 0 : i32
      %dma_start3A_47 = tpu.memref_slice %arg12[%dma_start3A_45, %dma_start3A_46] : memref<10000x64xf32, #tpu.memory_space<vmem_shared>> -> memref<10000x64xf32, #tpu.memory_space<vmem_shared>>
      tpu.enqueue_indirect_dma source(%dma_start3A_47 : memref<10000x64xf32, #tpu.memory_space<vmem_shared>>) target(%arg10 : memref<128x64xf32, #tpu.memory_space<vmem>>) offsets(%dma_start3A_44 : memref<128xi32, #tpu.memory_space<vmem>>) semaphore(%arg14 : memref<!tpu.dma_semaphore, #tpu.memory_space<semaphore_mem>>)
      %dma_wait3A = arith.constant 0 : i32
      %dma_wait3A_48 = tpu.memref_slice %arg7[%add3A_39, %dma_wait3A] : memref<80x128xi32, #tpu.memory_space<vmem>> -> memref<1x128xi32, #tpu.memory_space<vmem>>
      %dma_wait3A_49 = tpu.memref_squeeze %dma_wait3A_48 : memref<1x128xi32, #tpu.memory_space<vmem>> -> memref<128xi32, #tpu.memory_space<vmem>>
      %dma_wait3A_50 = arith.constant 0 : i32
      %dma_wait3A_51 = arith.constant 0 : i32
      %dma_wait3A_52 = tpu.memref_slice %arg12[%dma_wait3A_50, %dma_wait3A_51] : memref<10000x64xf32, #tpu.memory_space<vmem_shared>> -> memref<10000x64xf32, #tpu.memory_space<vmem_shared>>
      tpu.wait_indirect_dma semaphore(%arg13 : memref<!tpu.dma_semaphore, #tpu.memory_space<semaphore_mem>>) src(%dma_wait3A_52 : memref<10000x64xf32, #tpu.memory_space<vmem_shared>>) dst(%arg9 : memref<128x64xf32, #tpu.memory_space<vmem>>)
      "tpu.region"() ({
        %run_scoped3A = tpu.sem_alloc : memref<!tpu.dma_semaphore, #tpu.memory_space<semaphore_mem>>
        %dma_start3A_66 = arith.constant 0 : i32
        %dma_start3A_67 = tpu.memref_slice %arg8[%add3A_39, %dma_start3A_66] : memref<80x128xi32, #tpu.memory_space<vmem>> -> memref<1x128xi32, #tpu.memory_space<vmem>>
        %dma_start3A_68 = tpu.memref_squeeze %dma_start3A_67 : memref<1x128xi32, #tpu.memory_space<vmem>> -> memref<128xi32, #tpu.memory_space<vmem>>
        %dma_start3A_69 = arith.constant 0 : i32
        %dma_start3A_70 = arith.constant 0 : i32
        %dma_start3A_71 = tpu.memref_slice %arg11[%dma_start3A_69, %dma_start3A_70] : memref<10240x64xf32, #tpu.memory_space<vmem_shared>> -> memref<10240x64xf32, #tpu.memory_space<vmem_shared>>
        tpu.enqueue_indirect_dma source(%arg9 : memref<128x64xf32, #tpu.memory_space<vmem>>) target(%dma_start3A_71 : memref<10240x64xf32, #tpu.memory_space<vmem_shared>>) offsets(%dma_start3A_68 : memref<128xi32, #tpu.memory_space<vmem>>) semaphore(%run_scoped3A : memref<!tpu.dma_semaphore, #tpu.memory_space<semaphore_mem>>) {add = true}
        %dma_wait3A_72 = arith.constant 0 : i32
        %dma_wait3A_73 = tpu.memref_slice %arg8[%add3A_39, %dma_wait3A_72] : memref<80x128xi32, #tpu.memory_space<vmem>> -> memref<1x128xi32, #tpu.memory_space<vmem>>
        %dma_wait3A_74 = tpu.memref_squeeze %dma_wait3A_73 : memref<1x128xi32, #tpu.memory_space<vmem>> -> memref<128xi32, #tpu.memory_space<vmem>>
        %dma_wait3A_75 = arith.constant 0 : i32
        %dma_wait3A_76 = arith.constant 0 : i32
        %dma_wait3A_77 = tpu.memref_slice %arg11[%dma_wait3A_75, %dma_wait3A_76] : memref<10240x64xf32, #tpu.memory_space<vmem_shared>> -> memref<10240x64xf32, #tpu.memory_space<vmem_shared>>
        tpu.wait_indirect_dma semaphore(%run_scoped3A : memref<!tpu.dma_semaphore, #tpu.memory_space<semaphore_mem>>) src(%arg9 : memref<128x64xf32, #tpu.memory_space<vmem>>) dst(%dma_wait3A_77 : memref<10240x64xf32, #tpu.memory_space<vmem_shared>>)
        tpu.yield
      }) : () -> ()
      %add3A_53 = arith.constant 2 : i32
      %add3A_54 = arith.addi %add3A_39, %add3A_53 : i32
      %lt3A = arith.cmpi slt, %add3A_54, %select_n3A_2 : i32
      %convert_element_type3A = arith.extui %lt3A : i1 to i32
      %cond3A = arith.constant 0 : i32
      %cond3A_55 = arith.cmpi ne, %convert_element_type3A, %cond3A : i32
      scf.if %cond3A_55 {
        %add3A_66 = arith.constant 2 : i32
        %add3A_67 = arith.addi %add3A_39, %add3A_66 : i32
        %dma_start3A_68 = arith.constant 0 : i32
        %dma_start3A_69 = tpu.memref_slice %arg7[%add3A_67, %dma_start3A_68] : memref<80x128xi32, #tpu.memory_space<vmem>> -> memref<1x128xi32, #tpu.memory_space<vmem>>
        %dma_start3A_70 = tpu.memref_squeeze %dma_start3A_69 : memref<1x128xi32, #tpu.memory_space<vmem>> -> memref<128xi32, #tpu.memory_space<vmem>>
        %dma_start3A_71 = arith.constant 0 : i32
        %dma_start3A_72 = arith.constant 0 : i32
        %dma_start3A_73 = tpu.memref_slice %arg12[%dma_start3A_71, %dma_start3A_72] : memref<10000x64xf32, #tpu.memory_space<vmem_shared>> -> memref<10000x64xf32, #tpu.memory_space<vmem_shared>>
        tpu.enqueue_indirect_dma source(%dma_start3A_73 : memref<10000x64xf32, #tpu.memory_space<vmem_shared>>) target(%arg9 : memref<128x64xf32, #tpu.memory_space<vmem>>) offsets(%dma_start3A_70 : memref<128xi32, #tpu.memory_space<vmem>>) semaphore(%arg13 : memref<!tpu.dma_semaphore, #tpu.memory_space<semaphore_mem>>)
      } else {
      }
      %add3A_56 = arith.constant 1 : i32
      %add3A_57 = arith.addi %add3A_39, %add3A_56 : i32
      %dma_wait3A_58 = arith.constant 0 : i32
      %dma_wait3A_59 = tpu.memref_slice %arg7[%add3A_57, %dma_wait3A_58] : memref<80x128xi32, #tpu.memory_space<vmem>> -> memref<1x128xi32, #tpu.memory_space<vmem>>
      %dma_wait3A_60 = tpu.memref_squeeze %dma_wait3A_59 : memref<1x128xi32, #tpu.memory_space<vmem>> -> memref<128xi32, #tpu.memory_space<vmem>>
      %dma_wait3A_61 = arith.constant 0 : i32
      %dma_wait3A_62 = arith.constant 0 : i32
      %dma_wait3A_63 = tpu.memref_slice %arg12[%dma_wait3A_61, %dma_wait3A_62] : memref<10000x64xf32, #tpu.memory_space<vmem_shared>> -> memref<10000x64xf32, #tpu.memory_space<vmem_shared>>
      tpu.wait_indirect_dma semaphore(%arg14 : memref<!tpu.dma_semaphore, #tpu.memory_space<semaphore_mem>>) src(%dma_wait3A_63 : memref<10000x64xf32, #tpu.memory_space<vmem_shared>>) dst(%arg10 : memref<128x64xf32, #tpu.memory_space<vmem>>)
      %add3A_64 = arith.constant 1 : i32
      %add3A_65 = arith.addi %add3A_39, %add3A_64 : i32
      "tpu.region"() ({
        %run_scoped3A = tpu.sem_alloc : memref<!tpu.dma_semaphore, #tpu.memory_space<semaphore_mem>>
        %dma_start3A_66 = arith.constant 0 : i32
        %dma_start3A_67 = tpu.memref_slice %arg8[%add3A_65, %dma_start3A_66] : memref<80x128xi32, #tpu.memory_space<vmem>> -> memref<1x128xi32, #tpu.memory_space<vmem>>
        %dma_start3A_68 = tpu.memref_squeeze %dma_start3A_67 : memref<1x128xi32, #tpu.memory_space<vmem>> -> memref<128xi32, #tpu.memory_space<vmem>>
        %dma_start3A_69 = arith.constant 0 : i32
        %dma_start3A_70 = arith.constant 0 : i32
        %dma_start3A_71 = tpu.memref_slice %arg11[%dma_start3A_69, %dma_start3A_70] : memref<10240x64xf32, #tpu.memory_space<vmem_shared>> -> memref<10240x64xf32, #tpu.memory_space<vmem_shared>>
        tpu.enqueue_indirect_dma source(%arg10 : memref<128x64xf32, #tpu.memory_space<vmem>>) target(%dma_start3A_71 : memref<10240x64xf32, #tpu.memory_space<vmem_shared>>) offsets(%dma_start3A_68 : memref<128xi32, #tpu.memory_space<vmem>>) semaphore(%run_scoped3A : memref<!tpu.dma_semaphore, #tpu.memory_space<semaphore_mem>>) {add = true}
        %dma_wait3A_72 = arith.constant 0 : i32
        %dma_wait3A_73 = tpu.memref_slice %arg8[%add3A_65, %dma_wait3A_72] : memref<80x128xi32, #tpu.memory_space<vmem>> -> memref<1x128xi32, #tpu.memory_space<vmem>>
        %dma_wait3A_74 = tpu.memref_squeeze %dma_wait3A_73 : memref<1x128xi32, #tpu.memory_space<vmem>> -> memref<128xi32, #tpu.memory_space<vmem>>
        %dma_wait3A_75 = arith.constant 0 : i32
        %dma_wait3A_76 = arith.constant 0 : i32
        %dma_wait3A_77 = tpu.memref_slice %arg11[%dma_wait3A_75, %dma_wait3A_76] : memref<10240x64xf32, #tpu.memory_space<vmem_shared>> -> memref<10240x64xf32, #tpu.memory_space<vmem_shared>>
        tpu.wait_indirect_dma semaphore(%run_scoped3A : memref<!tpu.dma_semaphore, #tpu.memory_space<semaphore_mem>>) src(%arg10 : memref<128x64xf32, #tpu.memory_space<vmem>>) dst(%dma_wait3A_77 : memref<10240x64xf32, #tpu.memory_space<vmem_shared>>)
        tpu.yield
      }) : () -> ()
    }
    %barrier3A_36 = arith.constant 0 : index
    tpu.barrier barrier_id(%barrier3A_36)
    "tpu.region"() ({
      %run_scoped3A = tpu.sem_alloc : memref<!tpu.dma_semaphore, #tpu.memory_space<semaphore_mem>>
      %dma_start3A_37 = arith.constant 0 : i32
      %dma_start3A_38 = tpu.memref_slice %arg6[%arg0, %mul3A_9, %dma_start3A_37] : memref<2x10240x64xf32, #tpu.memory_space<hbm>> -> memref<1x640x64xf32, #tpu.memory_space<hbm>>
      %dma_start3A_39 = tpu.memref_squeeze %dma_start3A_38 : memref<1x640x64xf32, #tpu.memory_space<hbm>> -> memref<640x64xf32, #tpu.memory_space<hbm>>
      %dma_start3A_40 = arith.constant 0 : i32
      %dma_start3A_41 = tpu.memref_slice %arg11[%mul3A_9, %dma_start3A_40] : memref<10240x64xf32, #tpu.memory_space<vmem_shared>> -> memref<640x64xf32, #tpu.memory_space<vmem_shared>>
      tpu.enqueue_dma source(%dma_start3A_41 : memref<640x64xf32, #tpu.memory_space<vmem_shared>>) target(%dma_start3A_39 : memref<640x64xf32, #tpu.memory_space<hbm>>) target_semaphore(%run_scoped3A : memref<!tpu.dma_semaphore, #tpu.memory_space<semaphore_mem>>)
      %dma_wait3A = arith.constant 0 : i32
      %dma_wait3A_42 = tpu.memref_slice %arg6[%arg0, %mul3A_9, %dma_wait3A] : memref<2x10240x64xf32, #tpu.memory_space<hbm>> -> memref<1x640x64xf32, #tpu.memory_space<hbm>>
      %dma_wait3A_43 = tpu.memref_squeeze %dma_wait3A_42 : memref<1x640x64xf32, #tpu.memory_space<hbm>> -> memref<640x64xf32, #tpu.memory_space<hbm>>
      %dma_wait3A_44 = arith.constant 0 : i32
      %dma_wait3A_45 = tpu.memref_slice %arg11[%mul3A_9, %dma_wait3A_44] : memref<10240x64xf32, #tpu.memory_space<vmem_shared>> -> memref<640x64xf32, #tpu.memory_space<vmem_shared>>
      tpu.wait_dma2 semaphore(%run_scoped3A : memref<!tpu.dma_semaphore, #tpu.memory_space<semaphore_mem>>) src(%dma_wait3A_45 : memref<640x64xf32, #tpu.memory_space<vmem_shared>>) dst(%dma_wait3A_43 : memref<640x64xf32, #tpu.memory_space<hbm>>)
      tpu.yield
    }) : () -> ()
    return
  }
}

#map = affine_map<(d0, d1) -> (0, 0)>
#map1 = affine_map<(d0, d1) -> (0, 0, 0)>
module attributes {stable_mosaic.version = 14 : i64} {
  func.func @spmm(%arg0: i32, %arg1: i32, %arg2: memref<10000x64xf32, #tpu.memory_space<hbm>>, %arg3: memref<2592x128xi32, #tpu.memory_space<hbm>>, %arg4: memref<2592x128xi32, #tpu.memory_space<hbm>>, %arg5: memref<10240x64xf32, #tpu.memory_space<hbm>>, %arg6: memref<2x10240x64xf32, #tpu.memory_space<hbm>>, %arg7: memref<80x128xi32, #tpu.memory_space<vmem>>, %arg8: memref<80x128xi32, #tpu.memory_space<vmem>>, %arg9: memref<128x64xf32, #tpu.memory_space<vmem>>, %arg10: memref<128x64xf32, #tpu.memory_space<vmem>>, %arg11: memref<10240x64xf32, #tpu.memory_space<vmem_shared>>, %arg12: memref<10000x64xf32, #tpu.memory_space<vmem_shared>>, %arg13: memref<!tpu.dma_semaphore, #tpu.memory_space<semaphore_mem>>, %arg14: memref<!tpu.dma_semaphore, #tpu.memory_space<semaphore_mem>>) attributes {dimension_semantics = [#tpu.dimension_semantics<core_parallel>, #tpu.dimension_semantics<subcore_parallel>], iteration_bounds = array<i64: 2, 16>, scalar_prefetch = 0 : i64, scratch_operands = 8 : i64, tpu.core_type = #tpu.core_type<sc_vector_subcore>, window_params = [{transform_indices = #map}, {transform_indices = #map}, {transform_indices = #map}, {transform_indices = #map}, {transform_indices = #map1}]} {
    %eq3A = arith.constant 0 : i32
    %eq3A_0 = arith.cmpi eq, %arg0, %eq3A : i32
    %select_n3A = arith.constant 80 : i32
    %select_n3A_1 = arith.constant 80 : i32
    %select_n3A_2 = arith.select %eq3A_0, %select_n3A_1, %select_n3A : i32
    %mul3A = arith.constant 80 : i32
    %mul3A_3 = arith.muli %arg1, %mul3A : i32
    %mul3A_4 = arith.constant 80 : i32
    %mul3A_5 = arith.muli %arg1, %mul3A_4 : i32
    %add3A = arith.constant 1280 : i32
    %add3A_6 = arith.addi %add3A, %mul3A_5 : i32
    %select_n3A_7 = arith.select %eq3A_0, %mul3A_3, %add3A_6 : i32
    "tpu.region"() ({
      %run_scoped3A = tpu.sem_alloc : memref<!tpu.dma_semaphore, #tpu.memory_space<semaphore_mem>>
      %dma_start3A_37 = arith.constant 0 : i32
      %dma_start3A_38 = tpu.memref_slice %arg3[%select_n3A_7, %dma_start3A_37] : memref<2592x128xi32, #tpu.memory_space<hbm>> -> memref<80x128xi32, #tpu.memory_space<hbm>>
      %dma_start3A_39 = arith.constant 0 : i32
      %dma_start3A_40 = tpu.memref_slice %arg3[%select_n3A_7, %dma_start3A_39] : memref<2592x128xi32, #tpu.memory_space<hbm>> -> memref<80x128xi32, #tpu.memory_space<hbm>>
      tpu.enqueue_dma source(%dma_start3A_40 : memref<80x128xi32, #tpu.memory_space<hbm>>) target(%arg7 : memref<80x128xi32, #tpu.memory_space<vmem>>) target_semaphore(%run_scoped3A : memref<!tpu.dma_semaphore, #tpu.memory_space<semaphore_mem>>)
      %dma_wait3A = arith.constant 0 : i32
      %dma_wait3A_41 = tpu.memref_slice %arg3[%select_n3A_7, %dma_wait3A] : memref<2592x128xi32, #tpu.memory_space<hbm>> -> memref<80x128xi32, #tpu.memory_space<hbm>>
      %dma_wait3A_42 = arith.constant 0 : i32
      %dma_wait3A_43 = tpu.memref_slice %arg3[%select_n3A_7, %dma_wait3A_42] : memref<2592x128xi32, #tpu.memory_space<hbm>> -> memref<80x128xi32, #tpu.memory_space<hbm>>
      tpu.wait_dma2 semaphore(%run_scoped3A : memref<!tpu.dma_semaphore, #tpu.memory_space<semaphore_mem>>) src(%dma_wait3A_43 : memref<80x128xi32, #tpu.memory_space<hbm>>) dst(%arg7 : memref<80x128xi32, #tpu.memory_space<vmem>>)
      tpu.yield
    }) : () -> ()
    "tpu.region"() ({
      %run_scoped3A = tpu.sem_alloc : memref<!tpu.dma_semaphore, #tpu.memory_space<semaphore_mem>>
      %dma_start3A_37 = arith.constant 0 : i32
      %dma_start3A_38 = tpu.memref_slice %arg4[%select_n3A_7, %dma_start3A_37] : memref<2592x128xi32, #tpu.memory_space<hbm>> -> memref<80x128xi32, #tpu.memory_space<hbm>>
      %dma_start3A_39 = arith.constant 0 : i32
      %dma_start3A_40 = tpu.memref_slice %arg4[%select_n3A_7, %dma_start3A_39] : memref<2592x128xi32, #tpu.memory_space<hbm>> -> memref<80x128xi32, #tpu.memory_space<hbm>>
      tpu.enqueue_dma source(%dma_start3A_40 : memref<80x128xi32, #tpu.memory_space<hbm>>) target(%arg8 : memref<80x128xi32, #tpu.memory_space<vmem>>) target_semaphore(%run_scoped3A : memref<!tpu.dma_semaphore, #tpu.memory_space<semaphore_mem>>)
      %dma_wait3A = arith.constant 0 : i32
      %dma_wait3A_41 = tpu.memref_slice %arg4[%select_n3A_7, %dma_wait3A] : memref<2592x128xi32, #tpu.memory_space<hbm>> -> memref<80x128xi32, #tpu.memory_space<hbm>>
      %dma_wait3A_42 = arith.constant 0 : i32
      %dma_wait3A_43 = tpu.memref_slice %arg4[%select_n3A_7, %dma_wait3A_42] : memref<2592x128xi32, #tpu.memory_space<hbm>> -> memref<80x128xi32, #tpu.memory_space<hbm>>
      tpu.wait_dma2 semaphore(%run_scoped3A : memref<!tpu.dma_semaphore, #tpu.memory_space<semaphore_mem>>) src(%dma_wait3A_43 : memref<80x128xi32, #tpu.memory_space<hbm>>) dst(%arg8 : memref<80x128xi32, #tpu.memory_space<vmem>>)
      tpu.yield
    }) : () -> ()
    %mul3A_8 = arith.constant 640 : i32
    %mul3A_9 = arith.muli %arg1, %mul3A_8 : i32
    %mul3A_10 = arith.constant 625 : i32
    %mul3A_11 = arith.muli %arg1, %mul3A_10 : i32
    %mul3A_12 = arith.constant 625 : i32
    %mul3A_13 = arith.muli %arg1, %mul3A_12 : i32
    "tpu.region"() ({
      %run_scoped3A = tpu.sem_alloc : memref<!tpu.dma_semaphore, #tpu.memory_space<semaphore_mem>>
      %dma_start3A_37 = arith.constant 0 : i32
      %dma_start3A_38 = tpu.memref_slice %arg12[%mul3A_13, %dma_start3A_37] : memref<10000x64xf32, #tpu.memory_space<vmem_shared>> -> memref<625x64xf32, #tpu.memory_space<vmem_shared>>
      %dma_start3A_39 = arith.constant 0 : i32
      %dma_start3A_40 = tpu.memref_slice %arg2[%mul3A_11, %dma_start3A_39] : memref<10000x64xf32, #tpu.memory_space<hbm>> -> memref<625x64xf32, #tpu.memory_space<hbm>>
      tpu.enqueue_dma source(%dma_start3A_40 : memref<625x64xf32, #tpu.memory_space<hbm>>) target(%dma_start3A_38 : memref<625x64xf32, #tpu.memory_space<vmem_shared>>) target_semaphore(%run_scoped3A : memref<!tpu.dma_semaphore, #tpu.memory_space<semaphore_mem>>)
      %dma_wait3A = arith.constant 0 : i32
      %dma_wait3A_41 = tpu.memref_slice %arg12[%mul3A_13, %dma_wait3A] : memref<10000x64xf32, #tpu.memory_space<vmem_shared>> -> memref<625x64xf32, #tpu.memory_space<vmem_shared>>
      %dma_wait3A_42 = arith.constant 0 : i32
      %dma_wait3A_43 = tpu.memref_slice %arg2[%mul3A_11, %dma_wait3A_42] : memref<10000x64xf32, #tpu.memory_space<hbm>> -> memref<625x64xf32, #tpu.memory_space<hbm>>
      tpu.wait_dma2 semaphore(%run_scoped3A : memref<!tpu.dma_semaphore, #tpu.memory_space<semaphore_mem>>) src(%dma_wait3A_43 : memref<625x64xf32, #tpu.memory_space<hbm>>) dst(%dma_wait3A_41 : memref<625x64xf32, #tpu.memory_space<vmem_shared>>)
      tpu.yield
    }) : () -> ()
    "tpu.region"() ({
      %run_scoped3A = tpu.sem_alloc : memref<!tpu.dma_semaphore, #tpu.memory_space<semaphore_mem>>
      %dma_start3A_37 = arith.constant 0 : i32
      %dma_start3A_38 = tpu.memref_slice %arg11[%mul3A_9, %dma_start3A_37] : memref<10240x64xf32, #tpu.memory_space<vmem_shared>> -> memref<640x64xf32, #tpu.memory_space<vmem_shared>>
      %dma_start3A_39 = arith.constant 0 : i32
      %dma_start3A_40 = tpu.memref_slice %arg5[%mul3A_9, %dma_start3A_39] : memref<10240x64xf32, #tpu.memory_space<hbm>> -> memref<640x64xf32, #tpu.memory_space<hbm>>
      tpu.enqueue_dma source(%dma_start3A_40 : memref<640x64xf32, #tpu.memory_space<hbm>>) target(%dma_start3A_38 : memref<640x64xf32, #tpu.memory_space<vmem_shared>>) target_semaphore(%run_scoped3A : memref<!tpu.dma_semaphore, #tpu.memory_space<semaphore_mem>>)
      %dma_wait3A = arith.constant 0 : i32
      %dma_wait3A_41 = tpu.memref_slice %arg11[%mul3A_9, %dma_wait3A] : memref<10240x64xf32, #tpu.memory_space<vmem_shared>> -> memref<640x64xf32, #tpu.memory_space<vmem_shared>>
      %dma_wait3A_42 = arith.constant 0 : i32
      %dma_wait3A_43 = tpu.memref_slice %arg5[%mul3A_9, %dma_wait3A_42] : memref<10240x64xf32, #tpu.memory_space<hbm>> -> memref<640x64xf32, #tpu.memory_space<hbm>>
      tpu.wait_dma2 semaphore(%run_scoped3A : memref<!tpu.dma_semaphore, #tpu.memory_space<semaphore_mem>>) src(%dma_wait3A_43 : memref<640x64xf32, #tpu.memory_space<hbm>>) dst(%dma_wait3A_41 : memref<640x64xf32, #tpu.memory_space<vmem_shared>>)
      tpu.yield
    }) : () -> ()
    %barrier3A = arith.constant 0 : index
    tpu.barrier barrier_id(%barrier3A)
    %dma_start3A = arith.constant 0 : i32
    %dma_start3A_14 = arith.constant 0 : i32
    %dma_start3A_15 = tpu.memref_slice %arg7[%dma_start3A, %dma_start3A_14] : memref<80x128xi32, #tpu.memory_space<vmem>> -> memref<1x128xi32, #tpu.memory_space<vmem>>
    %dma_start3A_16 = tpu.memref_squeeze %dma_start3A_15 : memref<1x128xi32, #tpu.memory_space<vmem>> -> memref<128xi32, #tpu.memory_space<vmem>>
    %dma_start3A_17 = arith.constant 0 : i32
    %dma_start3A_18 = arith.constant 0 : i32
    %dma_start3A_19 = tpu.memref_slice %arg12[%dma_start3A_17, %dma_start3A_18] : memref<10000x64xf32, #tpu.memory_space<vmem_shared>> -> memref<10000x64xf32, #tpu.memory_space<vmem_shared>>
    tpu.enqueue_indirect_dma source(%dma_start3A_19 : memref<10000x64xf32, #tpu.memory_space<vmem_shared>>) target(%arg9 : memref<128x64xf32, #tpu.memory_space<vmem>>) offsets(%dma_start3A_16 : memref<128xi32, #tpu.memory_space<vmem>>) semaphore(%arg13 : memref<!tpu.dma_semaphore, #tpu.memory_space<semaphore_mem>>)
    %sub3A = arith.constant 0 : i32
    %sub3A_20 = arith.subi %select_n3A_2, %sub3A : i32
    %sub3A_21 = arith.constant 2 : i32
    %sub3A_22 = arith.constant 1 : i32
    %sub3A_23 = arith.subi %sub3A_21, %sub3A_22 : i32
    %add3A_24 = arith.addi %sub3A_20, %sub3A_23 : i32
    %div3A = arith.constant 2 : i32
    %div3A_25 = arith.divsi %add3A_24, %div3A : i32
    %while3A = arith.constant 2 : i32
    %while3A_26 = arith.constant 0 : i32
    %while3A_27 = arith.constant 0 : i32
    %while3A_28 = arith.subi %div3A_25, %while3A_27 : i32
    %while3A_29 = arith.addi %while3A_27, %while3A_28 : i32
    %while3A_30 = arith.constant 1 : i32
    %while3A_31 = arith.divsi %while3A_28, %while3A_30 : i32
    %while3A_32 = arith.muli %while3A_31, %while3A_30 : i32
    %while3A_33 = arith.addi %while3A_27, %while3A_32 : i32
    %while3A_34 = arith.constant 1 : i32
    scf.for %while3A_37 = %while3A_27 to %while3A_33 step %while3A_34  : i32 {
      %mul3A_38 = arith.muli %while3A_37, %while3A : i32
      %add3A_39 = arith.addi %while3A_26, %mul3A_38 : i32
      %add3A_40 = arith.constant 1 : i32
      %add3A_41 = arith.addi %add3A_39, %add3A_40 : i32
      %dma_start3A_42 = arith.constant 0 : i32
      %dma_start3A_43 = tpu.memref_slice %arg7[%add3A_41, %dma_start3A_42] : memref<80x128xi32, #tpu.memory_space<vmem>> -> memref<1x128xi32, #tpu.memory_space<vmem>>
      %dma_start3A_44 = tpu.memref_squeeze %dma_start3A_43 : memref<1x128xi32, #tpu.memory_space<vmem>> -> memref<128xi32, #tpu.memory_space<vmem>>
      %dma_start3A_45 = arith.constant 0 : i32
      %dma_start3A_46 = arith.constant 0 : i32
      %dma_start3A_47 = tpu.memref_slice %arg12[%dma_start3A_45, %dma_start3A_46] : memref<10000x64xf32, #tpu.memory_space<vmem_shared>> -> memref<10000x64xf32, #tpu.memory_space<vmem_shared>>
      tpu.enqueue_indirect_dma source(%dma_start3A_47 : memref<10000x64xf32, #tpu.memory_space<vmem_shared>>) target(%arg10 : memref<128x64xf32, #tpu.memory_space<vmem>>) offsets(%dma_start3A_44 : memref<128xi32, #tpu.memory_space<vmem>>) semaphore(%arg14 : memref<!tpu.dma_semaphore, #tpu.memory_space<semaphore_mem>>)
      %dma_wait3A = arith.constant 0 : i32
      %dma_wait3A_48 = tpu.memref_slice %arg7[%add3A_39, %dma_wait3A] : memref<80x128xi32, #tpu.memory_space<vmem>> -> memref<1x128xi32, #tpu.memory_space<vmem>>
      %dma_wait3A_49 = tpu.memref_squeeze %dma_wait3A_48 : memref<1x128xi32, #tpu.memory_space<vmem>> -> memref<128xi32, #tpu.memory_space<vmem>>
      %dma_wait3A_50 = arith.constant 0 : i32
      %dma_wait3A_51 = arith.constant 0 : i32
      %dma_wait3A_52 = tpu.memref_slice %arg12[%dma_wait3A_50, %dma_wait3A_51] : memref<10000x64xf32, #tpu.memory_space<vmem_shared>> -> memref<10000x64xf32, #tpu.memory_space<vmem_shared>>
      tpu.wait_indirect_dma semaphore(%arg13 : memref<!tpu.dma_semaphore, #tpu.memory_space<semaphore_mem>>) src(%dma_wait3A_52 : memref<10000x64xf32, #tpu.memory_space<vmem_shared>>) dst(%arg9 : memref<128x64xf32, #tpu.memory_space<vmem>>)
      "tpu.region"() ({
        %run_scoped3A = tpu.sem_alloc : memref<!tpu.dma_semaphore, #tpu.memory_space<semaphore_mem>>
        %dma_start3A_66 = arith.constant 0 : i32
        %dma_start3A_67 = tpu.memref_slice %arg8[%add3A_39, %dma_start3A_66] : memref<80x128xi32, #tpu.memory_space<vmem>> -> memref<1x128xi32, #tpu.memory_space<vmem>>
        %dma_start3A_68 = tpu.memref_squeeze %dma_start3A_67 : memref<1x128xi32, #tpu.memory_space<vmem>> -> memref<128xi32, #tpu.memory_space<vmem>>
        %dma_start3A_69 = arith.constant 0 : i32
        %dma_start3A_70 = arith.constant 0 : i32
        %dma_start3A_71 = tpu.memref_slice %arg11[%dma_start3A_69, %dma_start3A_70] : memref<10240x64xf32, #tpu.memory_space<vmem_shared>> -> memref<10240x64xf32, #tpu.memory_space<vmem_shared>>
        tpu.enqueue_indirect_dma source(%arg9 : memref<128x64xf32, #tpu.memory_space<vmem>>) target(%dma_start3A_71 : memref<10240x64xf32, #tpu.memory_space<vmem_shared>>) offsets(%dma_start3A_68 : memref<128xi32, #tpu.memory_space<vmem>>) semaphore(%run_scoped3A : memref<!tpu.dma_semaphore, #tpu.memory_space<semaphore_mem>>) {add = true}
        %dma_wait3A_72 = arith.constant 0 : i32
        %dma_wait3A_73 = tpu.memref_slice %arg8[%add3A_39, %dma_wait3A_72] : memref<80x128xi32, #tpu.memory_space<vmem>> -> memref<1x128xi32, #tpu.memory_space<vmem>>
        %dma_wait3A_74 = tpu.memref_squeeze %dma_wait3A_73 : memref<1x128xi32, #tpu.memory_space<vmem>> -> memref<128xi32, #tpu.memory_space<vmem>>
        %dma_wait3A_75 = arith.constant 0 : i32
        %dma_wait3A_76 = arith.constant 0 : i32
        %dma_wait3A_77 = tpu.memref_slice %arg11[%dma_wait3A_75, %dma_wait3A_76] : memref<10240x64xf32, #tpu.memory_space<vmem_shared>> -> memref<10240x64xf32, #tpu.memory_space<vmem_shared>>
        tpu.wait_indirect_dma semaphore(%run_scoped3A : memref<!tpu.dma_semaphore, #tpu.memory_space<semaphore_mem>>) src(%arg9 : memref<128x64xf32, #tpu.memory_space<vmem>>) dst(%dma_wait3A_77 : memref<10240x64xf32, #tpu.memory_space<vmem_shared>>)
        tpu.yield
      }) : () -> ()
      %add3A_53 = arith.constant 2 : i32
      %add3A_54 = arith.addi %add3A_39, %add3A_53 : i32
      %lt3A = arith.cmpi slt, %add3A_54, %select_n3A_2 : i32
      %convert_element_type3A = arith.extui %lt3A : i1 to i32
      %cond3A = arith.constant 0 : i32
      %cond3A_55 = arith.cmpi ne, %convert_element_type3A, %cond3A : i32
      scf.if %cond3A_55 {
        %add3A_66 = arith.constant 2 : i32
        %add3A_67 = arith.addi %add3A_39, %add3A_66 : i32
        %dma_start3A_68 = arith.constant 0 : i32
        %dma_start3A_69 = tpu.memref_slice %arg7[%add3A_67, %dma_start3A_68] : memref<80x128xi32, #tpu.memory_space<vmem>> -> memref<1x128xi32, #tpu.memory_space<vmem>>
        %dma_start3A_70 = tpu.memref_squeeze %dma_start3A_69 : memref<1x128xi32, #tpu.memory_space<vmem>> -> memref<128xi32, #tpu.memory_space<vmem>>
        %dma_start3A_71 = arith.constant 0 : i32
        %dma_start3A_72 = arith.constant 0 : i32
        %dma_start3A_73 = tpu.memref_slice %arg12[%dma_start3A_71, %dma_start3A_72] : memref<10000x64xf32, #tpu.memory_space<vmem_shared>> -> memref<10000x64xf32, #tpu.memory_space<vmem_shared>>
        tpu.enqueue_indirect_dma source(%dma_start3A_73 : memref<10000x64xf32, #tpu.memory_space<vmem_shared>>) target(%arg9 : memref<128x64xf32, #tpu.memory_space<vmem>>) offsets(%dma_start3A_70 : memref<128xi32, #tpu.memory_space<vmem>>) semaphore(%arg13 : memref<!tpu.dma_semaphore, #tpu.memory_space<semaphore_mem>>)
      } else {
      }
      %add3A_56 = arith.constant 1 : i32
      %add3A_57 = arith.addi %add3A_39, %add3A_56 : i32
      %dma_wait3A_58 = arith.constant 0 : i32
      %dma_wait3A_59 = tpu.memref_slice %arg7[%add3A_57, %dma_wait3A_58] : memref<80x128xi32, #tpu.memory_space<vmem>> -> memref<1x128xi32, #tpu.memory_space<vmem>>
      %dma_wait3A_60 = tpu.memref_squeeze %dma_wait3A_59 : memref<1x128xi32, #tpu.memory_space<vmem>> -> memref<128xi32, #tpu.memory_space<vmem>>
      %dma_wait3A_61 = arith.constant 0 : i32
      %dma_wait3A_62 = arith.constant 0 : i32
      %dma_wait3A_63 = tpu.memref_slice %arg12[%dma_wait3A_61, %dma_wait3A_62] : memref<10000x64xf32, #tpu.memory_space<vmem_shared>> -> memref<10000x64xf32, #tpu.memory_space<vmem_shared>>
      tpu.wait_indirect_dma semaphore(%arg14 : memref<!tpu.dma_semaphore, #tpu.memory_space<semaphore_mem>>) src(%dma_wait3A_63 : memref<10000x64xf32, #tpu.memory_space<vmem_shared>>) dst(%arg10 : memref<128x64xf32, #tpu.memory_space<vmem>>)
      %add3A_64 = arith.constant 1 : i32
      %add3A_65 = arith.addi %add3A_39, %add3A_64 : i32
      "tpu.region"() ({
        %run_scoped3A = tpu.sem_alloc : memref<!tpu.dma_semaphore, #tpu.memory_space<semaphore_mem>>
        %dma_start3A_66 = arith.constant 0 : i32
        %dma_start3A_67 = tpu.memref_slice %arg8[%add3A_65, %dma_start3A_66] : memref<80x128xi32, #tpu.memory_space<vmem>> -> memref<1x128xi32, #tpu.memory_space<vmem>>
        %dma_start3A_68 = tpu.memref_squeeze %dma_start3A_67 : memref<1x128xi32, #tpu.memory_space<vmem>> -> memref<128xi32, #tpu.memory_space<vmem>>
        %dma_start3A_69 = arith.constant 0 : i32
        %dma_start3A_70 = arith.constant 0 : i32
        %dma_start3A_71 = tpu.memref_slice %arg11[%dma_start3A_69, %dma_start3A_70] : memref<10240x64xf32, #tpu.memory_space<vmem_shared>> -> memref<10240x64xf32, #tpu.memory_space<vmem_shared>>
        tpu.enqueue_indirect_dma source(%arg10 : memref<128x64xf32, #tpu.memory_space<vmem>>) target(%dma_start3A_71 : memref<10240x64xf32, #tpu.memory_space<vmem_shared>>) offsets(%dma_start3A_68 : memref<128xi32, #tpu.memory_space<vmem>>) semaphore(%run_scoped3A : memref<!tpu.dma_semaphore, #tpu.memory_space<semaphore_mem>>) {add = true}
        %dma_wait3A_72 = arith.constant 0 : i32
        %dma_wait3A_73 = tpu.memref_slice %arg8[%add3A_65, %dma_wait3A_72] : memref<80x128xi32, #tpu.memory_space<vmem>> -> memref<1x128xi32, #tpu.memory_space<vmem>>
        %dma_wait3A_74 = tpu.memref_squeeze %dma_wait3A_73 : memref<1x128xi32, #tpu.memory_space<vmem>> -> memref<128xi32, #tpu.memory_space<vmem>>
        %dma_wait3A_75 = arith.constant 0 : i32
        %dma_wait3A_76 = arith.constant 0 : i32
        %dma_wait3A_77 = tpu.memref_slice %arg11[%dma_wait3A_75, %dma_wait3A_76] : memref<10240x64xf32, #tpu.memory_space<vmem_shared>> -> memref<10240x64xf32, #tpu.memory_space<vmem_shared>>
        tpu.wait_indirect_dma semaphore(%run_scoped3A : memref<!tpu.dma_semaphore, #tpu.memory_space<semaphore_mem>>) src(%arg10 : memref<128x64xf32, #tpu.memory_space<vmem>>) dst(%dma_wait3A_77 : memref<10240x64xf32, #tpu.memory_space<vmem_shared>>)
        tpu.yield
      }) : () -> ()
    }
    %while3A_35 = arith.constant 1 : i32
    scf.for %while3A_37 = %while3A_33 to %while3A_29 step %while3A_35  : i32 {
      %mul3A_38 = arith.muli %while3A_37, %while3A : i32
      %add3A_39 = arith.addi %while3A_26, %mul3A_38 : i32
      %add3A_40 = arith.constant 1 : i32
      %add3A_41 = arith.addi %add3A_39, %add3A_40 : i32
      %dma_start3A_42 = arith.constant 0 : i32
      %dma_start3A_43 = tpu.memref_slice %arg7[%add3A_41, %dma_start3A_42] : memref<80x128xi32, #tpu.memory_space<vmem>> -> memref<1x128xi32, #tpu.memory_space<vmem>>
      %dma_start3A_44 = tpu.memref_squeeze %dma_start3A_43 : memref<1x128xi32, #tpu.memory_space<vmem>> -> memref<128xi32, #tpu.memory_space<vmem>>
      %dma_start3A_45 = arith.constant 0 : i32
      %dma_start3A_46 = arith.constant 0 : i32
      %dma_start3A_47 = tpu.memref_slice %arg12[%dma_start3A_45, %dma_start3A_46] : memref<10000x64xf32, #tpu.memory_space<vmem_shared>> -> memref<10000x64xf32, #tpu.memory_space<vmem_shared>>
      tpu.enqueue_indirect_dma source(%dma_start3A_47 : memref<10000x64xf32, #tpu.memory_space<vmem_shared>>) target(%arg10 : memref<128x64xf32, #tpu.memory_space<vmem>>) offsets(%dma_start3A_44 : memref<128xi32, #tpu.memory_space<vmem>>) semaphore(%arg14 : memref<!tpu.dma_semaphore, #tpu.memory_space<semaphore_mem>>)
      %dma_wait3A = arith.constant 0 : i32
      %dma_wait3A_48 = tpu.memref_slice %arg7[%add3A_39, %dma_wait3A] : memref<80x128xi32, #tpu.memory_space<vmem>> -> memref<1x128xi32, #tpu.memory_space<vmem>>
      %dma_wait3A_49 = tpu.memref_squeeze %dma_wait3A_48 : memref<1x128xi32, #tpu.memory_space<vmem>> -> memref<128xi32, #tpu.memory_space<vmem>>
      %dma_wait3A_50 = arith.constant 0 : i32
      %dma_wait3A_51 = arith.constant 0 : i32
      %dma_wait3A_52 = tpu.memref_slice %arg12[%dma_wait3A_50, %dma_wait3A_51] : memref<10000x64xf32, #tpu.memory_space<vmem_shared>> -> memref<10000x64xf32, #tpu.memory_space<vmem_shared>>
      tpu.wait_indirect_dma semaphore(%arg13 : memref<!tpu.dma_semaphore, #tpu.memory_space<semaphore_mem>>) src(%dma_wait3A_52 : memref<10000x64xf32, #tpu.memory_space<vmem_shared>>) dst(%arg9 : memref<128x64xf32, #tpu.memory_space<vmem>>)
      "tpu.region"() ({
        %run_scoped3A = tpu.sem_alloc : memref<!tpu.dma_semaphore, #tpu.memory_space<semaphore_mem>>
        %dma_start3A_66 = arith.constant 0 : i32
        %dma_start3A_67 = tpu.memref_slice %arg8[%add3A_39, %dma_start3A_66] : memref<80x128xi32, #tpu.memory_space<vmem>> -> memref<1x128xi32, #tpu.memory_space<vmem>>
        %dma_start3A_68 = tpu.memref_squeeze %dma_start3A_67 : memref<1x128xi32, #tpu.memory_space<vmem>> -> memref<128xi32, #tpu.memory_space<vmem>>
        %dma_start3A_69 = arith.constant 0 : i32
        %dma_start3A_70 = arith.constant 0 : i32
        %dma_start3A_71 = tpu.memref_slice %arg11[%dma_start3A_69, %dma_start3A_70] : memref<10240x64xf32, #tpu.memory_space<vmem_shared>> -> memref<10240x64xf32, #tpu.memory_space<vmem_shared>>
        tpu.enqueue_indirect_dma source(%arg9 : memref<128x64xf32, #tpu.memory_space<vmem>>) target(%dma_start3A_71 : memref<10240x64xf32, #tpu.memory_space<vmem_shared>>) offsets(%dma_start3A_68 : memref<128xi32, #tpu.memory_space<vmem>>) semaphore(%run_scoped3A : memref<!tpu.dma_semaphore, #tpu.memory_space<semaphore_mem>>) {add = true}
        %dma_wait3A_72 = arith.constant 0 : i32
        %dma_wait3A_73 = tpu.memref_slice %arg8[%add3A_39, %dma_wait3A_72] : memref<80x128xi32, #tpu.memory_space<vmem>> -> memref<1x128xi32, #tpu.memory_space<vmem>>
        %dma_wait3A_74 = tpu.memref_squeeze %dma_wait3A_73 : memref<1x128xi32, #tpu.memory_space<vmem>> -> memref<128xi32, #tpu.memory_space<vmem>>
        %dma_wait3A_75 = arith.constant 0 : i32
        %dma_wait3A_76 = arith.constant 0 : i32
        %dma_wait3A_77 = tpu.memref_slice %arg11[%dma_wait3A_75, %dma_wait3A_76] : memref<10240x64xf32, #tpu.memory_space<vmem_shared>> -> memref<10240x64xf32, #tpu.memory_space<vmem_shared>>
        tpu.wait_indirect_dma semaphore(%run_scoped3A : memref<!tpu.dma_semaphore, #tpu.memory_space<semaphore_mem>>) src(%arg9 : memref<128x64xf32, #tpu.memory_space<vmem>>) dst(%dma_wait3A_77 : memref<10240x64xf32, #tpu.memory_space<vmem_shared>>)
        tpu.yield
      }) : () -> ()
      %add3A_53 = arith.constant 2 : i32
      %add3A_54 = arith.addi %add3A_39, %add3A_53 : i32
      %lt3A = arith.cmpi slt, %add3A_54, %select_n3A_2 : i32
      %convert_element_type3A = arith.extui %lt3A : i1 to i32
      %cond3A = arith.constant 0 : i32
      %cond3A_55 = arith.cmpi ne, %convert_element_type3A, %cond3A : i32
      scf.if %cond3A_55 {
        %add3A_66 = arith.constant 2 : i32
        %add3A_67 = arith.addi %add3A_39, %add3A_66 : i32
        %dma_start3A_68 = arith.constant 0 : i32
        %dma_start3A_69 = tpu.memref_slice %arg7[%add3A_67, %dma_start3A_68] : memref<80x128xi32, #tpu.memory_space<vmem>> -> memref<1x128xi32, #tpu.memory_space<vmem>>
        %dma_start3A_70 = tpu.memref_squeeze %dma_start3A_69 : memref<1x128xi32, #tpu.memory_space<vmem>> -> memref<128xi32, #tpu.memory_space<vmem>>
        %dma_start3A_71 = arith.constant 0 : i32
        %dma_start3A_72 = arith.constant 0 : i32
        %dma_start3A_73 = tpu.memref_slice %arg12[%dma_start3A_71, %dma_start3A_72] : memref<10000x64xf32, #tpu.memory_space<vmem_shared>> -> memref<10000x64xf32, #tpu.memory_space<vmem_shared>>
        tpu.enqueue_indirect_dma source(%dma_start3A_73 : memref<10000x64xf32, #tpu.memory_space<vmem_shared>>) target(%arg9 : memref<128x64xf32, #tpu.memory_space<vmem>>) offsets(%dma_start3A_70 : memref<128xi32, #tpu.memory_space<vmem>>) semaphore(%arg13 : memref<!tpu.dma_semaphore, #tpu.memory_space<semaphore_mem>>)
      } else {
      }
      %add3A_56 = arith.constant 1 : i32
      %add3A_57 = arith.addi %add3A_39, %add3A_56 : i32
      %dma_wait3A_58 = arith.constant 0 : i32
      %dma_wait3A_59 = tpu.memref_slice %arg7[%add3A_57, %dma_wait3A_58] : memref<80x128xi32, #tpu.memory_space<vmem>> -> memref<1x128xi32, #tpu.memory_space<vmem>>
      %dma_wait3A_60 = tpu.memref_squeeze %dma_wait3A_59 : memref<1x128xi32, #tpu.memory_space<vmem>> -> memref<128xi32, #tpu.memory_space<vmem>>
      %dma_wait3A_61 = arith.constant 0 : i32
      %dma_wait3A_62 = arith.constant 0 : i32
      %dma_wait3A_63 = tpu.memref_slice %arg12[%dma_wait3A_61, %dma_wait3A_62] : memref<10000x64xf32, #tpu.memory_space<vmem_shared>> -> memref<10000x64xf32, #tpu.memory_space<vmem_shared>>
      tpu.wait_indirect_dma semaphore(%arg14 : memref<!tpu.dma_semaphore, #tpu.memory_space<semaphore_mem>>) src(%dma_wait3A_63 : memref<10000x64xf32, #tpu.memory_space<vmem_shared>>) dst(%arg10 : memref<128x64xf32, #tpu.memory_space<vmem>>)
      %add3A_64 = arith.constant 1 : i32
      %add3A_65 = arith.addi %add3A_39, %add3A_64 : i32
      "tpu.region"() ({
        %run_scoped3A = tpu.sem_alloc : memref<!tpu.dma_semaphore, #tpu.memory_space<semaphore_mem>>
        %dma_start3A_66 = arith.constant 0 : i32
        %dma_start3A_67 = tpu.memref_slice %arg8[%add3A_65, %dma_start3A_66] : memref<80x128xi32, #tpu.memory_space<vmem>> -> memref<1x128xi32, #tpu.memory_space<vmem>>
        %dma_start3A_68 = tpu.memref_squeeze %dma_start3A_67 : memref<1x128xi32, #tpu.memory_space<vmem>> -> memref<128xi32, #tpu.memory_space<vmem>>
        %dma_start3A_69 = arith.constant 0 : i32
        %dma_start3A_70 = arith.constant 0 : i32
        %dma_start3A_71 = tpu.memref_slice %arg11[%dma_start3A_69, %dma_start3A_70] : memref<10240x64xf32, #tpu.memory_space<vmem_shared>> -> memref<10240x64xf32, #tpu.memory_space<vmem_shared>>
        tpu.enqueue_indirect_dma source(%arg10 : memref<128x64xf32, #tpu.memory_space<vmem>>) target(%dma_start3A_71 : memref<10240x64xf32, #tpu.memory_space<vmem_shared>>) offsets(%dma_start3A_68 : memref<128xi32, #tpu.memory_space<vmem>>) semaphore(%run_scoped3A : memref<!tpu.dma_semaphore, #tpu.memory_space<semaphore_mem>>) {add = true}
        %dma_wait3A_72 = arith.constant 0 : i32
        %dma_wait3A_73 = tpu.memref_slice %arg8[%add3A_65, %dma_wait3A_72] : memref<80x128xi32, #tpu.memory_space<vmem>> -> memref<1x128xi32, #tpu.memory_space<vmem>>
        %dma_wait3A_74 = tpu.memref_squeeze %dma_wait3A_73 : memref<1x128xi32, #tpu.memory_space<vmem>> -> memref<128xi32, #tpu.memory_space<vmem>>
        %dma_wait3A_75 = arith.constant 0 : i32
        %dma_wait3A_76 = arith.constant 0 : i32
        %dma_wait3A_77 = tpu.memref_slice %arg11[%dma_wait3A_75, %dma_wait3A_76] : memref<10240x64xf32, #tpu.memory_space<vmem_shared>> -> memref<10240x64xf32, #tpu.memory_space<vmem_shared>>
        tpu.wait_indirect_dma semaphore(%run_scoped3A : memref<!tpu.dma_semaphore, #tpu.memory_space<semaphore_mem>>) src(%arg10 : memref<128x64xf32, #tpu.memory_space<vmem>>) dst(%dma_wait3A_77 : memref<10240x64xf32, #tpu.memory_space<vmem_shared>>)
        tpu.yield
      }) : () -> ()
    }
    %barrier3A_36 = arith.constant 0 : index
    tpu.barrier barrier_id(%barrier3A_36)
    "tpu.region"() ({
      %run_scoped3A = tpu.sem_alloc : memref<!tpu.dma_semaphore, #tpu.memory_space<semaphore_mem>>
      %dma_start3A_37 = arith.constant 0 : i32
      %dma_start3A_38 = tpu.memref_slice %arg6[%arg0, %mul3A_9, %dma_start3A_37] : memref<2x10240x64xf32, #tpu.memory_space<hbm>> -> memref<1x640x64xf32, #tpu.memory_space<hbm>>
      %dma_start3A_39 = tpu.memref_squeeze %dma_start3A_38 : memref<1x640x64xf32, #tpu.memory_space<hbm>> -> memref<640x64xf32, #tpu.memory_space<hbm>>
      %dma_start3A_40 = arith.constant 0 : i32
      %dma_start3A_41 = tpu.memref_slice %arg11[%mul3A_9, %dma_start3A_40] : memref<10240x64xf32, #tpu.memory_space<vmem_shared>> -> memref<640x64xf32, #tpu.memory_space<vmem_shared>>
      tpu.enqueue_dma source(%dma_start3A_41 : memref<640x64xf32, #tpu.memory_space<vmem_shared>>) target(%dma_start3A_39 : memref<640x64xf32, #tpu.memory_space<hbm>>) target_semaphore(%run_scoped3A : memref<!tpu.dma_semaphore, #tpu.memory_space<semaphore_mem>>)
      %dma_wait3A = arith.constant 0 : i32
      %dma_wait3A_42 = tpu.memref_slice %arg6[%arg0, %mul3A_9, %dma_wait3A] : memref<2x10240x64xf32, #tpu.memory_space<hbm>> -> memref<1x640x64xf32, #tpu.memory_space<hbm>>
      %dma_wait3A_43 = tpu.memref_squeeze %dma_wait3A_42 : memref<1x640x64xf32, #tpu.memory_space<hbm>> -> memref<640x64xf32, #tpu.memory_space<hbm>>
      %dma_wait3A_44 = arith.constant 0 : i32
      %dma_wait3A_45 = tpu.memref_slice %arg11[%mul3A_9, %dma_wait3A_44] : memref<10240x64xf32, #tpu.memory_space<vmem_shared>> -> memref<640x64xf32, #tpu.memory_space<vmem_shared>>
      tpu.wait_dma2 semaphore(%run_scoped3A : memref<!tpu.dma_semaphore, #tpu.memory_space<semaphore_mem>>) src(%dma_wait3A_45 : memref<640x64xf32, #tpu.memory_space<vmem_shared>>) dst(%dma_wait3A_43 : memref<640x64xf32, #tpu.memory_space<hbm>>)
      tpu.yield
    }) : () -> ()
    return
  }
}

module attributes {stable_mosaic.version = 14 : i64} {
  func.func @_prep_body(%arg0: memref<2x320000xi32, #tpu.memory_space<vmem>>, %arg1: memref<2592x128xi32, #tpu.memory_space<vmem>>, %arg2: memref<2592x128xi32, #tpu.memory_space<vmem>>) attributes {dimension_semantics = [], scalar_prefetch = 0 : i64, scratch_operands = 0 : i64, tpu.core_type = #tpu.core_type<tc>} {
    %get3A = arith.constant 0 : index
    %get3A_0 = arith.constant 0 : index
    %get3A_1 = vector.load %arg0[%get3A, %get3A_0] : memref<2x320000xi32, #tpu.memory_space<vmem>>, vector<1x320000xi32>
    %get3A_2 = vector.shape_cast %get3A_1 : vector<1x320000xi32> to vector<320000xi32>
    %reshape3A = vector.shape_cast %get3A_2 : vector<320000xi32> to vector<2500x128xi32>
    %swap3A = arith.constant 0 : index
    %swap3A_3 = arith.constant 0 : index
    %swap3A_4 = vector.load %arg1[%swap3A, %swap3A_3] : memref<2592x128xi32, #tpu.memory_space<vmem>>, vector<2500x128xi32>
    tpu.vector_store %arg1[%swap3A, %swap3A_3], %reshape3A {strides = array<i32>} : memref<2592x128xi32, #tpu.memory_space<vmem>>, vector<2500x128xi32>,
    %get3A_5 = arith.constant 1 : index
    %get3A_6 = arith.constant 0 : index
    %get3A_7 = vector.load %arg0[%get3A_5, %get3A_6] : memref<2x320000xi32, #tpu.memory_space<vmem>>, vector<1x320000xi32>
    %get3A_8 = vector.shape_cast %get3A_7 : vector<1x320000xi32> to vector<320000xi32>
    %reshape3A_9 = vector.shape_cast %get3A_8 : vector<320000xi32> to vector<2500x128xi32>
    %swap3A_10 = arith.constant 0 : index
    %swap3A_11 = arith.constant 0 : index
    %swap3A_12 = vector.load %arg2[%swap3A_10, %swap3A_11] : memref<2592x128xi32, #tpu.memory_space<vmem>>, vector<2500x128xi32>
    tpu.vector_store %arg2[%swap3A_10, %swap3A_11], %reshape3A_9 {strides = array<i32>} : memref<2592x128xi32, #tpu.memory_space<vmem>>, vector<2500x128xi32>,
    %broadcast_in_dim3A = arith.constant 0 : i32
    %broadcast_in_dim3A_13 = vector.broadcast %broadcast_in_dim3A : i32 to vector<92x128xi32>
    %swap3A_14 = arith.constant 2500 : index
    %swap3A_15 = arith.constant 0 : index
    %swap3A_16 = vector.load %arg1[%swap3A_14, %swap3A_15] : memref<2592x128xi32, #tpu.memory_space<vmem>>, vector<92x128xi32>
    tpu.vector_store %arg1[%swap3A_14, %swap3A_15], %broadcast_in_dim3A_13 {strides = array<i32>} : memref<2592x128xi32, #tpu.memory_space<vmem>>, vector<92x128xi32>,
    %broadcast_in_dim3A_17 = arith.constant 10000 : i32
    %broadcast_in_dim3A_18 = vector.broadcast %broadcast_in_dim3A_17 : i32 to vector<92x128xi32>
    %swap3A_19 = arith.constant 2500 : index
    %swap3A_20 = arith.constant 0 : index
    %swap3A_21 = vector.load %arg2[%swap3A_19, %swap3A_20] : memref<2592x128xi32, #tpu.memory_space<vmem>>, vector<92x128xi32>
    tpu.vector_store %arg2[%swap3A_19, %swap3A_20], %broadcast_in_dim3A_18 {strides = array<i32>} : memref<2592x128xi32, #tpu.memory_space<vmem>>, vector<92x128xi32>,
    return
  }
}

module attributes {stable_mosaic.version = 14 : i64} {
  func.func @_mm1_body(%arg0: memref<5000x256xf32, #tpu.memory_space<vmem>>, %arg1: memref<256x128xf32, #tpu.memory_space<vmem>>, %arg2: memref<5000x128xf32, #tpu.memory_space<vmem>>) attributes {dimension_semantics = [], scalar_prefetch = 0 : i64, scratch_operands = 0 : i64, tpu.core_type = #tpu.core_type<tc>} {
    %get3A = arith.constant 0 : index
    %get3A_0 = arith.constant 0 : index
    %get3A_1 = vector.load %arg0[%get3A, %get3A_0] : memref<5000x256xf32, #tpu.memory_space<vmem>>, vector<5000x256xf32>
    %get3A_2 = arith.constant 0 : index
    %get3A_3 = arith.constant 0 : index
    %get3A_4 = vector.load %arg1[%get3A_2, %get3A_3] : memref<256x128xf32, #tpu.memory_space<vmem>>, vector<256x128xf32>
    %dot_general3A = arith.constant dense<0.000000e+00> : vector<5000x128xf32>
    %dot_general3A_5 = tpu.matmul %get3A_1, %get3A_4, %dot_general3A {dimension_numbers = #tpu.dot_dimension_numbers<[1], [0], [0], [1], [0, 0, 1, 1], [], []>, transpose_lhs_hint = false} : vector<5000x256xf32>, vector<256x128xf32>, vector<5000x128xf32> -> vector<5000x128xf32>
    %swap3A = arith.constant 0 : index
    %swap3A_6 = arith.constant 0 : index
    %swap3A_7 = vector.load %arg2[%swap3A, %swap3A_6] : memref<5000x128xf32, #tpu.memory_space<vmem>>, vector<5000x128xf32>
    tpu.vector_store %arg2[%swap3A, %swap3A_6], %dot_general3A_5 {strides = array<i32>} : memref<5000x128xf32, #tpu.memory_space<vmem>>, vector<5000x128xf32>,
    return
  }
}

module attributes {stable_mosaic.version = 14 : i64} {
  func.func @_scale_body(%arg0: memref<2x5120x16xf32, #tpu.memory_space<vmem>>, %arg1: memref<5000x128xf32, #tpu.memory_space<vmem>>, %arg2: memref<5000x128xf32, #tpu.memory_space<vmem>>, %arg3: memref<5000x128xf32, #tpu.memory_space<vmem>>, %arg4: memref<5000x16xf32, #tpu.memory_space<vmem>>) attributes {dimension_semantics = [], scalar_prefetch = 0 : i64, scratch_operands = 0 : i64, tpu.core_type = #tpu.core_type<tc>} {
    %get3A = arith.constant 0 : index
    %get3A_0 = arith.constant 0 : index
    %get3A_1 = arith.constant 0 : index
    %get3A_2 = vector.load %arg0[%get3A, %get3A_0, %get3A_1] : memref<2x5120x16xf32, #tpu.memory_space<vmem>>, vector<1x5000x16xf32>
    %get3A_3 = vector.shape_cast %get3A_2 : vector<1x5000x16xf32> to vector<5000x16xf32>
    %get3A_4 = arith.constant 1 : index
    %get3A_5 = arith.constant 0 : index
    %get3A_6 = arith.constant 0 : index
    %get3A_7 = vector.load %arg0[%get3A_4, %get3A_5, %get3A_6] : memref<2x5120x16xf32, #tpu.memory_space<vmem>>, vector<1x5000x16xf32>
    %get3A_8 = vector.shape_cast %get3A_7 : vector<1x5000x16xf32> to vector<5000x16xf32>
    %add3A = arith.addf %get3A_3, %get3A_8 : vector<5000x16xf32>
    %add3A_9 = arith.constant 1.000000e+00 : f32
    %add3A_10 = vector.broadcast %add3A_9 : f32 to vector<5000x16xf32>
    %add3A_11 = arith.addf %add3A, %add3A_10 : vector<5000x16xf32>
    %rsqrt3A = math.rsqrt %add3A_11 : vector<5000x16xf32>
    %swap3A = arith.constant 0 : index
    %swap3A_12 = arith.constant 0 : index
    %swap3A_13 = vector.load %arg4[%swap3A, %swap3A_12] : memref<5000x16xf32, #tpu.memory_space<vmem>>, vector<5000x16xf32>
    tpu.vector_store %arg4[%swap3A, %swap3A_12], %rsqrt3A {strides = array<i32>} : memref<5000x16xf32, #tpu.memory_space<vmem>>, vector<5000x16xf32>,
    %iota3A = tpu.iota {dimensions = array<i32: 1>} : vector<16x128xi32>
    %jit3A = arith.constant 8 : i32
    %div3A = vector.broadcast %jit3A : i32 to vector<16x128xi32>
    %div3A_14 = arith.divsi %iota3A, %div3A : vector<16x128xi32>
    %sign3A = arith.constant 0 : i32
    %sign3A_15 = vector.broadcast %sign3A : i32 to vector<16x128xi32>
    %sign3A_16 = arith.cmpi sgt, %iota3A, %sign3A_15 : vector<16x128xi32>
    %sign3A_17 = arith.extui %sign3A_16 : vector<16x128xi1> to vector<16x128xi32>
    %sign3A_18 = arith.constant 0 : i32
    %sign3A_19 = vector.broadcast %sign3A_18 : i32 to vector<16x128xi32>
    %sign3A_20 = arith.cmpi slt, %iota3A, %sign3A_19 : vector<16x128xi32>
    %sign3A_21 = arith.extui %sign3A_20 : vector<16x128xi1> to vector<16x128xi32>
    %sign3A_22 = arith.subi %sign3A_17, %sign3A_21 : vector<16x128xi32>
    %sign3A_23 = arith.constant 0 : i32
    %sign3A_24 = arith.cmpi sgt, %jit3A, %sign3A_23 : i32
    %sign3A_25 = arith.extui %sign3A_24 : i1 to i32
    %sign3A_26 = arith.constant 0 : i32
    %sign3A_27 = arith.cmpi slt, %jit3A, %sign3A_26 : i32
    %sign3A_28 = arith.extui %sign3A_27 : i1 to i32
    %sign3A_29 = arith.subi %sign3A_25, %sign3A_28 : i32
    %ne3A = vector.broadcast %sign3A_29 : i32 to vector<16x128xi32>
    %ne3A_30 = arith.cmpi ne, %sign3A_22, %ne3A : vector<16x128xi32>
    %rem3A = vector.broadcast %jit3A : i32 to vector<16x128xi32>
    %rem3A_31 = arith.remsi %iota3A, %rem3A : vector<16x128xi32>
    %ne3A_32 = arith.constant 0 : i32
    %ne3A_33 = vector.broadcast %ne3A_32 : i32 to vector<16x128xi32>
    %ne3A_34 = arith.cmpi ne, %rem3A_31, %ne3A_33 : vector<16x128xi32>
    %and3A = arith.andi %ne3A_30, %ne3A_34 : vector<16x128xi1>
    %sub3A = arith.constant 1 : i32
    %sub3A_35 = vector.broadcast %sub3A : i32 to vector<16x128xi32>
    %sub3A_36 = arith.subi %div3A_14, %sub3A_35 : vector<16x128xi32>
    %select_n3A = arith.select %and3A, %sub3A_36, %div3A_14 : vector<16x128xi1>, vector<16x128xi32>
    %iota3A_37 = tpu.iota {dimensions = array<i32: 0>} : vector<16x128xi32>
    %eq3A = arith.cmpi eq, %select_n3A, %iota3A_37 : vector<16x128xi32>
    %convert_element_type3A = arith.extui %eq3A : vector<16x128xi1> to vector<16x128xi32>
    %convert_element_type3A_38 = arith.sitofp %convert_element_type3A : vector<16x128xi32> to vector<16x128xf32>
    %dot_general3A = arith.constant dense<0.000000e+00> : vector<5000x128xf32>
    %dot_general3A_39 = tpu.matmul %rsqrt3A, %convert_element_type3A_38, %dot_general3A {dimension_numbers = #tpu.dot_dimension_numbers<[1], [0], [0], [1], [0, 0, 1, 1], [], []>, transpose_lhs_hint = false} : vector<5000x16xf32>, vector<16x128xf32>, vector<5000x128xf32> -> vector<5000x128xf32>
    %swap3A_40 = arith.constant 0 : index
    %swap3A_41 = arith.constant 0 : index
    %swap3A_42 = vector.load %arg3[%swap3A_40, %swap3A_41] : memref<5000x128xf32, #tpu.memory_space<vmem>>, vector<5000x128xf32>
    tpu.vector_store %arg3[%swap3A_40, %swap3A_41], %dot_general3A_39 {strides = array<i32>} : memref<5000x128xf32, #tpu.memory_space<vmem>>, vector<5000x128xf32>,
    %get3A_43 = arith.constant 0 : index
    %get3A_44 = arith.constant 0 : index
    %get3A_45 = vector.load %arg1[%get3A_43, %get3A_44] : memref<5000x128xf32, #tpu.memory_space<vmem>>, vector<5000x128xf32>
    %mul3A = arith.mulf %get3A_45, %dot_general3A_39 : vector<5000x128xf32>
    %swap3A_46 = arith.constant 0 : index
    %swap3A_47 = arith.constant 0 : index
    %swap3A_48 = vector.load %arg2[%swap3A_46, %swap3A_47] : memref<5000x128xf32, #tpu.memory_space<vmem>>, vector<5000x128xf32>
    tpu.vector_store %arg2[%swap3A_46, %swap3A_47], %mul3A {strides = array<i32>} : memref<5000x128xf32, #tpu.memory_space<vmem>>, vector<5000x128xf32>,
    return
  }
}

module attributes {stable_mosaic.version = 14 : i64} {
  func.func @_mid_body(%arg0: memref<5000x128xf32, #tpu.memory_space<vmem>>, %arg1: memref<5000x128xf32, #tpu.memory_space<vmem>>, %arg2: memref<2x5120x128xf32, #tpu.memory_space<vmem>>, %arg3: memref<5000x128xf32, #tpu.memory_space<vmem>>, %arg4: memref<1x128xf32, #tpu.memory_space<vmem>>, %arg5: memref<1x128xf32, #tpu.memory_space<vmem>>, %arg6: memref<1x128xf32, #tpu.memory_space<vmem>>, %arg7: memref<128x128xf32, #tpu.memory_space<vmem>>, %arg8: memref<5000x128xf32, #tpu.memory_space<vmem>>) attributes {dimension_semantics = [], scalar_prefetch = 0 : i64, scratch_operands = 0 : i64, tpu.core_type = #tpu.core_type<tc>} {
    %get3A = arith.constant 0 : index
    %get3A_0 = arith.constant 0 : index
    %get3A_1 = vector.load %arg0[%get3A, %get3A_0] : memref<5000x128xf32, #tpu.memory_space<vmem>>, vector<5000x128xf32>
    %get3A_2 = arith.constant 0 : index
    %get3A_3 = arith.constant 0 : index
    %get3A_4 = arith.constant 0 : index
    %get3A_5 = vector.load %arg2[%get3A_2, %get3A_3, %get3A_4] : memref<2x5120x128xf32, #tpu.memory_space<vmem>>, vector<1x5000x128xf32>
    %get3A_6 = vector.shape_cast %get3A_5 : vector<1x5000x128xf32> to vector<5000x128xf32>
    %get3A_7 = arith.constant 1 : index
    %get3A_8 = arith.constant 0 : index
    %get3A_9 = arith.constant 0 : index
    %get3A_10 = vector.load %arg2[%get3A_7, %get3A_8, %get3A_9] : memref<2x5120x128xf32, #tpu.memory_space<vmem>>, vector<1x5000x128xf32>
    %get3A_11 = vector.shape_cast %get3A_10 : vector<1x5000x128xf32> to vector<5000x128xf32>
    %add3A = arith.addf %get3A_6, %get3A_11 : vector<5000x128xf32>
    %get3A_12 = arith.constant 0 : index
    %get3A_13 = arith.constant 0 : index
    %get3A_14 = vector.load %arg3[%get3A_12, %get3A_13] : memref<5000x128xf32, #tpu.memory_space<vmem>>, vector<5000x128xf32>
    %add3A_15 = arith.addf %add3A, %get3A_14 : vector<5000x128xf32>
    %mul3A = arith.mulf %add3A_15, %get3A_1 : vector<5000x128xf32>
    %get3A_16 = arith.constant 0 : index
    %get3A_17 = arith.constant 0 : index
    %get3A_18 = vector.load %arg4[%get3A_16, %get3A_17] : memref<1x128xf32, #tpu.memory_space<vmem>>, vector<1x128xf32>
    %add3A_19 = vector.broadcast %get3A_18 : vector<1x128xf32> to vector<5000x128xf32>
    %add3A_20 = arith.addf %mul3A, %add3A_19 : vector<5000x128xf32>
    %slice3A = vector.extract_strided_slice %add3A_20 {offsets = [0, 0], sizes = [5000, 64], strides = [1, 1]} : vector<5000x128xf32> to vector<5000x64xf32>
    %reduce_sum3A = arith.constant dense<0.000000e+00> : vector<5000xf32>
    %reduce_sum3A_21 = vector.multi_reduction <add>, %slice3A, %reduce_sum3A [1] : vector<5000x64xf32> to vector<5000xf32>
    %broadcast_in_dim3A = vector.shape_cast %reduce_sum3A_21 : vector<5000xf32> to vector<5000x1xf32>
    %div3A = arith.constant 6.400000e+01 : f32
    %div3A_22 = vector.broadcast %div3A : f32 to vector<5000x1xf32>
    %div3A_23 = arith.divf %broadcast_in_dim3A, %div3A_22 : vector<5000x1xf32>
    %sub3A = vector.broadcast %div3A_23 : vector<5000x1xf32> to vector<5000x64xf32>
    %sub3A_24 = arith.subf %slice3A, %sub3A : vector<5000x64xf32>
    %integer_pow3A = arith.mulf %sub3A_24, %sub3A_24 : vector<5000x64xf32>
    %reduce_sum3A_25 = arith.constant dense<0.000000e+00> : vector<5000xf32>
    %reduce_sum3A_26 = vector.multi_reduction <add>, %integer_pow3A, %reduce_sum3A_25 [1] : vector<5000x64xf32> to vector<5000xf32>
    %broadcast_in_dim3A_27 = vector.shape_cast %reduce_sum3A_26 : vector<5000xf32> to vector<5000x1xf32>
    %div3A_28 = arith.constant 6.400000e+01 : f32
    %div3A_29 = vector.broadcast %div3A_28 : f32 to vector<5000x1xf32>
    %div3A_30 = arith.divf %broadcast_in_dim3A_27, %div3A_29 : vector<5000x1xf32>
    %sub3A_31 = vector.broadcast %div3A_23 : vector<5000x1xf32> to vector<5000x64xf32>
    %sub3A_32 = arith.subf %slice3A, %sub3A_31 : vector<5000x64xf32>
    %add3A_33 = arith.constant 9.99999974E-6 : f32
    %add3A_34 = vector.broadcast %add3A_33 : f32 to vector<5000x1xf32>
    %add3A_35 = arith.addf %div3A_30, %add3A_34 : vector<5000x1xf32>
    %rsqrt3A = math.rsqrt %add3A_35 : vector<5000x1xf32>
    %mul3A_36 = vector.broadcast %rsqrt3A : vector<5000x1xf32> to vector<5000x64xf32>
    %mul3A_37 = arith.mulf %sub3A_32, %mul3A_36 : vector<5000x64xf32>
    %slice3A_38 = vector.extract_strided_slice %add3A_20 {offsets = [0, 64], sizes = [5000, 64], strides = [1, 1]} : vector<5000x128xf32> to vector<5000x64xf32>
    %reduce_sum3A_39 = arith.constant dense<0.000000e+00> : vector<5000xf32>
    %reduce_sum3A_40 = vector.multi_reduction <add>, %slice3A_38, %reduce_sum3A_39 [1] : vector<5000x64xf32> to vector<5000xf32>
    %broadcast_in_dim3A_41 = vector.shape_cast %reduce_sum3A_40 : vector<5000xf32> to vector<5000x1xf32>
    %div3A_42 = arith.constant 6.400000e+01 : f32
    %div3A_43 = vector.broadcast %div3A_42 : f32 to vector<5000x1xf32>
    %div3A_44 = arith.divf %broadcast_in_dim3A_41, %div3A_43 : vector<5000x1xf32>
    %sub3A_45 = vector.broadcast %div3A_44 : vector<5000x1xf32> to vector<5000x64xf32>
    %sub3A_46 = arith.subf %slice3A_38, %sub3A_45 : vector<5000x64xf32>
    %integer_pow3A_47 = arith.mulf %sub3A_46, %sub3A_46 : vector<5000x64xf32>
    %reduce_sum3A_48 = arith.constant dense<0.000000e+00> : vector<5000xf32>
    %reduce_sum3A_49 = vector.multi_reduction <add>, %integer_pow3A_47, %reduce_sum3A_48 [1] : vector<5000x64xf32> to vector<5000xf32>
    %broadcast_in_dim3A_50 = vector.shape_cast %reduce_sum3A_49 : vector<5000xf32> to vector<5000x1xf32>
    %div3A_51 = arith.constant 6.400000e+01 : f32
    %div3A_52 = vector.broadcast %div3A_51 : f32 to vector<5000x1xf32>
    %div3A_53 = arith.divf %broadcast_in_dim3A_50, %div3A_52 : vector<5000x1xf32>
    %sub3A_54 = vector.broadcast %div3A_44 : vector<5000x1xf32> to vector<5000x64xf32>
    %sub3A_55 = arith.subf %slice3A_38, %sub3A_54 : vector<5000x64xf32>
    %add3A_56 = arith.constant 9.99999974E-6 : f32
    %add3A_57 = vector.broadcast %add3A_56 : f32 to vector<5000x1xf32>
    %add3A_58 = arith.addf %div3A_53, %add3A_57 : vector<5000x1xf32>
    %rsqrt3A_59 = math.rsqrt %add3A_58 : vector<5000x1xf32>
    %mul3A_60 = vector.broadcast %rsqrt3A_59 : vector<5000x1xf32> to vector<5000x64xf32>
    %mul3A_61 = arith.mulf %sub3A_55, %mul3A_60 : vector<5000x64xf32>
    %concatenate3A = tpu.concatenate %mul3A_37, %mul3A_61 in 1 : vector<5000x64xf32>, vector<5000x64xf32> -> vector<5000x128xf32>
    %get3A_62 = arith.constant 0 : index
    %get3A_63 = arith.constant 0 : index
    %get3A_64 = vector.load %arg5[%get3A_62, %get3A_63] : memref<1x128xf32, #tpu.memory_space<vmem>>, vector<1x128xf32>
    %mul3A_65 = vector.broadcast %get3A_64 : vector<1x128xf32> to vector<5000x128xf32>
    %mul3A_66 = arith.mulf %concatenate3A, %mul3A_65 : vector<5000x128xf32>
    %get3A_67 = arith.constant 0 : index
    %get3A_68 = arith.constant 0 : index
    %get3A_69 = vector.load %arg6[%get3A_67, %get3A_68] : memref<1x128xf32, #tpu.memory_space<vmem>>, vector<1x128xf32>
    %add3A_70 = vector.broadcast %get3A_69 : vector<1x128xf32> to vector<5000x128xf32>
    %add3A_71 = arith.addf %mul3A_66, %add3A_70 : vector<5000x128xf32>
    %max3A = arith.constant 0.000000e+00 : f32
    %max3A_72 = vector.broadcast %max3A : f32 to vector<5000x128xf32>
    %max3A_73 = arith.maximumf %add3A_71, %max3A_72 : vector<5000x128xf32>
    %get3A_74 = arith.constant 0 : index
    %get3A_75 = arith.constant 0 : index
    %get3A_76 = vector.load %arg7[%get3A_74, %get3A_75] : memref<128x128xf32, #tpu.memory_space<vmem>>, vector<128x128xf32>
    %dot_general3A = arith.constant dense<0.000000e+00> : vector<5000x128xf32>
    %dot_general3A_77 = tpu.matmul %max3A_73, %get3A_76, %dot_general3A {dimension_numbers = #tpu.dot_dimension_numbers<[1], [0], [0], [1], [0, 0, 1, 1], [], []>, transpose_lhs_hint = false} : vector<5000x128xf32>, vector<128x128xf32>, vector<5000x128xf32> -> vector<5000x128xf32>
    %get3A_78 = arith.constant 0 : index
    %get3A_79 = arith.constant 0 : index
    %get3A_80 = vector.load %arg1[%get3A_78, %get3A_79] : memref<5000x128xf32, #tpu.memory_space<vmem>>, vector<5000x128xf32>
    %mul3A_81 = arith.mulf %dot_general3A_77, %get3A_80 : vector<5000x128xf32>
    %swap3A = arith.constant 0 : index
    %swap3A_82 = arith.constant 0 : index
    %swap3A_83 = vector.load %arg8[%swap3A, %swap3A_82] : memref<5000x128xf32, #tpu.memory_space<vmem>>, vector<5000x128xf32>
    tpu.vector_store %arg8[%swap3A, %swap3A_82], %mul3A_81 {strides = array<i32>} : memref<5000x128xf32, #tpu.memory_space<vmem>>, vector<5000x128xf32>,
    return
  }
}

module attributes {stable_mosaic.version = 14 : i64} {
  func.func @_mid_body(%arg0: memref<5000x128xf32, #tpu.memory_space<vmem>>, %arg1: memref<5000x16xf32, #tpu.memory_space<vmem>>, %arg2: memref<2x5120x128xf32, #tpu.memory_space<vmem>>, %arg3: memref<5000x128xf32, #tpu.memory_space<vmem>>, %arg4: memref<1x128xf32, #tpu.memory_space<vmem>>, %arg5: memref<1x128xf32, #tpu.memory_space<vmem>>, %arg6: memref<1x128xf32, #tpu.memory_space<vmem>>, %arg7: memref<128x16xf32, #tpu.memory_space<vmem>>, %arg8: memref<5000x16xf32, #tpu.memory_space<vmem>>) attributes {dimension_semantics = [], scalar_prefetch = 0 : i64, scratch_operands = 0 : i64, tpu.core_type = #tpu.core_type<tc>} {
    %get3A = arith.constant 0 : index
    %get3A_0 = arith.constant 0 : index
    %get3A_1 = vector.load %arg0[%get3A, %get3A_0] : memref<5000x128xf32, #tpu.memory_space<vmem>>, vector<5000x128xf32>
    %get3A_2 = arith.constant 0 : index
    %get3A_3 = arith.constant 0 : index
    %get3A_4 = arith.constant 0 : index
    %get3A_5 = vector.load %arg2[%get3A_2, %get3A_3, %get3A_4] : memref<2x5120x128xf32, #tpu.memory_space<vmem>>, vector<1x5000x128xf32>
    %get3A_6 = vector.shape_cast %get3A_5 : vector<1x5000x128xf32> to vector<5000x128xf32>
    %get3A_7 = arith.constant 1 : index
    %get3A_8 = arith.constant 0 : index
    %get3A_9 = arith.constant 0 : index
    %get3A_10 = vector.load %arg2[%get3A_7, %get3A_8, %get3A_9] : memref<2x5120x128xf32, #tpu.memory_space<vmem>>, vector<1x5000x128xf32>
    %get3A_11 = vector.shape_cast %get3A_10 : vector<1x5000x128xf32> to vector<5000x128xf32>
    %add3A = arith.addf %get3A_6, %get3A_11 : vector<5000x128xf32>
    %get3A_12 = arith.constant 0 : index
    %get3A_13 = arith.constant 0 : index
    %get3A_14 = vector.load %arg3[%get3A_12, %get3A_13] : memref<5000x128xf32, #tpu.memory_space<vmem>>, vector<5000x128xf32>
    %add3A_15 = arith.addf %add3A, %get3A_14 : vector<5000x128xf32>
    %mul3A = arith.mulf %add3A_15, %get3A_1 : vector<5000x128xf32>
    %get3A_16 = arith.constant 0 : index
    %get3A_17 = arith.constant 0 : index
    %get3A_18 = vector.load %arg4[%get3A_16, %get3A_17] : memref<1x128xf32, #tpu.memory_space<vmem>>, vector<1x128xf32>
    %add3A_19 = vector.broadcast %get3A_18 : vector<1x128xf32> to vector<5000x128xf32>
    %add3A_20 = arith.addf %mul3A, %add3A_19 : vector<5000x128xf32>
    %slice3A = vector.extract_strided_slice %add3A_20 {offsets = [0, 0], sizes = [5000, 64], strides = [1, 1]} : vector<5000x128xf32> to vector<5000x64xf32>
    %reduce_sum3A = arith.constant dense<0.000000e+00> : vector<5000xf32>
    %reduce_sum3A_21 = vector.multi_reduction <add>, %slice3A, %reduce_sum3A [1] : vector<5000x64xf32> to vector<5000xf32>
    %broadcast_in_dim3A = vector.shape_cast %reduce_sum3A_21 : vector<5000xf32> to vector<5000x1xf32>
    %div3A = arith.constant 6.400000e+01 : f32
    %div3A_22 = vector.broadcast %div3A : f32 to vector<5000x1xf32>
    %div3A_23 = arith.divf %broadcast_in_dim3A, %div3A_22 : vector<5000x1xf32>
    %sub3A = vector.broadcast %div3A_23 : vector<5000x1xf32> to vector<5000x64xf32>
    %sub3A_24 = arith.subf %slice3A, %sub3A : vector<5000x64xf32>
    %integer_pow3A = arith.mulf %sub3A_24, %sub3A_24 : vector<5000x64xf32>
    %reduce_sum3A_25 = arith.constant dense<0.000000e+00> : vector<5000xf32>
    %reduce_sum3A_26 = vector.multi_reduction <add>, %integer_pow3A, %reduce_sum3A_25 [1] : vector<5000x64xf32> to vector<5000xf32>
    %broadcast_in_dim3A_27 = vector.shape_cast %reduce_sum3A_26 : vector<5000xf32> to vector<5000x1xf32>
    %div3A_28 = arith.constant 6.400000e+01 : f32
    %div3A_29 = vector.broadcast %div3A_28 : f32 to vector<5000x1xf32>
    %div3A_30 = arith.divf %broadcast_in_dim3A_27, %div3A_29 : vector<5000x1xf32>
    %sub3A_31 = vector.broadcast %div3A_23 : vector<5000x1xf32> to vector<5000x64xf32>
    %sub3A_32 = arith.subf %slice3A, %sub3A_31 : vector<5000x64xf32>
    %add3A_33 = arith.constant 9.99999974E-6 : f32
    %add3A_34 = vector.broadcast %add3A_33 : f32 to vector<5000x1xf32>
    %add3A_35 = arith.addf %div3A_30, %add3A_34 : vector<5000x1xf32>
    %rsqrt3A = math.rsqrt %add3A_35 : vector<5000x1xf32>
    %mul3A_36 = vector.broadcast %rsqrt3A : vector<5000x1xf32> to vector<5000x64xf32>
    %mul3A_37 = arith.mulf %sub3A_32, %mul3A_36 : vector<5000x64xf32>
    %slice3A_38 = vector.extract_strided_slice %add3A_20 {offsets = [0, 64], sizes = [5000, 64], strides = [1, 1]} : vector<5000x128xf32> to vector<5000x64xf32>
    %reduce_sum3A_39 = arith.constant dense<0.000000e+00> : vector<5000xf32>
    %reduce_sum3A_40 = vector.multi_reduction <add>, %slice3A_38, %reduce_sum3A_39 [1] : vector<5000x64xf32> to vector<5000xf32>
    %broadcast_in_dim3A_41 = vector.shape_cast %reduce_sum3A_40 : vector<5000xf32> to vector<5000x1xf32>
    %div3A_42 = arith.constant 6.400000e+01 : f32
    %div3A_43 = vector.broadcast %div3A_42 : f32 to vector<5000x1xf32>
    %div3A_44 = arith.divf %broadcast_in_dim3A_41, %div3A_43 : vector<5000x1xf32>
    %sub3A_45 = vector.broadcast %div3A_44 : vector<5000x1xf32> to vector<5000x64xf32>
    %sub3A_46 = arith.subf %slice3A_38, %sub3A_45 : vector<5000x64xf32>
    %integer_pow3A_47 = arith.mulf %sub3A_46, %sub3A_46 : vector<5000x64xf32>
    %reduce_sum3A_48 = arith.constant dense<0.000000e+00> : vector<5000xf32>
    %reduce_sum3A_49 = vector.multi_reduction <add>, %integer_pow3A_47, %reduce_sum3A_48 [1] : vector<5000x64xf32> to vector<5000xf32>
    %broadcast_in_dim3A_50 = vector.shape_cast %reduce_sum3A_49 : vector<5000xf32> to vector<5000x1xf32>
    %div3A_51 = arith.constant 6.400000e+01 : f32
    %div3A_52 = vector.broadcast %div3A_51 : f32 to vector<5000x1xf32>
    %div3A_53 = arith.divf %broadcast_in_dim3A_50, %div3A_52 : vector<5000x1xf32>
    %sub3A_54 = vector.broadcast %div3A_44 : vector<5000x1xf32> to vector<5000x64xf32>
    %sub3A_55 = arith.subf %slice3A_38, %sub3A_54 : vector<5000x64xf32>
    %add3A_56 = arith.constant 9.99999974E-6 : f32
    %add3A_57 = vector.broadcast %add3A_56 : f32 to vector<5000x1xf32>
    %add3A_58 = arith.addf %div3A_53, %add3A_57 : vector<5000x1xf32>
    %rsqrt3A_59 = math.rsqrt %add3A_58 : vector<5000x1xf32>
    %mul3A_60 = vector.broadcast %rsqrt3A_59 : vector<5000x1xf32> to vector<5000x64xf32>
    %mul3A_61 = arith.mulf %sub3A_55, %mul3A_60 : vector<5000x64xf32>
    %concatenate3A = tpu.concatenate %mul3A_37, %mul3A_61 in 1 : vector<5000x64xf32>, vector<5000x64xf32> -> vector<5000x128xf32>
    %get3A_62 = arith.constant 0 : index
    %get3A_63 = arith.constant 0 : index
    %get3A_64 = vector.load %arg5[%get3A_62, %get3A_63] : memref<1x128xf32, #tpu.memory_space<vmem>>, vector<1x128xf32>
    %mul3A_65 = vector.broadcast %get3A_64 : vector<1x128xf32> to vector<5000x128xf32>
    %mul3A_66 = arith.mulf %concatenate3A, %mul3A_65 : vector<5000x128xf32>
    %get3A_67 = arith.constant 0 : index
    %get3A_68 = arith.constant 0 : index
    %get3A_69 = vector.load %arg6[%get3A_67, %get3A_68] : memref<1x128xf32, #tpu.memory_space<vmem>>, vector<1x128xf32>
    %add3A_70 = vector.broadcast %get3A_69 : vector<1x128xf32> to vector<5000x128xf32>
    %add3A_71 = arith.addf %mul3A_66, %add3A_70 : vector<5000x128xf32>
    %max3A = arith.constant 0.000000e+00 : f32
    %max3A_72 = vector.broadcast %max3A : f32 to vector<5000x128xf32>
    %max3A_73 = arith.maximumf %add3A_71, %max3A_72 : vector<5000x128xf32>
    %get3A_74 = arith.constant 0 : index
    %get3A_75 = arith.constant 0 : index
    %get3A_76 = vector.load %arg7[%get3A_74, %get3A_75] : memref<128x16xf32, #tpu.memory_space<vmem>>, vector<128x16xf32>
    %dot_general3A = arith.constant dense<0.000000e+00> : vector<5000x16xf32>
    %dot_general3A_77 = tpu.matmul %max3A_73, %get3A_76, %dot_general3A {dimension_numbers = #tpu.dot_dimension_numbers<[1], [0], [0], [1], [0, 0, 1, 1], [], []>, transpose_lhs_hint = false} : vector<5000x128xf32>, vector<128x16xf32>, vector<5000x16xf32> -> vector<5000x16xf32>
    %get3A_78 = arith.constant 0 : index
    %get3A_79 = arith.constant 0 : index
    %get3A_80 = vector.load %arg1[%get3A_78, %get3A_79] : memref<5000x16xf32, #tpu.memory_space<vmem>>, vector<5000x16xf32>
    %mul3A_81 = arith.mulf %dot_general3A_77, %get3A_80 : vector<5000x16xf32>
    %swap3A = arith.constant 0 : index
    %swap3A_82 = arith.constant 0 : index
    %swap3A_83 = vector.load %arg8[%swap3A, %swap3A_82] : memref<5000x16xf32, #tpu.memory_space<vmem>>, vector<5000x16xf32>
    tpu.vector_store %arg8[%swap3A, %swap3A_82], %mul3A_81 {strides = array<i32>} : memref<5000x16xf32, #tpu.memory_space<vmem>>, vector<5000x16xf32>,
    return
  }
}

module attributes {stable_mosaic.version = 14 : i64} {
  func.func @_fin_body(%arg0: memref<5000x16xf32, #tpu.memory_space<vmem>>, %arg1: memref<2x5120x16xf32, #tpu.memory_space<vmem>>, %arg2: memref<5000x16xf32, #tpu.memory_space<vmem>>, %arg3: memref<1xf32, #tpu.memory_space<smem>>, %arg4: memref<5000x16xf32, #tpu.memory_space<vmem>>) attributes {dimension_semantics = [], scalar_prefetch = 0 : i64, scratch_operands = 0 : i64, tpu.core_type = #tpu.core_type<tc>} {
    %get3A = arith.constant 0 : index
    %get3A_0 = arith.constant 0 : index
    %get3A_1 = arith.constant 0 : index
    %get3A_2 = vector.load %arg1[%get3A, %get3A_0, %get3A_1] : memref<2x5120x16xf32, #tpu.memory_space<vmem>>, vector<1x5000x16xf32>
    %get3A_3 = vector.shape_cast %get3A_2 : vector<1x5000x16xf32> to vector<5000x16xf32>
    %get3A_4 = arith.constant 1 : index
    %get3A_5 = arith.constant 0 : index
    %get3A_6 = arith.constant 0 : index
    %get3A_7 = vector.load %arg1[%get3A_4, %get3A_5, %get3A_6] : memref<2x5120x16xf32, #tpu.memory_space<vmem>>, vector<1x5000x16xf32>
    %get3A_8 = vector.shape_cast %get3A_7 : vector<1x5000x16xf32> to vector<5000x16xf32>
    %add3A = arith.addf %get3A_3, %get3A_8 : vector<5000x16xf32>
    %get3A_9 = arith.constant 0 : index
    %get3A_10 = arith.constant 0 : index
    %get3A_11 = vector.load %arg2[%get3A_9, %get3A_10] : memref<5000x16xf32, #tpu.memory_space<vmem>>, vector<5000x16xf32>
    %add3A_12 = arith.addf %add3A, %get3A_11 : vector<5000x16xf32>
    %get3A_13 = arith.constant 0 : index
    %get3A_14 = arith.constant 0 : index
    %get3A_15 = vector.load %arg0[%get3A_13, %get3A_14] : memref<5000x16xf32, #tpu.memory_space<vmem>>, vector<5000x16xf32>
    %mul3A = arith.mulf %add3A_12, %get3A_15 : vector<5000x16xf32>
    %get3A_16 = arith.constant 0 : index
    %get3A_17 = memref.load %arg3[%get3A_16] : memref<1xf32, #tpu.memory_space<smem>>
    %add3A_18 = vector.broadcast %get3A_17 : f32 to vector<5000x16xf32>
    %add3A_19 = arith.addf %mul3A, %add3A_18 : vector<5000x16xf32>
    %swap3A = arith.constant 0 : index
    %swap3A_20 = arith.constant 0 : index
    %swap3A_21 = vector.load %arg4[%swap3A, %swap3A_20] : memref<5000x16xf32, #tpu.memory_space<vmem>>, vector<5000x16xf32>
    tpu.vector_store %arg4[%swap3A, %swap3A_20], %add3A_19 {strides = array<i32>} : memref<5000x16xf32, #tpu.memory_space<vmem>>, vector<5000x16xf32>,
    return
  }
}

</mosaic_0001>

<sc_bundles>
// kernel: kernel.12.cloned.1.call-start
scs
__scs_entry_jumppad:
0x0: {  	(pc) =	sbr.rel $0x88, $3  }
0x1: {  	(tag) =	ssettag $0x0;
	lr =	simm.s32 $0x1  }
0x2: {  	[smem:$0x3F95] =	sst lr;
	_ =	strace $0xD0000000  }
0x3: {  	_ = 	snop  }
0x4: {  	_ = 	snop  }
0x5: {  	_ = 	snop  }
0x6: {  	_ = 	snop  }
0x7: {  	_ = 	snop  }
__scs_overlays_trampoline_lowered:
0x8: {  	[smem:$0x3FA4] =	sst s0  }
0x9: {  	[smem:$0x3FA5] =	sst s1  }
0xa: {  	[smem:$0x3FA6] =	sst s2  }
0xb: {  	[smem:$0x3FA7] =	sst s3  }
0xc: {  	[smem:$0x3FA8] =	sst s4  }
0xd: {  	[smem:$0x3FA9] =	sst s5  }
0xe: {  	[smem:$0x3FAA] =	sst s6  }
0xf: {  	[smem:$0x3FAB] =	sst s7  }
0x10: {  	[smem:$0x3FAC] =	sst s8  }
0x11: {  	[smem:$0x3FAD] =	sst s9;
	s0 =	simm.s32 @!p0 $0x0  }
0x12: {  	s1 =	sld [smem:$0x3F93];
	s0 =	simm.s32 @p0 $0x1  }
0x13: {  	[smem:$0x3FAE] =	sst s0;
	s0 =	simm.s32 @!p1 $0x0  }
0x14: {  	s2 =	sld [smem:$0x3F92];
	s0 =	simm.s32 @p1 $0x1  }
0x15: {  	[smem:$0x3FAF] =	sst s0;
	s0 =	simm.s32 @!p2 $0x0  }
0x16: {  	s3 =	sld [smem:$0x3FDB];
	s0 =	simm.s32 @p2 $0x1  }
0x17: {  	s4 =	simm.s32 $0x1BF5;
	[smem:$0x3FB1] =	sst s0  }
0x18: {  	s0 =	sld [smem:$0x3F94];
	_ =	swait.ge [sflag:s4], $0x0  }
0x19: {  	s7 =	sld [smem:$0x3F95]  }
0x1a: {  	s8 =	sadd.s32 $0xFFFFE003, lr  }
0x1b: {  	s9 =	sadd.s32 $0xFFFFFEF7, lr;
	s5 =	simm.s32 $0xFFFFFFFF;
	p2 =	slt.u32 s8, $0xFFFFF086  }
0x1c: {  	p1 =	slt.u32 s9, $0xF7A;
	s5 =	simm.s32 @!p2 $0x0  }
0x1d: {  	s5 =	simm.s32 @p1 $0x1;
	p0 =	seq.s32 s7, s2  }
0x1e: {  	s7 =	smul.u32 @!p0 $0xF7A, s2;
	p2 =	seq.s32 @!p0 s5, $0x0  }
0x1f: {  	s9 =	smul.u32 $0xF7A, s1;
	s8 =	simm.s32 @!p0 $0x1BF5;
	p2 =	por !p2, p0  }
0x20: {  	[sflag:s8] =	ssyncset.s32 @!p0 $0xFFFFF086;
	s6 =	sadd.s32 @!p0 s3, s7;
	s7 =	simm.s32 @!p0 $0x108  }
0x21: {  	s3 =	sadd.s32 s3, s9;
	s6 =	sadd.s32 @!p0 $0x88, s6;
	s7 =	simm.s32 @p2 $0x1082  }
0x22: {  	[simem:s7], [sflag:s8] =	dma.local @!p0 [hbm:s6], $0xF7A  }
0x23: {  	s9 =	sor.u32 $0xD0000000, s2;
	s6 =	simm.s32 $0x108;
	_ =	swait.ge @!p0 [sflag:s8], $0x0  }
0x24: {  	s3 =	sadd.s32 $0x88, s3;
	s6 =	simm.s32 @!p1 $0x1082;
	[sflag:s4] =	ssyncset.s32 $0xFFFFF086  }
0x25: {  	[simem:s6], [sflag:s4] =	dma.local [hbm:s3], $0xF7A  }
0x26: {  	[smem:$0x3F95] =	sst s1;
	(tag) =	ssettag s2;
	_ =	strace s9  }
0x27: {  	s1 =	sld [smem:$0x3FA5]  }
0x28: {  	s2 =	sld [smem:$0x3FA6]  }
0x29: {  	s4 =	sld [smem:$0x3FA8]  }
0x2a: {  	p0 =	seq.s32 s5, $0x0;
	s5 =	sld [smem:$0x3FA9]  }
0x2b: {  	s6 =	sld [smem:$0x3FAA]  }
0x2c: {  	s7 =	sld [smem:$0x3FAB]  }
0x2d: {  	s3 =	simm.s32 $0x108;
	s8 =	sld [smem:$0x3FAC]  }
0x2e: {  	s3 =	simm.s32 @!p0 $0x1082;
	s9 =	sld [smem:$0x3FAD]  }
0x2f: {  	lr =	sadd.s32 s0, s3;
	s0 =	sld [smem:$0x3FA4]  }
0x30: {  	s3 =	sld [smem:$0x3FA7]  }
0x31: {  	[smem:$0x3FB0] =	sst s10  }
0x32: {  	s10 =	sld [smem:$0x3FAE];
	_ =	sdelay $0x3  }
0x33: {  	p0 =	seq.s32 s10, $0x1;
	s10 =	sld [smem:$0x3FB0];
	_ =	sdelay $0x3  }
0x34: {  	[smem:$0x3FB0] =	sst s10  }
0x35: {  	s10 =	sld [smem:$0x3FAF];
	_ =	sdelay $0x3  }
0x36: {  	p1 =	seq.s32 s10, $0x1;
	s10 =	sld [smem:$0x3FB0];
	_ =	sdelay $0x3  }
0x37: {  	[smem:$0x3FB0] =	sst s10  }
0x38: {  	s10 =	sld [smem:$0x3FB1]  }
0x39: {  	_ = 	snop;
	(pc) =	sbr.ind lr, $3  }
0x3a: {  	_ = 	snop  }
0x3b: {  	_ = 	snop  }
0x3c: {  	p2 =	seq.s32 s10, $0x1;
	s10 =	sld [smem:$0x3FB0]  }
0x3d: {  	_ =	shalt  }
0x3e: {  	_ =	shalt  }
0x3f: {  	_ =	shalt  }
0x40: {  	_ =	shalt  }
0x41: {  	_ =	shalt  }
0x42: {  	_ =	shalt  }
0x43: {  	_ =	shalt  }
0x44: {  	_ =	shalt  }
0x45: {  	_ =	shalt  }
0x46: {  	_ =	shalt  }
0x47: {  	_ =	shalt  }
0x48: {  	_ =	shalt  }
0x49: {  	_ =	shalt  }
0x4a: {  	_ =	shalt  }
0x4b: {  	_ =	shalt  }
0x4c: {  	_ =	shalt  }
0x4d: {  	_ =	shalt  }
0x4e: {  	_ =	shalt  }
0x4f: {  	_ =	shalt  }
0x50: {  	_ =	shalt  }
0x51: {  	_ =	shalt  }
0x52: {  	_ =	shalt  }
0x53: {  	_ =	shalt  }
0x54: {  	_ =	shalt  }
0x55: {  	_ =	shalt  }
0x56: {  	_ =	shalt  }
0x57: {  	_ =	shalt  }
0x58: {  	_ =	shalt  }
0x59: {  	_ =	shalt  }
0x5a: {  	_ =	shalt  }
0x5b: {  	_ =	shalt  }
0x5c: {  	_ =	shalt  }
0x5d: {  	_ =	shalt  }
0x5e: {  	_ =	shalt  }
0x5f: {  	_ =	shalt  }
0x60: {  	_ =	shalt  }
0x61: {  	_ =	shalt  }
0x62: {  	_ =	shalt  }
0x63: {  	_ =	shalt  }
0x64: {  	_ =	shalt  }
0x65: {  	_ =	shalt  }
0x66: {  	_ =	shalt  }
0x67: {  	_ =	shalt  }
0x68: {  	_ =	shalt  }
0x69: {  	_ =	shalt  }
0x6a: {  	_ =	shalt  }
0x6b: {  	_ =	shalt  }
0x6c: {  	_ =	shalt  }
0x6d: {  	_ =	shalt  }
0x6e: {  	_ =	shalt  }
0x6f: {  	_ =	shalt  }
0x70: {  	_ =	shalt  }
0x71: {  	_ =	shalt  }
0x72: {  	_ =	shalt  }
0x73: {  	_ =	shalt  }
0x74: {  	_ =	shalt  }
0x75: {  	_ =	shalt  }
0x76: {  	_ =	shalt  }
0x77: {  	_ =	shalt  }
0x78: {  	_ =	shalt  }
0x79: {  	_ =	shalt  }
0x7a: {  	_ =	shalt  }
0x7b: {  	_ =	shalt  }
0x7c: {  	_ =	shalt  }
0x7d: {  	_ =	shalt  }
0x7e: {  	_ =	shalt  }
0x7f: {  	_ =	shalt  }
0x80: {  	_ =	shalt  }
0x81: {  	_ =	shalt  }
0x82: {  	_ =	shalt  }
0x83: {  	_ =	shalt  }
0x84: {  	_ =	shalt  }
0x85: {  	_ =	shalt  }
0x86: {  	_ =	shalt  }
0x87: {  	_ =	shalt  }
.Lfunc_end0:
.L_simem_size_0:
called_computation_lowered:
.L_overlay_start_0:
0x88: {  	s2 =	sld [smem:$0x3FD9]  }
0x89: {  	s3 =	sld [smem:$0x3FFE];
	_ =	sdelay $0x1  }
0x8a: {  	s1 =	srdreg.scid  }
0x8b: {  	s0 =	sand.u32 $0x1, s1  }
0x8c: {  	s17 =	sshll.u32 s0, $0xA;
	s2 =	sadd.s32 s3, s2  }
0x8d: {  	s2 =	sadd.s32 s2, s17  }
0x8e: {  	[smem:$0x3FBC] =	sst s2  }
0x8f: {  	_ = 	snop  }
0x90: {  	s2 =	sld [smem:$0x3FD0];
	(tm) =	ssettm $0x1  }
0x91: {  	s18 =	sld [smem:$0x3FFB];
	_ =	sdelay $0x3  }
0x92: {  	_ =	strace s18  }
0x93: {  	s3 =	sld [smem:$0x3FFC];
	_ =	sdelay $0x3  }
0x94: {  	_ =	strace s3  }
0x95: {  	s3 =	sld [smem:$0x3FFD];
	_ =	sdelay $0x3  }
0x96: {  	_ =	strace s3  }
0x97: {  	_ =	strace $0x8FFFFFFF  }
0x98: {  	s19 =	sld [smem:$0x3FDB];
	_ =	sdelay $0x1  }
0x99: {  	s4 =	simm.s32 $_scs_section_size  }
0x9a: {  	s5 =	simm.s32 $_size__tile_overlayer_lowered;
	s6 =	simm.s32 $_tile_overlayer_lowered  }
0x9b: {  	s22 =	simm.s32 $0x1BFF;
	s21 =	sshll.u32 s6, $0x1;
	s3 =	sadd.s32 s4, s19  }
0x9c: {  	s7 =	simm.s32 $0x0;
	s20 =	sshll.u32 s5, $0x1;
	s5 =	sadd.s32 s21, s3  }
0x9d: {  	[timem:s7], [sflag:s22] =	dma.local [hbm:s5], s20  }
0x9e: {  	_ =	swait.ge [sflag:s22], s20  }
0x9f: {  	s4 =	ssub.s32 $0x0, s20;
	[sflag:s22] =	ssyncset.done $0x0  }
0xa0: {  	[sflag:s22] =	ssyncadd.s32 s4;
	_ =	sdelay $0x1  }
0xa1: {  	s23 =	simm.s32 $0x1B8B  }
0xa2: {  	_ =	swait.ge [sflag:s23], $0x1  }
0xa3: {  	[sflag:s23] =	ssyncset.done $0x0  }
0xa4: {  	s25 =	simm.s32 $0x1B8E;
	s24 =	sld [smem:$0x3FFE];
	[sflag:s23] =	ssyncadd.s32 $0xFFFFFFFF  }
0xa5: {  	s26 =	simm.s32 $execute0_lowered;
	[smem:$0x3FD2] =	sst s25  }
0xa6: {  	s5 =	sshll.u32 s26, $0x1;
	_ =	strace $0x80000046;
	[dreg:$0x1] =	wrdreg $0xFFFFFFFF  }
0xa7: {  	s28 =	simm.s32 $_size_execute0_lowered;
	s3 =	sadd.s32 s3, s5;
	[dreg:$0x0] =	wrdreg $0x0  }
0xa8: {  	s5 =	sshll.u32 s28, $0x1;
	[dreg:$0x2] =	wrdreg s3  }
0xa9: {  	[dreg:$0x3] =	wrdreg s5  }
0xaa: {  	[dreg:$0x4] =	wrdreg $0xC0  }
0xab: {  	_ =	task [dreg:s7], $0x5FFFF  }
0xac: {  	[dreg:$0x1] =	wrdreg $0xFFFFFFFF  }
0xad: {  	[dreg:$0x0] =	wrdreg $0x60  }
0xae: {  	[dreg:$0x2] =	wrdreg s2  }
0xaf: {  	[dreg:$0x3] =	wrdreg s24  }
0xb0: {  	[dreg:$0x4] =	wrdreg $0x2C000  }
0xb1: {  	[dreg:$0x5] =	wrdreg $0x9  }
0xb2: {  	_ =	task.clear_ibuf [dreg:s7], $0x6FFFF;
	_ =	strace $0x90000046  }
0xb3: {  	s29 =	simm.s32 $0x9;
	_ =	strace $0x80000048  }
0xb4: {  	_ =	swait.ge [sflag:s29], $0x1  }
0xb5: {  	[sflag:s29] =	ssyncadd.s32 $0xFFFFFFFF  }
0xb6: {  	_ =	strace $0x90000048  }
0xb7: {  	_ =	sfence  }
0xb8: {  	s30 =	sld [smem:$0x0];
	_ =	sdelay $0x2  }
0xb9: {  	s31 =	sshll.u32 s1, $0xD;
	s1 =	sshrl.u32 s1, $0x2  }
0xba: {  	s3 =	sand.u32 $0x4000, s31;
	s1 =	sadd.s32 s1, s30  }
0xbb: {  	s0 =	sor.u32 s3, s0;
	s1 =	sshll.u32 s1, $0x11  }
0xbc: {  	s0 =	sor.u32 s1, s0  }
0xbd: {  	s0 =	sadd.s32 $0x8F2B, s0  }
0xbe: {  	[sflag:s0] =	ssyncadd.remote.s32 $0x1  }
0xbf: {  	_ =	sfence.sel $0xFFFF  }
0xc0: {  	[dreg:$0x0] =	wrdreg $0xFFFFFFFF;
	(pc) =	sbr.abs _section_cstart, $3  }
0xc1: {  	[dreg:$0x1] =	wrdreg $0xFFFFFFFF  }
0xc2: {  	_ =	task.clear_ibuf [dreg:s7], $0x2FFFF;
	_ =	strace $0x9FFFFFFF  }
0xc3: {  	(tm) =	ssettm $0x7FFFFFFF  }
tec
execute0_lowered:
.L_overlay_start_1:
0x0: {  	(tag) =	ssettag $0x1  }
0x1: {  	s2 =	rddreg [dreg:$0x0]  }
0x2: {  	s5 =	rddreg [dreg:$0x1]  }
0x3: {  	s3 =	rddreg [dreg:$0x2]  }
0x4: {  	s0 =	rddreg [dreg:$0x3];
	s1 =	stileid.u32  }
0x5: {  	s4 =	simm.s32 $0x0;
	s6 =	srdreg.scid;
	s13 =	simm.s32 $0x80  }
0x6: {  	s14 =	simm.s32 $0x100;
	s15 =	simm.s32 $0x180;
	s16 =	simm.s32 $0x1  }
0x7: {  	s17 =	simm.s32 $0x2;
	s18 =	simm.s32 $0x3;
	s19 =	simm.s32 $0x4  }
0x8: {  	s20 =	simm.s32 $0x0;
	s7 =	smul.u32 $0x2800, s1;
	[smem:$0x7FF] =	sst s4  }
0x9: {  	s6 =	sand.u32 $0x1, s6;
	s9 =	smul.u32 $0x1400, s1;
	s31 =	sshll.u32 s1, $0x6  }
0xa: {  	p0 =	seq.s32 s6, $0x0;
	s30 =	smul.u32 $0x14000, s6;
	_ =	strace $0x80000047  }
0xb: {  	s6 =	ssub.s32 $0x2, s6;
	s8 =	sadd.s32 $0x28000, s7;
	s10 =	sshrl.u32 s9, $0x3  }
0xc: {  	s11 =	sshrl.u32 s6, $0x1;
	s12 =	sadd.s32 s9, s3;
	s8 =	smov.u32 @p0 s7  }
0xd: {  	s7 =	sadd.s32 s9, s30;
	s10 =	sadd.s32 s10, s5;
	s11 =	ssub.s32 s6, s11  }
0xe: {  	s9 =	simm.s32 $0x5;
	s12 =	sshrl.u32 s12, $0x3;
	s8 =	sshrl.u32 s8, $0x3  }
0xf: {  	s7 =	sshrl.u32 s7, $0x3;
	s6 =	sadd.s32 $0x18000, s10;
	s8 =	sadd.s32 s8, s5  }
0x10: {  	s10 =	simm.s32 $0x2800;
	s7 =	sadd.s32 s7, s5;
	s5 =	sadd.s32 $0x3C00, s8  }
0x11: {  	s7 =	sadd.s32 $0x1A800, s7;
	s8 =	smax.u32 s11, $0x1;
	s11 =	sor.u32 $0x1C05, s31  }
.LBB2_1:
0x12: {  	[tilespmem:s4], [sflag:$0x5] =	stream.linear.gather [hbm4b:s5+s4], $0x2800, $0x38;
	[tilespmem:$0x4000] =	vst v63  }
0x13: {  	_ =	swait.ge [sflag:s9], $0x2800  }
0x14: {  	[sflag:s9] =	ssyncset.done $0x0  }
0x15: {  	[sflag:s9] =	ssyncadd.s32 $0xFFFFD800  }
0x16: {  	[tilespmem:s10], [sflag:$0x5] =	stream.linear.gather [hbm4b:s2+s4], $0x400, $0x38;
	[tilespmem:$0x4000] =	vst v63  }
0x17: {  	_ =	swait.ge [sflag:s9], $0x400  }
0x18: {  	[sflag:s9] =	ssyncset.done $0x0  }
0x19: {  	[sflag:s9] =	ssyncadd.s32 $0xFFFFFC00  }
0x1a: {  	[spmem:s12], [sflag:s11] =	dma.local [hbm:s6], $0x280  }
0x1b: {  	_ =	swait.ge [sflag:s9], $0x280  }
0x1c: {  	[sflag:s9] =	ssyncset.done $0x0  }
0x1d: {  	[sflag:s9] =	ssyncadd.s32 $0xFFFFFD80  }
0x1e: {  	[bflag:$0x0] =	sbarrier.arrive $0xFFFF  }
0x1f: {  	[spmem:s3] =	stream.indirect.scatter.add.f32 [tilespmem:s10], [sflag:$0x1], $0x8, s4, s13, $0xb8;
	[tilespmem:$0x4000] =	vst v63  }
0x20: {  	_ = 	snop  }
0x21: {  	[spmem:s3] =	stream.indirect.scatter.add.f32 [tilespmem:s10], [sflag:$0x2], $0x8, s13, s13, $0xb8;
	[tilespmem:$0x4000] =	vst v63  }
0x22: {  	_ = 	snop  }
0x23: {  	[spmem:s3] =	stream.indirect.scatter.add.f32 [tilespmem:s10], [sflag:$0x3], $0x8, s14, s13, $0xb8;
	[tilespmem:$0x4000] =	vst v63  }
0x24: {  	_ = 	snop  }
0x25: {  	[spmem:s3] =	stream.indirect.scatter.add.f32 [tilespmem:s10], [sflag:$0x4], $0x8, s15, s13, $0xb8;
	[tilespmem:$0x4000] =	vst v63  }
0x26: {  	_ =	swait.ge [sflag:s16], $0x400  }
0x27: {  	[sflag:s16] =	ssyncset.done $0x0  }
0x28: {  	s21 =	simm.s32 $0x200;
	[sflag:s16] =	ssyncadd.s32 $0xFFFFFC00  }
0x29: {  	[spmem:s3] =	stream.indirect.scatter.add.f32 [tilespmem:s10], [sflag:$0x1], $0x8, s21, s13, $0xb8;
	[tilespmem:$0x4000] =	vst v63  }
0x2a: {  	_ =	swait.ge [sflag:s17], $0x400  }
0x2b: {  	[sflag:s17] =	ssyncset.done $0x0  }
0x2c: {  	s30 =	simm.s32 $0x280;
	[sflag:s17] =	ssyncadd.s32 $0xFFFFFC00  }
0x2d: {  	[spmem:s3] =	stream.indirect.scatter.add.f32 [tilespmem:s10], [sflag:$0x2], $0x8, s30, s13, $0xb8;
	[tilespmem:$0x4000] =	vst v63  }
0x2e: {  	_ =	swait.ge [sflag:s18], $0x400  }
0x2f: {  	[sflag:s18] =	ssyncset.done $0x0  }
0x30: {  	s31 =	simm.s32 $0x300;
	[sflag:s18] =	ssyncadd.s32 $0xFFFFFC00  }
0x31: {  	[spmem:s3] =	stream.indirect.scatter.add.f32 [tilespmem:s10], [sflag:$0x3], $0x8, s31, s13, $0xb8;
	[tilespmem:$0x4000] =	vst v63  }
0x32: {  	_ =	swait.ge [sflag:s19], $0x400  }
0x33: {  	[sflag:s19] =	ssyncset.done $0x0  }
0x34: {  	s22 =	simm.s32 $0x380;
	s21 =	simm.s32 $0xFFFF7000;
	[sflag:s19] =	ssyncadd.s32 $0xFFFFFC00  }
.LBB2_2:
0x35: {  	[spmem:s3] =	stream.indirect.scatter.add.f32 [tilespmem:s10], [sflag:$0x4], $0x8, s22, s13, $0xb8;
	[tilespmem:$0x4000] =	vst v63  }
0x36: {  	s22 =	smov.u32 s21  }
0x37: {  	p0 =	sne.s32 s21, $0xFFFFF800;
	s21 =	sadd.s32 $0x800, s21;
	_ =	swait.ge [sflag:s16], $0x400  }
0x38: {  	s22 =	sshra.s32 s22, $0x2;
	[sflag:s16] =	ssyncset.done $0x0  }
0x39: {  	s23 =	sadd.s32 $0x2800, s22;
	[sflag:s16] =	ssyncadd.s32 $0xFFFFFC00  }
0x3a: {  	[spmem:s3] =	stream.indirect.scatter.add.f32 [tilespmem:s10], [sflag:$0x1], $0x8, s23, s13, $0xb8;
	[tilespmem:$0x4000] =	vst v63  }
0x3b: {  	_ =	swait.ge [sflag:s17], $0x400  }
0x3c: {  	[sflag:s17] =	ssyncset.done $0x0  }
0x3d: {  	s23 =	sadd.s32 $0x2880, s22;
	[sflag:s17] =	ssyncadd.s32 $0xFFFFFC00  }
0x3e: {  	[spmem:s3] =	stream.indirect.scatter.add.f32 [tilespmem:s10], [sflag:$0x2], $0x8, s23, s13, $0xb8;
	[tilespmem:$0x4000] =	vst v63  }
0x3f: {  	_ =	swait.ge [sflag:s18], $0x400  }
0x40: {  	[sflag:s18] =	ssyncset.done $0x0  }
.Ltmp0:
0x41: {  	s23 =	sadd.s32 $0x2900, s22;
	[sflag:s18] =	ssyncadd.s32 $0xFFFFFC00;
	(pc) =	sbr.rel @p0 .LBB2_2-.Ltmp0, $4  }
0x42: {  	[spmem:s3] =	stream.indirect.scatter.add.f32 [tilespmem:s10], [sflag:$0x3], $0x8, s23, s13, $0xb8;
	[tilespmem:$0x4000] =	vst v63  }
0x43: {  	_ =	swait.ge [sflag:s19], $0x400  }
0x44: {  	[sflag:s19] =	ssyncset.done $0x0  }
0x45: {  	s22 =	sadd.s32 $0x2980, s22;
	[sflag:s19] =	ssyncadd.s32 $0xFFFFFC00  }
0x46: {  	[spmem:s3] =	stream.indirect.scatter.add.f32 [tilespmem:s10], [sflag:$0x4], $0x8, s22, s13, $0xb8;
	[tilespmem:$0x4000] =	vst v63  }
0x47: {  	_ =	swait.ge [sflag:s16], $0x400  }
0x48: {  	[sflag:s16] =	ssyncset.done $0x0  }
0x49: {  	[sflag:s16] =	ssyncadd.s32 $0xFFFFFC00  }
0x4a: {  	_ =	swait.ge [sflag:s17], $0x400  }
0x4b: {  	[sflag:s17] =	ssyncset.done $0x0  }
0x4c: {  	[sflag:s17] =	ssyncadd.s32 $0xFFFFFC00  }
0x4d: {  	_ =	swait.ge [sflag:s18], $0x400  }
0x4e: {  	[sflag:s18] =	ssyncset.done $0x0  }
0x4f: {  	[sflag:s18] =	ssyncadd.s32 $0xFFFFFC00  }
0x50: {  	_ =	swait.ge [sflag:s19], $0x400  }
0x51: {  	s20 =	sadd.s32 $0x1, s20;
	[sflag:s19] =	ssyncset.done $0x0  }
0x52: {  	p0 =	sne.s32 s20, s8;
	[sflag:s19] =	ssyncadd.s32 $0xFFFFFC00  }
.Ltmp1:
0x53: {  	[bflag:$0x0] =	sbarrier.arrive $0xFFFF;
	(pc) =	sbr.rel @p0 .LBB2_1-.Ltmp1, $4  }
0x54: {  	[hbm:s7], [sflag:s11] =	dma.local [spmem:s12], $0x280  }
0x55: {  	_ =	swait.ge [sflag:s9], $0x280  }
0x56: {  	[sflag:s9] =	ssyncset.done $0x0  }
0x57: {  	[sflag:s9] =	ssyncadd.s32 $0xFFFFFD80  }
0x58: {  	_ =	sfence.sel $0x180000  }
0x59: {  	[bflag:$0x0] =	sbarrier.arrive $0xFFFF  }
0x5a: {  	p0 =	sne.s32 s1, $0x0;
	_ =	strace $0x90000047  }
0x5b: {  	s0 =	sadd.s32 @!p0 $0x100000, s0;
	[bflag:$0x2] =	sbarrier.arrive $0xFFFF  }
0x5c: {  	[sflag:s0] =	ssyncadd.tile.s32 @!p0 $0x1;
	_ =	shalt  }
.Lfunc_end2:
_tile_overlayer_lowered:
.L_overlay_start_2:
0x5d: {  	(tag) =	ssettag $0x2  }
0x5e: {  	s0 =	rddreg [dreg:$0x0];
	s2 =	stileid.u32  }
0x5f: {  	s1 =	rddreg [dreg:$0x1];
	p0 =	sne.s32 s2, $0x0  }
0x60: {  	s3 =	rddreg [dreg:$0x2];
	[bflag:$0x3] =	sbarrier.arrive $0xFFFF;
	s2 =	simm.s32 @!p0 $0x1C05  }
0x61: {  	[timem:s3], [sflag:s2] =	dma.local @!p0 [hbm:s0], s1  }
0x62: {  	s0 =	simm.s32 @!p0 $0x5  }
0x63: {  	_ =	swait.ge @!p0 [sflag:s0], s1  }
0x64: {  	s1 =	ssub.s32 @!p0 $0x0, s1;
	[sflag:s0] =	ssyncset.done @!p0 $0x0  }
0x65: {  	[sflag:s0] =	ssyncadd.s32 @!p0 s1  }
0x66: {  	[bflag:$0x3] =	sbarrier.arrive $0xFFFF  }
0x67: {  	_ =	shalt  }

// kernel: kernel.15.cloned.1.call-start
scs
__scs_entry_jumppad:
0x0: {  	(pc) =	sbr.rel $0x88, $3  }
0x1: {  	(tag) =	ssettag $0x0;
	lr =	simm.s32 $0x1  }
0x2: {  	[smem:$0x3F95] =	sst lr;
	_ =	strace $0xD0000000  }
0x3: {  	_ = 	snop  }
0x4: {  	_ = 	snop  }
0x5: {  	_ = 	snop  }
0x6: {  	_ = 	snop  }
0x7: {  	_ = 	snop  }
__scs_overlays_trampoline_lowered:
0x8: {  	[smem:$0x3FA4] =	sst s0  }
0x9: {  	[smem:$0x3FA5] =	sst s1  }
0xa: {  	[smem:$0x3FA6] =	sst s2  }
0xb: {  	[smem:$0x3FA7] =	sst s3  }
0xc: {  	[smem:$0x3FA8] =	sst s4  }
0xd: {  	[smem:$0x3FA9] =	sst s5  }
0xe: {  	[smem:$0x3FAA] =	sst s6  }
0xf: {  	[smem:$0x3FAB] =	sst s7  }
0x10: {  	[smem:$0x3FAC] =	sst s8  }
0x11: {  	[smem:$0x3FAD] =	sst s9;
	s0 =	simm.s32 @!p0 $0x0  }
0x12: {  	s1 =	sld [smem:$0x3F93];
	s0 =	simm.s32 @p0 $0x1  }
0x13: {  	[smem:$0x3FAE] =	sst s0;
	s0 =	simm.s32 @!p1 $0x0  }
0x14: {  	s2 =	sld [smem:$0x3F92];
	s0 =	simm.s32 @p1 $0x1  }
0x15: {  	[smem:$0x3FAF] =	sst s0;
	s0 =	simm.s32 @!p2 $0x0  }
0x16: {  	s3 =	sld [smem:$0x3FDB];
	s0 =	simm.s32 @p2 $0x1  }
0x17: {  	s4 =	simm.s32 $0x1BF5;
	[smem:$0x3FB1] =	sst s0  }
0x18: {  	s0 =	sld [smem:$0x3F94];
	_ =	swait.ge [sflag:s4], $0x0  }
0x19: {  	s7 =	sld [smem:$0x3F95]  }
0x1a: {  	s8 =	sadd.s32 $0xFFFFE003, lr  }
0x1b: {  	s9 =	sadd.s32 $0xFFFFFEF7, lr;
	s5 =	simm.s32 $0xFFFFFFFF;
	p2 =	slt.u32 s8, $0xFFFFF086  }
0x1c: {  	p1 =	slt.u32 s9, $0xF7A;
	s5 =	simm.s32 @!p2 $0x0  }
0x1d: {  	s5 =	simm.s32 @p1 $0x1;
	p0 =	seq.s32 s7, s2  }
0x1e: {  	s7 =	smul.u32 @!p0 $0xF7A, s2;
	p2 =	seq.s32 @!p0 s5, $0x0  }
0x1f: {  	s9 =	smul.u32 $0xF7A, s1;
	s8 =	simm.s32 @!p0 $0x1BF5;
	p2 =	por !p2, p0  }
0x20: {  	[sflag:s8] =	ssyncset.s32 @!p0 $0xFFFFF086;
	s6 =	sadd.s32 @!p0 s3, s7;
	s7 =	simm.s32 @!p0 $0x108  }
0x21: {  	s3 =	sadd.s32 s3, s9;
	s6 =	sadd.s32 @!p0 $0x88, s6;
	s7 =	simm.s32 @p2 $0x1082  }
0x22: {  	[simem:s7], [sflag:s8] =	dma.local @!p0 [hbm:s6], $0xF7A  }
0x23: {  	s9 =	sor.u32 $0xD0000000, s2;
	s6 =	simm.s32 $0x108;
	_ =	swait.ge @!p0 [sflag:s8], $0x0  }
0x24: {  	s3 =	sadd.s32 $0x88, s3;
	s6 =	simm.s32 @!p1 $0x1082;
	[sflag:s4] =	ssyncset.s32 $0xFFFFF086  }
0x25: {  	[simem:s6], [sflag:s4] =	dma.local [hbm:s3], $0xF7A  }
0x26: {  	[smem:$0x3F95] =	sst s1;
	(tag) =	ssettag s2;
	_ =	strace s9  }
0x27: {  	s1 =	sld [smem:$0x3FA5]  }
0x28: {  	s2 =	sld [smem:$0x3FA6]  }
0x29: {  	s4 =	sld [smem:$0x3FA8]  }
0x2a: {  	p0 =	seq.s32 s5, $0x0;
	s5 =	sld [smem:$0x3FA9]  }
0x2b: {  	s6 =	sld [smem:$0x3FAA]  }
0x2c: {  	s7 =	sld [smem:$0x3FAB]  }
0x2d: {  	s3 =	simm.s32 $0x108;
	s8 =	sld [smem:$0x3FAC]  }
0x2e: {  	s3 =	simm.s32 @!p0 $0x1082;
	s9 =	sld [smem:$0x3FAD]  }
0x2f: {  	lr =	sadd.s32 s0, s3;
	s0 =	sld [smem:$0x3FA4]  }
0x30: {  	s3 =	sld [smem:$0x3FA7]  }
0x31: {  	[smem:$0x3FB0] =	sst s10  }
0x32: {  	s10 =	sld [smem:$0x3FAE];
	_ =	sdelay $0x3  }
0x33: {  	p0 =	seq.s32 s10, $0x1;
	s10 =	sld [smem:$0x3FB0];
	_ =	sdelay $0x3  }
0x34: {  	[smem:$0x3FB0] =	sst s10  }
0x35: {  	s10 =	sld [smem:$0x3FAF];
	_ =	sdelay $0x3  }
0x36: {  	p1 =	seq.s32 s10, $0x1;
	s10 =	sld [smem:$0x3FB0];
	_ =	sdelay $0x3  }
0x37: {  	[smem:$0x3FB0] =	sst s10  }
0x38: {  	s10 =	sld [smem:$0x3FB1]  }
0x39: {  	_ = 	snop;
	(pc) =	sbr.ind lr, $3  }
0x3a: {  	_ = 	snop  }
0x3b: {  	_ = 	snop  }
0x3c: {  	p2 =	seq.s32 s10, $0x1;
	s10 =	sld [smem:$0x3FB0]  }
0x3d: {  	_ =	shalt  }
0x3e: {  	_ =	shalt  }
0x3f: {  	_ =	shalt  }
0x40: {  	_ =	shalt  }
0x41: {  	_ =	shalt  }
0x42: {  	_ =	shalt  }
0x43: {  	_ =	shalt  }
0x44: {  	_ =	shalt  }
0x45: {  	_ =	shalt  }
0x46: {  	_ =	shalt  }
0x47: {  	_ =	shalt  }
0x48: {  	_ =	shalt  }
0x49: {  	_ =	shalt  }
0x4a: {  	_ =	shalt  }
0x4b: {  	_ =	shalt  }
0x4c: {  	_ =	shalt  }
0x4d: {  	_ =	shalt  }
0x4e: {  	_ =	shalt  }
0x4f: {  	_ =	shalt  }
0x50: {  	_ =	shalt  }
0x51: {  	_ =	shalt  }
0x52: {  	_ =	shalt  }
0x53: {  	_ =	shalt  }
0x54: {  	_ =	shalt  }
0x55: {  	_ =	shalt  }
0x56: {  	_ =	shalt  }
0x57: {  	_ =	shalt  }
0x58: {  	_ =	shalt  }
0x59: {  	_ =	shalt  }
0x5a: {  	_ =	shalt  }
0x5b: {  	_ =	shalt  }
0x5c: {  	_ =	shalt  }
0x5d: {  	_ =	shalt  }
0x5e: {  	_ =	shalt  }
0x5f: {  	_ =	shalt  }
0x60: {  	_ =	shalt  }
0x61: {  	_ =	shalt  }
0x62: {  	_ =	shalt  }
0x63: {  	_ =	shalt  }
0x64: {  	_ =	shalt  }
0x65: {  	_ =	shalt  }
0x66: {  	_ =	shalt  }
0x67: {  	_ =	shalt  }
0x68: {  	_ =	shalt  }
0x69: {  	_ =	shalt  }
0x6a: {  	_ =	shalt  }
0x6b: {  	_ =	shalt  }
0x6c: {  	_ =	shalt  }
0x6d: {  	_ =	shalt  }
0x6e: {  	_ =	shalt  }
0x6f: {  	_ =	shalt  }
0x70: {  	_ =	shalt  }
0x71: {  	_ =	shalt  }
0x72: {  	_ =	shalt  }
0x73: {  	_ =	shalt  }
0x74: {  	_ =	shalt  }
0x75: {  	_ =	shalt  }
0x76: {  	_ =	shalt  }
0x77: {  	_ =	shalt  }
0x78: {  	_ =	shalt  }
0x79: {  	_ =	shalt  }
0x7a: {  	_ =	shalt  }
0x7b: {  	_ =	shalt  }
0x7c: {  	_ =	shalt  }
0x7d: {  	_ =	shalt  }
0x7e: {  	_ =	shalt  }
0x7f: {  	_ =	shalt  }
0x80: {  	_ =	shalt  }
0x81: {  	_ =	shalt  }
0x82: {  	_ =	shalt  }
0x83: {  	_ =	shalt  }
0x84: {  	_ =	shalt  }
0x85: {  	_ =	shalt  }
0x86: {  	_ =	shalt  }
0x87: {  	_ =	shalt  }
.Lfunc_end0:
.L_simem_size_0:
called_computation.1_lowered:
.L_overlay_start_0:
0x88: {  	s2 =	sld [smem:$0x3FD9]  }
0x89: {  	s3 =	sld [smem:$0x3FFE];
	_ =	sdelay $0x1  }
0x8a: {  	s1 =	srdreg.scid  }
0x8b: {  	s0 =	sand.u32 $0x1, s1  }
0x8c: {  	s16 =	sshll.u32 s0, $0xA;
	s2 =	sadd.s32 s3, s2  }
0x8d: {  	s2 =	sadd.s32 s2, s16  }
0x8e: {  	[smem:$0x3FBC] =	sst s2  }
0x8f: {  	_ = 	snop  }
0x90: {  	(tm) =	ssettm $0x1  }
0x91: {  	s17 =	sld [smem:$0x3FFB];
	_ =	sdelay $0x3  }
0x92: {  	_ =	strace s17  }
0x93: {  	s2 =	sld [smem:$0x3FFC];
	_ =	sdelay $0x3  }
0x94: {  	_ =	strace s2  }
0x95: {  	s2 =	sld [smem:$0x3FFD];
	_ =	sdelay $0x3  }
0x96: {  	_ =	strace s2  }
0x97: {  	_ =	strace $0x8FFFFFFF  }
0x98: {  	s18 =	sld [smem:$0x3FDB];
	_ =	sdelay $0x1  }
0x99: {  	s19 =	simm.s32 $_scs_section_size  }
0x9a: {  	s4 =	simm.s32 $_size__tile_overlayer_lowered;
	s5 =	simm.s32 $_tile_overlayer_lowered  }
0x9b: {  	s22 =	simm.s32 $0x1BFF;
	s21 =	sshll.u32 s5, $0x1;
	s2 =	sadd.s32 s19, s18  }
0x9c: {  	s6 =	simm.s32 $0x0;
	s20 =	sshll.u32 s4, $0x1;
	s4 =	sadd.s32 s21, s2  }
0x9d: {  	[timem:s6], [sflag:s22] =	dma.local [hbm:s4], s20  }
0x9e: {  	_ =	swait.ge [sflag:s22], s20  }
0x9f: {  	s3 =	ssub.s32 $0x0, s20;
	[sflag:s22] =	ssyncset.done $0x0  }
0xa0: {  	[sflag:s22] =	ssyncadd.s32 s3;
	_ =	sdelay $0x1  }
0xa1: {  	s23 =	simm.s32 $0x1B8B  }
0xa2: {  	_ =	swait.ge [sflag:s23], $0x1  }
0xa3: {  	[sflag:s23] =	ssyncset.done $0x0  }
0xa4: {  	s25 =	simm.s32 $0x1B8E;
	s24 =	sld [smem:$0x3FFE];
	[sflag:s23] =	ssyncadd.s32 $0xFFFFFFFF  }
0xa5: {  	s26 =	simm.s32 $execute0_lowered;
	[smem:$0x3FD2] =	sst s25  }
0xa6: {  	s4 =	sshll.u32 s26, $0x1;
	_ =	strace $0x80000049;
	[dreg:$0x1] =	wrdreg $0xFFFFFFFF  }
0xa7: {  	s28 =	simm.s32 $_size_execute0_lowered;
	s2 =	sadd.s32 s2, s4;
	[dreg:$0x0] =	wrdreg $0x0  }
0xa8: {  	s4 =	sshll.u32 s28, $0x1;
	[dreg:$0x2] =	wrdreg s2  }
0xa9: {  	[dreg:$0x3] =	wrdreg s4  }
0xaa: {  	[dreg:$0x4] =	wrdreg $0xC0  }
0xab: {  	_ =	task [dreg:s6], $0x5FFFF  }
0xac: {  	[dreg:$0x1] =	wrdreg $0xFFFFFFFF  }
0xad: {  	[dreg:$0x0] =	wrdreg $0x60  }
0xae: {  	[dreg:$0x2] =	wrdreg s24  }
0xaf: {  	[dreg:$0x3] =	wrdreg $0x130000  }
0xb0: {  	[dreg:$0x4] =	wrdreg $0x90000  }
0xb1: {  	[dreg:$0x5] =	wrdreg $0x9  }
0xb2: {  	_ =	task.clear_ibuf [dreg:s6], $0x6FFFF;
	_ =	strace $0x90000049  }
0xb3: {  	s29 =	simm.s32 $0x9;
	_ =	strace $0x8000004B  }
0xb4: {  	_ =	swait.ge [sflag:s29], $0x1  }
0xb5: {  	[sflag:s29] =	ssyncadd.s32 $0xFFFFFFFF  }
0xb6: {  	_ =	strace $0x9000004B  }
0xb7: {  	_ =	sfence  }
0xb8: {  	s30 =	sld [smem:$0x0];
	_ =	sdelay $0x2  }
0xb9: {  	s31 =	sshll.u32 s1, $0xD;
	s1 =	sshrl.u32 s1, $0x2  }
0xba: {  	s3 =	sand.u32 $0x4000, s31;
	s1 =	sadd.s32 s1, s30  }
0xbb: {  	s0 =	sor.u32 s3, s0;
	s1 =	sshll.u32 s1, $0x11  }
0xbc: {  	s0 =	sor.u32 s1, s0  }
0xbd: {  	s0 =	sadd.s32 $0x8F2B, s0  }
0xbe: {  	[sflag:s0] =	ssyncadd.remote.s32 $0x1  }
0xbf: {  	_ =	sfence.sel $0xFFFF  }
0xc0: {  	[dreg:$0x0] =	wrdreg $0xFFFFFFFF;
	(pc) =	sbr.abs _section_cstart, $3  }
0xc1: {  	[dreg:$0x1] =	wrdreg $0xFFFFFFFF  }
0xc2: {  	_ =	task.clear_ibuf [dreg:s6], $0x2FFFF;
	_ =	strace $0x9FFFFFFF  }
0xc3: {  	(tm) =	ssettm $0x7FFFFFFF  }
tec
execute0_lowered:
.L_overlay_start_1:
0x0: {  	(tag) =	ssettag $0x1  }
0x1: {  	s5 =	rddreg [dreg:$0x0]  }
0x2: {  	s2 =	rddreg [dreg:$0x1]  }
0x3: {  	s3 =	rddreg [dreg:$0x2]  }
0x4: {  	s0 =	rddreg [dreg:$0x3]  }
0x5: {  	s1 =	stileid.u32;
	s4 =	simm.s32 $0x0;
	s6 =	srdreg.scid  }
0x6: {  	s17 =	simm.s32 $0x5000;
	s18 =	simm.s32 $0x7000;
	s19 =	simm.s32 $0x1  }
0x7: {  	s20 =	simm.s32 $0x2;
	s21 =	simm.s32 $0x2780;
	s22 =	simm.s32 $0x4F00  }
0x8: {  	s23 =	simm.s32 $0x4F80;
	s24 =	simm.s32 $0x0;
	s7 =	smul.u32 $0x2800, s1  }
0x9: {  	[smem:$0x7FF] =	sst s4;
	s8 =	smul.u32 $0x9C40, s1;
	s6 =	sand.u32 $0x1, s6  }
0xa: {  	s10 =	smul.u32 $0xA000, s1;
	s31 =	sshll.u32 s1, $0x6;
	p0 =	seq.s32 s6, $0x0  }
0xb: {  	s29 =	smul.u32 $0xA0000, s6;
	_ =	strace $0x8000004A;
	s6 =	ssub.s32 $0x2, s6  }
0xc: {  	s9 =	sadd.s32 $0x28000, s7;
	s11 =	sshrl.u32 s8, $0x3;
	s12 =	sshrl.u32 s10, $0x3  }
0xd: {  	s30 =	sshrl.u32 s6, $0x1;
	s15 =	sadd.s32 s8, s2;
	s16 =	sadd.s32 s10, s3  }
0xe: {  	s9 =	smov.u32 @p0 s7;
	s11 =	sadd.s32 s11, s5;
	s7 =	sadd.s32 s10, s29  }
0xf: {  	s12 =	sadd.s32 s12, s5;
	s14 =	ssub.s32 s6, s30;
	s9 =	sshrl.u32 s9, $0x3  }
0x10: {  	s7 =	sshrl.u32 s7, $0x3;
	s8 =	sadd.s32 $0x2E200, s12;
	s10 =	smax.u32 s14, $0x1  }
0x11: {  	s12 =	simm.s32 $0x2800;
	s14 =	sshrl.u32 s15, $0x3;
	s15 =	sshrl.u32 s16, $0x3  }
0x12: {  	s16 =	simm.s32 $0x80;
	s9 =	sadd.s32 s9, s5;
	s13 =	sadd.s32 s7, s5  }
0x13: {  	s7 =	sadd.s32 $0x1A800, s11;
	s11 =	simm.s32 $0x3;
	s5 =	sadd.s32 $0xDE00, s9  }
0x14: {  	s6 =	sadd.s32 $0x3C00, s9;
	s9 =	sadd.s32 $0x42200, s13;
	s13 =	sor.u32 $0x1C03, s31  }
.LBB2_1:
0x15: {  	[tilespmem:s4], [sflag:$0x3] =	stream.linear.gather [hbm4b:s5+s4], $0x2800, $0x38;
	[tilespmem:$0x1CC40] =	vst v63  }
0x16: {  	_ =	swait.ge [sflag:s11], $0x2800  }
0x17: {  	[sflag:s11] =	ssyncset.done $0x0  }
0x18: {  	[sflag:s11] =	ssyncadd.s32 $0xFFFFD800  }
0x19: {  	[tilespmem:s12], [sflag:$0x3] =	stream.linear.gather [hbm4b:s6+s4], $0x2800, $0x38;
	[tilespmem:$0x1CC40] =	vst v63  }
0x1a: {  	_ =	swait.ge [sflag:s11], $0x2800  }
0x1b: {  	[sflag:s11] =	ssyncset.done $0x0  }
0x1c: {  	[sflag:s11] =	ssyncadd.s32 $0xFFFFD800  }
0x1d: {  	[spmem:s14], [sflag:s13] =	dma.local [hbm:s7], $0x1388  }
0x1e: {  	_ =	swait.ge [sflag:s11], $0x1388  }
0x1f: {  	[sflag:s11] =	ssyncset.done $0x0  }
0x20: {  	[sflag:s11] =	ssyncadd.s32 $0xFFFFEC78  }
0x21: {  	[spmem:s15], [sflag:s13] =	dma.local [hbm:s8], $0x1400  }
0x22: {  	_ =	swait.ge [sflag:s11], $0x1400  }
0x23: {  	[sflag:s11] =	ssyncset.done $0x0  }
0x24: {  	[sflag:s11] =	ssyncadd.s32 $0xFFFFEC00  }
0x25: {  	[bflag:$0x0] =	sbarrier.arrive $0xFFFF  }
0x26: {  	[tilespmem:s17], [sflag:$0x1] =	stream.indirect.gather [spmem:s2], $0x40, s4, s16, $0xb8;
	[tilespmem:$0x1CC40] =	vst v63  }
0x27: {  	s25 =	simm.s32 $0x80  }
0x28: {  	[tilespmem:s18], [sflag:$0x2] =	stream.indirect.gather [spmem:s2], $0x40, s25, s16, $0xb8;
	[tilespmem:$0x1CC40] =	vst v63  }
0x29: {  	_ =	swait.ge [sflag:s19], $0x2000  }
0x2a: {  	[sflag:s19] =	ssyncset.done $0x0  }
0x2b: {  	s29 =	simm.s32 $0x2800;
	[sflag:s19] =	ssyncadd.s32 $0xFFFFE000  }
0x2c: {  	[spmem:s3] =	stream.indirect.scatter.add.f32 [tilespmem:s17], [sflag:$0x3], $0x40, s29, s16, $0xb8;
	[tilespmem:$0x1CC40] =	vst v63  }
0x2d: {  	_ =	swait.ge [sflag:s11], $0x2000  }
0x2e: {  	[sflag:s11] =	ssyncset.done $0x0  }
0x2f: {  	s30 =	simm.s32 $0x100;
	[sflag:s11] =	ssyncadd.s32 $0xFFFFE000  }
0x30: {  	[tilespmem:s17], [sflag:$0x1] =	stream.indirect.gather [spmem:s2], $0x40, s30, s16, $0xb8;
	[tilespmem:$0x1CC40] =	vst v63  }
0x31: {  	_ =	swait.ge [sflag:s20], $0x2000  }
0x32: {  	[sflag:s20] =	ssyncset.done $0x0  }
0x33: {  	s31 =	simm.s32 $0x2880;
	[sflag:s20] =	ssyncadd.s32 $0xFFFFE000  }
0x34: {  	[spmem:s3] =	stream.indirect.scatter.add.f32 [tilespmem:s18], [sflag:$0x3], $0x40, s31, s16, $0xb8;
	[tilespmem:$0x1CC40] =	vst v63  }
0x35: {  	_ =	swait.ge [sflag:s11], $0x2000  }
0x36: {  	s26 =	simm.s32 $0x800;
	s25 =	simm.s32 $0x100;
	[sflag:s11] =	ssyncset.done $0x0  }
.LBB2_2:
0x37: {  	s28 =	sadd.s32 $0x80, s25  }
0x38: {  	[sflag:s11] =	ssyncadd.s32 $0xFFFFE000;
	s29 =	smov.u32 s26;
	s30 =	sadd.s32 $0x400, s26  }
0x39: {  	[tilespmem:s18], [sflag:$0x2] =	stream.indirect.gather [spmem:s2], $0x40, s28, s16, $0xb8;
	[tilespmem:$0x1CC40] =	vst v63  }
0x3a: {  	p0 =	sne.s32 s26, $0x9800;
	_ =	swait.ge [sflag:s19], $0x2000  }
0x3b: {  	[sflag:s19] =	ssyncset.done $0x0  }
0x3c: {  	s26 =	sadd.s32 $0x2800, s25;
	[sflag:s19] =	ssyncadd.s32 $0xFFFFE000  }
0x3d: {  	[spmem:s3] =	stream.indirect.scatter.add.f32 [tilespmem:s17], [sflag:$0x3], $0x40, s26, s16, $0xb8;
	[tilespmem:$0x1CC40] =	vst v63  }
0x3e: {  	_ =	swait.ge [sflag:s11], $0x2000  }
0x3f: {  	[sflag:s11] =	ssyncset.done $0x0  }
0x40: {  	s26 =	sadd.s32 $0x100, s25;
	[sflag:s11] =	ssyncadd.s32 $0xFFFFE000  }
0x41: {  	[tilespmem:s17], [sflag:$0x1] =	stream.indirect.gather [spmem:s2], $0x40, s26, s16, $0xb8;
	[tilespmem:$0x1CC40] =	vst v63  }
0x42: {  	_ =	swait.ge [sflag:s20], $0x2000  }
.Ltmp0:
0x43: {  	[sflag:s20] =	ssyncset.done $0x0;
	(pc) =	sbr.rel @p0 .LBB2_2-.Ltmp0, $4  }
0x44: {  	s25 =	sadd.s32 $0x2880, s25;
	[sflag:s20] =	ssyncadd.s32 $0xFFFFE000  }
0x45: {  	[spmem:s3] =	stream.indirect.scatter.add.f32 [tilespmem:s18], [sflag:$0x3], $0x40, s25, s16, $0xb8;
	[tilespmem:$0x1CC40] =	vst v63  }
0x46: {  	_ =	swait.ge [sflag:s11], $0x2000  }
0x47: {  	s26 =	smov.u32 s30;
	s25 =	sshra.s32 s29, $0x2;
	[sflag:s11] =	ssyncset.done $0x0  }
0x48: {  	s26 =	sadd.s32 $0x80, s25;
	[sflag:s11] =	ssyncadd.s32 $0xFFFFE000  }
0x49: {  	[tilespmem:s18], [sflag:$0x2] =	stream.indirect.gather [spmem:s2], $0x40, s26, s16, $0xb8;
	[tilespmem:$0x1CC40] =	vst v63  }
0x4a: {  	_ =	swait.ge [sflag:s19], $0x2000  }
0x4b: {  	[sflag:s19] =	ssyncset.done $0x0  }
0x4c: {  	s29 =	sadd.s32 $0x2800, s25;
	[sflag:s19] =	ssyncadd.s32 $0xFFFFE000  }
0x4d: {  	[spmem:s3] =	stream.indirect.scatter.add.f32 [tilespmem:s17], [sflag:$0x3], $0x40, s29, s16, $0xb8;
	[tilespmem:$0x1CC40] =	vst v63  }
0x4e: {  	_ =	swait.ge [sflag:s11], $0x2000  }
0x4f: {  	[sflag:s11] =	ssyncset.done $0x0  }
0x50: {  	s30 =	sadd.s32 $0x100, s25;
	[sflag:s11] =	ssyncadd.s32 $0xFFFFE000  }
0x51: {  	[tilespmem:s17], [sflag:$0x1] =	stream.indirect.gather [spmem:s2], $0x40, s30, s16, $0xb8;
	[tilespmem:$0x1CC40] =	vst v63  }
0x52: {  	_ =	swait.ge [sflag:s20], $0x2000  }
0x53: {  	[sflag:s20] =	ssyncset.done $0x0  }
0x54: {  	s31 =	sadd.s32 $0x2880, s25;
	[sflag:s20] =	ssyncadd.s32 $0xFFFFE000  }
0x55: {  	[spmem:s3] =	stream.indirect.scatter.add.f32 [tilespmem:s18], [sflag:$0x3], $0x40, s31, s16, $0xb8;
	[tilespmem:$0x1CC40] =	vst v63  }
0x56: {  	_ =	swait.ge [sflag:s11], $0x2000  }
0x57: {  	[sflag:s11] =	ssyncset.done $0x0  }
0x58: {  	[sflag:s11] =	ssyncadd.s32 $0xFFFFE000  }
0x59: {  	[tilespmem:s18], [sflag:$0x2] =	stream.indirect.gather [spmem:s2], $0x40, s21, s16, $0xb8;
	[tilespmem:$0x1CC40] =	vst v63  }
0x5a: {  	_ =	swait.ge [sflag:s19], $0x2000  }
0x5b: {  	[sflag:s19] =	ssyncset.done $0x0  }
0x5c: {  	[sflag:s19] =	ssyncadd.s32 $0xFFFFE000  }
0x5d: {  	[spmem:s3] =	stream.indirect.scatter.add.f32 [tilespmem:s17], [sflag:$0x3], $0x40, s22, s16, $0xb8;
	[tilespmem:$0x1CC40] =	vst v63  }
0x5e: {  	_ =	swait.ge [sflag:s11], $0x2000  }
0x5f: {  	[sflag:s11] =	ssyncset.done $0x0  }
0x60: {  	[sflag:s11] =	ssyncadd.s32 $0xFFFFE000  }
0x61: {  	_ =	swait.ge [sflag:s20], $0x2000  }
0x62: {  	[sflag:s20] =	ssyncset.done $0x0  }
0x63: {  	[sflag:s20] =	ssyncadd.s32 $0xFFFFE000  }
0x64: {  	[spmem:s3] =	stream.indirect.scatter.add.f32 [tilespmem:s18], [sflag:$0x3], $0x40, s23, s16, $0xb8;
	[tilespmem:$0x1CC40] =	vst v63  }
0x65: {  	_ =	swait.ge [sflag:s11], $0x2000  }
0x66: {  	s24 =	sadd.s32 $0x1, s24;
	[sflag:s11] =	ssyncset.done $0x0  }
0x67: {  	p0 =	sne.s32 s24, s10;
	[sflag:s11] =	ssyncadd.s32 $0xFFFFE000  }
.Ltmp1:
0x68: {  	[bflag:$0x0] =	sbarrier.arrive $0xFFFF;
	(pc) =	sbr.rel @p0 .LBB2_1-.Ltmp1, $4  }
0x69: {  	[hbm:s9], [sflag:s13] =	dma.local [spmem:s15], $0x1400  }
0x6a: {  	_ =	swait.ge [sflag:s11], $0x1400  }
0x6b: {  	[sflag:s11] =	ssyncset.done $0x0  }
0x6c: {  	[sflag:s11] =	ssyncadd.s32 $0xFFFFEC00  }
0x6d: {  	_ =	sfence.sel $0x180000  }
0x6e: {  	[bflag:$0x0] =	sbarrier.arrive $0xFFFF  }
0x6f: {  	p0 =	sne.s32 s1, $0x0;
	_ =	strace $0x9000004A  }
0x70: {  	s0 =	sadd.s32 @!p0 $0x100000, s0;
	[bflag:$0x2] =	sbarrier.arrive $0xFFFF  }
0x71: {  	[sflag:s0] =	ssyncadd.tile.s32 @!p0 $0x1;
	_ =	shalt  }
.Lfunc_end2:
_tile_overlayer_lowered:
.L_overlay_start_2:
0x72: {  	(tag) =	ssettag $0x2  }
0x73: {  	s0 =	rddreg [dreg:$0x0];
	s2 =	stileid.u32  }
0x74: {  	s1 =	rddreg [dreg:$0x1];
	p0 =	sne.s32 s2, $0x0  }
0x75: {  	s3 =	rddreg [dreg:$0x2];
	[bflag:$0x3] =	sbarrier.arrive $0xFFFF;
	s2 =	simm.s32 @!p0 $0x1C03  }
0x76: {  	[timem:s3], [sflag:s2] =	dma.local @!p0 [hbm:s0], s1  }
0x77: {  	s0 =	simm.s32 @!p0 $0x3  }
0x78: {  	_ =	swait.ge @!p0 [sflag:s0], s1  }
0x79: {  	s1 =	ssub.s32 @!p0 $0x0, s1;
	[sflag:s0] =	ssyncset.done @!p0 $0x0  }
0x7a: {  	[sflag:s0] =	ssyncadd.s32 @!p0 s1  }
0x7b: {  	[bflag:$0x3] =	sbarrier.arrive $0xFFFF  }
0x7c: {  	_ =	shalt  }

// kernel: kernel.18.cloned.1.call-start
scs
__scs_entry_jumppad:
0x0: {  	(pc) =	sbr.rel $0x88, $3  }
0x1: {  	(tag) =	ssettag $0x0;
	lr =	simm.s32 $0x1  }
0x2: {  	[smem:$0x3F95] =	sst lr;
	_ =	strace $0xD0000000  }
0x3: {  	_ = 	snop  }
0x4: {  	_ = 	snop  }
0x5: {  	_ = 	snop  }
0x6: {  	_ = 	snop  }
0x7: {  	_ = 	snop  }
__scs_overlays_trampoline_lowered:
0x8: {  	[smem:$0x3FA4] =	sst s0  }
0x9: {  	[smem:$0x3FA5] =	sst s1  }
0xa: {  	[smem:$0x3FA6] =	sst s2  }
0xb: {  	[smem:$0x3FA7] =	sst s3  }
0xc: {  	[smem:$0x3FA8] =	sst s4  }
0xd: {  	[smem:$0x3FA9] =	sst s5  }
0xe: {  	[smem:$0x3FAA] =	sst s6  }
0xf: {  	[smem:$0x3FAB] =	sst s7  }
0x10: {  	[smem:$0x3FAC] =	sst s8  }
0x11: {  	[smem:$0x3FAD] =	sst s9;
	s0 =	simm.s32 @!p0 $0x0  }
0x12: {  	s1 =	sld [smem:$0x3F93];
	s0 =	simm.s32 @p0 $0x1  }
0x13: {  	[smem:$0x3FAE] =	sst s0;
	s0 =	simm.s32 @!p1 $0x0  }
0x14: {  	s2 =	sld [smem:$0x3F92];
	s0 =	simm.s32 @p1 $0x1  }
0x15: {  	[smem:$0x3FAF] =	sst s0;
	s0 =	simm.s32 @!p2 $0x0  }
0x16: {  	s3 =	sld [smem:$0x3FDB];
	s0 =	simm.s32 @p2 $0x1  }
0x17: {  	s4 =	simm.s32 $0x1BF5;
	[smem:$0x3FB1] =	sst s0  }
0x18: {  	s0 =	sld [smem:$0x3F94];
	_ =	swait.ge [sflag:s4], $0x0  }
0x19: {  	s7 =	sld [smem:$0x3F95]  }
0x1a: {  	s8 =	sadd.s32 $0xFFFFE003, lr  }
0x1b: {  	s9 =	sadd.s32 $0xFFFFFEF7, lr;
	s5 =	simm.s32 $0xFFFFFFFF;
	p2 =	slt.u32 s8, $0xFFFFF086  }
0x1c: {  	p1 =	slt.u32 s9, $0xF7A;
	s5 =	simm.s32 @!p2 $0x0  }
0x1d: {  	s5 =	simm.s32 @p1 $0x1;
	p0 =	seq.s32 s7, s2  }
0x1e: {  	s7 =	smul.u32 @!p0 $0xF7A, s2;
	p2 =	seq.s32 @!p0 s5, $0x0  }
0x1f: {  	s9 =	smul.u32 $0xF7A, s1;
	s8 =	simm.s32 @!p0 $0x1BF5;
	p2 =	por !p2, p0  }
0x20: {  	[sflag:s8] =	ssyncset.s32 @!p0 $0xFFFFF086;
	s6 =	sadd.s32 @!p0 s3, s7;
	s7 =	simm.s32 @!p0 $0x108  }
0x21: {  	s3 =	sadd.s32 s3, s9;
	s6 =	sadd.s32 @!p0 $0x88, s6;
	s7 =	simm.s32 @p2 $0x1082  }
0x22: {  	[simem:s7], [sflag:s8] =	dma.local @!p0 [hbm:s6], $0xF7A  }
0x23: {  	s9 =	sor.u32 $0xD0000000, s2;
	s6 =	simm.s32 $0x108;
	_ =	swait.ge @!p0 [sflag:s8], $0x0  }
0x24: {  	s3 =	sadd.s32 $0x88, s3;
	s6 =	simm.s32 @!p1 $0x1082;
	[sflag:s4] =	ssyncset.s32 $0xFFFFF086  }
0x25: {  	[simem:s6], [sflag:s4] =	dma.local [hbm:s3], $0xF7A  }
0x26: {  	[smem:$0x3F95] =	sst s1;
	(tag) =	ssettag s2;
	_ =	strace s9  }
0x27: {  	s1 =	sld [smem:$0x3FA5]  }
0x28: {  	s2 =	sld [smem:$0x3FA6]  }
0x29: {  	s4 =	sld [smem:$0x3FA8]  }
0x2a: {  	p0 =	seq.s32 s5, $0x0;
	s5 =	sld [smem:$0x3FA9]  }
0x2b: {  	s6 =	sld [smem:$0x3FAA]  }
0x2c: {  	s7 =	sld [smem:$0x3FAB]  }
0x2d: {  	s3 =	simm.s32 $0x108;
	s8 =	sld [smem:$0x3FAC]  }
0x2e: {  	s3 =	simm.s32 @!p0 $0x1082;
	s9 =	sld [smem:$0x3FAD]  }
0x2f: {  	lr =	sadd.s32 s0, s3;
	s0 =	sld [smem:$0x3FA4]  }
0x30: {  	s3 =	sld [smem:$0x3FA7]  }
0x31: {  	[smem:$0x3FB0] =	sst s10  }
0x32: {  	s10 =	sld [smem:$0x3FAE];
	_ =	sdelay $0x3  }
0x33: {  	p0 =	seq.s32 s10, $0x1;
	s10 =	sld [smem:$0x3FB0];
	_ =	sdelay $0x3  }
0x34: {  	[smem:$0x3FB0] =	sst s10  }
0x35: {  	s10 =	sld [smem:$0x3FAF];
	_ =	sdelay $0x3  }
0x36: {  	p1 =	seq.s32 s10, $0x1;
	s10 =	sld [smem:$0x3FB0];
	_ =	sdelay $0x3  }
0x37: {  	[smem:$0x3FB0] =	sst s10  }
0x38: {  	s10 =	sld [smem:$0x3FB1]  }
0x39: {  	_ = 	snop;
	(pc) =	sbr.ind lr, $3  }
0x3a: {  	_ = 	snop  }
0x3b: {  	_ = 	snop  }
0x3c: {  	p2 =	seq.s32 s10, $0x1;
	s10 =	sld [smem:$0x3FB0]  }
0x3d: {  	_ =	shalt  }
0x3e: {  	_ =	shalt  }
0x3f: {  	_ =	shalt  }
0x40: {  	_ =	shalt  }
0x41: {  	_ =	shalt  }
0x42: {  	_ =	shalt  }
0x43: {  	_ =	shalt  }
0x44: {  	_ =	shalt  }
0x45: {  	_ =	shalt  }
0x46: {  	_ =	shalt  }
0x47: {  	_ =	shalt  }
0x48: {  	_ =	shalt  }
0x49: {  	_ =	shalt  }
0x4a: {  	_ =	shalt  }
0x4b: {  	_ =	shalt  }
0x4c: {  	_ =	shalt  }
0x4d: {  	_ =	shalt  }
0x4e: {  	_ =	shalt  }
0x4f: {  	_ =	shalt  }
0x50: {  	_ =	shalt  }
0x51: {  	_ =	shalt  }
0x52: {  	_ =	shalt  }
0x53: {  	_ =	shalt  }
0x54: {  	_ =	shalt  }
0x55: {  	_ =	shalt  }
0x56: {  	_ =	shalt  }
0x57: {  	_ =	shalt  }
0x58: {  	_ =	shalt  }
0x59: {  	_ =	shalt  }
0x5a: {  	_ =	shalt  }
0x5b: {  	_ =	shalt  }
0x5c: {  	_ =	shalt  }
0x5d: {  	_ =	shalt  }
0x5e: {  	_ =	shalt  }
0x5f: {  	_ =	shalt  }
0x60: {  	_ =	shalt  }
0x61: {  	_ =	shalt  }
0x62: {  	_ =	shalt  }
0x63: {  	_ =	shalt  }
0x64: {  	_ =	shalt  }
0x65: {  	_ =	shalt  }
0x66: {  	_ =	shalt  }
0x67: {  	_ =	shalt  }
0x68: {  	_ =	shalt  }
0x69: {  	_ =	shalt  }
0x6a: {  	_ =	shalt  }
0x6b: {  	_ =	shalt  }
0x6c: {  	_ =	shalt  }
0x6d: {  	_ =	shalt  }
0x6e: {  	_ =	shalt  }
0x6f: {  	_ =	shalt  }
0x70: {  	_ =	shalt  }
0x71: {  	_ =	shalt  }
0x72: {  	_ =	shalt  }
0x73: {  	_ =	shalt  }
0x74: {  	_ =	shalt  }
0x75: {  	_ =	shalt  }
0x76: {  	_ =	shalt  }
0x77: {  	_ =	shalt  }
0x78: {  	_ =	shalt  }
0x79: {  	_ =	shalt  }
0x7a: {  	_ =	shalt  }
0x7b: {  	_ =	shalt  }
0x7c: {  	_ =	shalt  }
0x7d: {  	_ =	shalt  }
0x7e: {  	_ =	shalt  }
0x7f: {  	_ =	shalt  }
0x80: {  	_ =	shalt  }
0x81: {  	_ =	shalt  }
0x82: {  	_ =	shalt  }
0x83: {  	_ =	shalt  }
0x84: {  	_ =	shalt  }
0x85: {  	_ =	shalt  }
0x86: {  	_ =	shalt  }
0x87: {  	_ =	shalt  }
.Lfunc_end0:
.L_simem_size_0:
called_computation.2_lowered:
.L_overlay_start_0:
0x88: {  	s2 =	sld [smem:$0x3FD9]  }
0x89: {  	s3 =	sld [smem:$0x3FFE];
	_ =	sdelay $0x1  }
0x8a: {  	s1 =	srdreg.scid  }
0x8b: {  	s0 =	sand.u32 $0x1, s1  }
0x8c: {  	s16 =	sshll.u32 s0, $0xA;
	s2 =	sadd.s32 s3, s2  }
0x8d: {  	s2 =	sadd.s32 s2, s16  }
0x8e: {  	[smem:$0x3FBC] =	sst s2  }
0x8f: {  	_ = 	snop  }
0x90: {  	(tm) =	ssettm $0x1  }
0x91: {  	s17 =	sld [smem:$0x3FFB];
	_ =	sdelay $0x3  }
0x92: {  	_ =	strace s17  }
0x93: {  	s2 =	sld [smem:$0x3FFC];
	_ =	sdelay $0x3  }
0x94: {  	_ =	strace s2  }
0x95: {  	s2 =	sld [smem:$0x3FFD];
	_ =	sdelay $0x3  }
0x96: {  	_ =	strace s2  }
0x97: {  	_ =	strace $0x8FFFFFFF  }
0x98: {  	s18 =	sld [smem:$0x3FDB];
	_ =	sdelay $0x1  }
0x99: {  	s19 =	simm.s32 $_scs_section_size  }
0x9a: {  	s4 =	simm.s32 $_size__tile_overlayer_lowered;
	s5 =	simm.s32 $_tile_overlayer_lowered  }
0x9b: {  	s22 =	simm.s32 $0x1BFF;
	s21 =	sshll.u32 s5, $0x1;
	s2 =	sadd.s32 s19, s18  }
0x9c: {  	s6 =	simm.s32 $0x0;
	s20 =	sshll.u32 s4, $0x1;
	s4 =	sadd.s32 s21, s2  }
0x9d: {  	[timem:s6], [sflag:s22] =	dma.local [hbm:s4], s20  }
0x9e: {  	_ =	swait.ge [sflag:s22], s20  }
0x9f: {  	s3 =	ssub.s32 $0x0, s20;
	[sflag:s22] =	ssyncset.done $0x0  }
0xa0: {  	[sflag:s22] =	ssyncadd.s32 s3;
	_ =	sdelay $0x1  }
0xa1: {  	s23 =	simm.s32 $0x1B8B  }
0xa2: {  	_ =	swait.ge [sflag:s23], $0x1  }
0xa3: {  	[sflag:s23] =	ssyncset.done $0x0  }
0xa4: {  	s25 =	simm.s32 $0x1B8E;
	s24 =	sld [smem:$0x3FFE];
	[sflag:s23] =	ssyncadd.s32 $0xFFFFFFFF  }
0xa5: {  	s26 =	simm.s32 $execute0_lowered;
	[smem:$0x3FD2] =	sst s25  }
0xa6: {  	s4 =	sshll.u32 s26, $0x1;
	_ =	strace $0x8000004C;
	[dreg:$0x1] =	wrdreg $0xFFFFFFFF  }
0xa7: {  	s28 =	simm.s32 $_size_execute0_lowered;
	s2 =	sadd.s32 s2, s4;
	[dreg:$0x0] =	wrdreg $0x0  }
0xa8: {  	s4 =	sshll.u32 s28, $0x1;
	[dreg:$0x2] =	wrdreg s2  }
0xa9: {  	[dreg:$0x3] =	wrdreg s4  }
0xaa: {  	[dreg:$0x4] =	wrdreg $0xC0  }
0xab: {  	_ =	task [dreg:s6], $0x5FFFF  }
0xac: {  	[dreg:$0x1] =	wrdreg $0xFFFFFFFF  }
0xad: {  	[dreg:$0x0] =	wrdreg $0x60  }
0xae: {  	[dreg:$0x2] =	wrdreg s24  }
0xaf: {  	[dreg:$0x3] =	wrdreg $0x130000  }
0xb0: {  	[dreg:$0x4] =	wrdreg $0x90000  }
0xb1: {  	[dreg:$0x5] =	wrdreg $0x9  }
0xb2: {  	_ =	task.clear_ibuf [dreg:s6], $0x6FFFF;
	_ =	strace $0x9000004C  }
0xb3: {  	s29 =	simm.s32 $0x9;
	_ =	strace $0x8000004E  }
0xb4: {  	_ =	swait.ge [sflag:s29], $0x1  }
0xb5: {  	[sflag:s29] =	ssyncadd.s32 $0xFFFFFFFF  }
0xb6: {  	_ =	strace $0x9000004E  }
0xb7: {  	_ =	sfence  }
0xb8: {  	s30 =	sld [smem:$0x0];
	_ =	sdelay $0x2  }
0xb9: {  	s31 =	sshll.u32 s1, $0xD;
	s1 =	sshrl.u32 s1, $0x2  }
0xba: {  	s3 =	sand.u32 $0x4000, s31;
	s1 =	sadd.s32 s1, s30  }
0xbb: {  	s0 =	sor.u32 s3, s0;
	s1 =	sshll.u32 s1, $0x11  }
0xbc: {  	s0 =	sor.u32 s1, s0  }
0xbd: {  	s0 =	sadd.s32 $0x8F2B, s0  }
0xbe: {  	[sflag:s0] =	ssyncadd.remote.s32 $0x1  }
0xbf: {  	_ =	sfence.sel $0xFFFF  }
0xc0: {  	[dreg:$0x0] =	wrdreg $0xFFFFFFFF;
	(pc) =	sbr.abs _section_cstart, $3  }
0xc1: {  	[dreg:$0x1] =	wrdreg $0xFFFFFFFF  }
0xc2: {  	_ =	task.clear_ibuf [dreg:s6], $0x2FFFF;
	_ =	strace $0x9FFFFFFF  }
0xc3: {  	(tm) =	ssettm $0x7FFFFFFF  }
tec
execute0_lowered:
.L_overlay_start_1:
0x0: {  	(tag) =	ssettag $0x1  }
0x1: {  	s5 =	rddreg [dreg:$0x0]  }
0x2: {  	s2 =	rddreg [dreg:$0x1]  }
0x3: {  	s3 =	rddreg [dreg:$0x2]  }
0x4: {  	s0 =	rddreg [dreg:$0x3]  }
0x5: {  	s1 =	stileid.u32;
	s4 =	simm.s32 $0x0;
	s6 =	srdreg.scid  }
0x6: {  	s17 =	simm.s32 $0x5000;
	s18 =	simm.s32 $0x7000;
	s19 =	simm.s32 $0x1  }
0x7: {  	s20 =	simm.s32 $0x2;
	s21 =	simm.s32 $0x2780;
	s22 =	simm.s32 $0x4F00  }
0x8: {  	s23 =	simm.s32 $0x4F80;
	s24 =	simm.s32 $0x0;
	s7 =	smul.u32 $0x2800, s1  }
0x9: {  	[smem:$0x7FF] =	sst s4;
	s8 =	smul.u32 $0x9C40, s1;
	s6 =	sand.u32 $0x1, s6  }
0xa: {  	s10 =	smul.u32 $0xA000, s1;
	s31 =	sshll.u32 s1, $0x6;
	p0 =	seq.s32 s6, $0x0  }
0xb: {  	s29 =	smul.u32 $0xA0000, s6;
	_ =	strace $0x8000004D;
	s6 =	ssub.s32 $0x2, s6  }
0xc: {  	s9 =	sadd.s32 $0x28000, s7;
	s11 =	sshrl.u32 s8, $0x3;
	s12 =	sshrl.u32 s10, $0x3  }
0xd: {  	s30 =	sshrl.u32 s6, $0x1;
	s15 =	sadd.s32 s8, s2;
	s16 =	sadd.s32 s10, s3  }
0xe: {  	s9 =	smov.u32 @p0 s7;
	s11 =	sadd.s32 s11, s5;
	s7 =	sadd.s32 s10, s29  }
0xf: {  	s12 =	sadd.s32 s12, s5;
	s14 =	ssub.s32 s6, s30;
	s9 =	sshrl.u32 s9, $0x3  }
0x10: {  	s7 =	sshrl.u32 s7, $0x3;
	s8 =	sadd.s32 $0x2E200, s12;
	s10 =	smax.u32 s14, $0x1  }
0x11: {  	s12 =	simm.s32 $0x2800;
	s14 =	sshrl.u32 s15, $0x3;
	s15 =	sshrl.u32 s16, $0x3  }
0x12: {  	s16 =	simm.s32 $0x80;
	s9 =	sadd.s32 s9, s5;
	s13 =	sadd.s32 s7, s5  }
0x13: {  	s7 =	sadd.s32 $0x1A800, s11;
	s11 =	simm.s32 $0x3;
	s5 =	sadd.s32 $0xDE00, s9  }
0x14: {  	s6 =	sadd.s32 $0x3C00, s9;
	s9 =	sadd.s32 $0x42200, s13;
	s13 =	sor.u32 $0x1C03, s31  }
.LBB2_1:
0x15: {  	[tilespmem:s4], [sflag:$0x3] =	stream.linear.gather [hbm4b:s5+s4], $0x2800, $0x38;
	[tilespmem:$0x1CC40] =	vst v63  }
0x16: {  	_ =	swait.ge [sflag:s11], $0x2800  }
0x17: {  	[sflag:s11] =	ssyncset.done $0x0  }
0x18: {  	[sflag:s11] =	ssyncadd.s32 $0xFFFFD800  }
0x19: {  	[tilespmem:s12], [sflag:$0x3] =	stream.linear.gather [hbm4b:s6+s4], $0x2800, $0x38;
	[tilespmem:$0x1CC40] =	vst v63  }
0x1a: {  	_ =	swait.ge [sflag:s11], $0x2800  }
0x1b: {  	[sflag:s11] =	ssyncset.done $0x0  }
0x1c: {  	[sflag:s11] =	ssyncadd.s32 $0xFFFFD800  }
0x1d: {  	[spmem:s14], [sflag:s13] =	dma.local [hbm:s7], $0x1388  }
0x1e: {  	_ =	swait.ge [sflag:s11], $0x1388  }
0x1f: {  	[sflag:s11] =	ssyncset.done $0x0  }
0x20: {  	[sflag:s11] =	ssyncadd.s32 $0xFFFFEC78  }
0x21: {  	[spmem:s15], [sflag:s13] =	dma.local [hbm:s8], $0x1400  }
0x22: {  	_ =	swait.ge [sflag:s11], $0x1400  }
0x23: {  	[sflag:s11] =	ssyncset.done $0x0  }
0x24: {  	[sflag:s11] =	ssyncadd.s32 $0xFFFFEC00  }
0x25: {  	[bflag:$0x0] =	sbarrier.arrive $0xFFFF  }
0x26: {  	[tilespmem:s17], [sflag:$0x1] =	stream.indirect.gather [spmem:s2], $0x40, s4, s16, $0xb8;
	[tilespmem:$0x1CC40] =	vst v63  }
0x27: {  	s25 =	simm.s32 $0x80  }
0x28: {  	[tilespmem:s18], [sflag:$0x2] =	stream.indirect.gather [spmem:s2], $0x40, s25, s16, $0xb8;
	[tilespmem:$0x1CC40] =	vst v63  }
0x29: {  	_ =	swait.ge [sflag:s19], $0x2000  }
0x2a: {  	[sflag:s19] =	ssyncset.done $0x0  }
0x2b: {  	s29 =	simm.s32 $0x2800;
	[sflag:s19] =	ssyncadd.s32 $0xFFFFE000  }
0x2c: {  	[spmem:s3] =	stream.indirect.scatter.add.f32 [tilespmem:s17], [sflag:$0x3], $0x40, s29, s16, $0xb8;
	[tilespmem:$0x1CC40] =	vst v63  }
0x2d: {  	_ =	swait.ge [sflag:s11], $0x2000  }
0x2e: {  	[sflag:s11] =	ssyncset.done $0x0  }
0x2f: {  	s30 =	simm.s32 $0x100;
	[sflag:s11] =	ssyncadd.s32 $0xFFFFE000  }
0x30: {  	[tilespmem:s17], [sflag:$0x1] =	stream.indirect.gather [spmem:s2], $0x40, s30, s16, $0xb8;
	[tilespmem:$0x1CC40] =	vst v63  }
0x31: {  	_ =	swait.ge [sflag:s20], $0x2000  }
0x32: {  	[sflag:s20] =	ssyncset.done $0x0  }
0x33: {  	s31 =	simm.s32 $0x2880;
	[sflag:s20] =	ssyncadd.s32 $0xFFFFE000  }
0x34: {  	[spmem:s3] =	stream.indirect.scatter.add.f32 [tilespmem:s18], [sflag:$0x3], $0x40, s31, s16, $0xb8;
	[tilespmem:$0x1CC40] =	vst v63  }
0x35: {  	_ =	swait.ge [sflag:s11], $0x2000  }
0x36: {  	s26 =	simm.s32 $0x800;
	s25 =	simm.s32 $0x100;
	[sflag:s11] =	ssyncset.done $0x0  }
.LBB2_2:
0x37: {  	s28 =	sadd.s32 $0x80, s25  }
0x38: {  	[sflag:s11] =	ssyncadd.s32 $0xFFFFE000;
	s29 =	smov.u32 s26;
	s30 =	sadd.s32 $0x400, s26  }
0x39: {  	[tilespmem:s18], [sflag:$0x2] =	stream.indirect.gather [spmem:s2], $0x40, s28, s16, $0xb8;
	[tilespmem:$0x1CC40] =	vst v63  }
0x3a: {  	p0 =	sne.s32 s26, $0x9800;
	_ =	swait.ge [sflag:s19], $0x2000  }
0x3b: {  	[sflag:s19] =	ssyncset.done $0x0  }
0x3c: {  	s26 =	sadd.s32 $0x2800, s25;
	[sflag:s19] =	ssyncadd.s32 $0xFFFFE000  }
0x3d: {  	[spmem:s3] =	stream.indirect.scatter.add.f32 [tilespmem:s17], [sflag:$0x3], $0x40, s26, s16, $0xb8;
	[tilespmem:$0x1CC40] =	vst v63  }
0x3e: {  	_ =	swait.ge [sflag:s11], $0x2000  }
0x3f: {  	[sflag:s11] =	ssyncset.done $0x0  }
0x40: {  	s26 =	sadd.s32 $0x100, s25;
	[sflag:s11] =	ssyncadd.s32 $0xFFFFE000  }
0x41: {  	[tilespmem:s17], [sflag:$0x1] =	stream.indirect.gather [spmem:s2], $0x40, s26, s16, $0xb8;
	[tilespmem:$0x1CC40] =	vst v63  }
0x42: {  	_ =	swait.ge [sflag:s20], $0x2000  }
.Ltmp0:
0x43: {  	[sflag:s20] =	ssyncset.done $0x0;
	(pc) =	sbr.rel @p0 .LBB2_2-.Ltmp0, $4  }
0x44: {  	s25 =	sadd.s32 $0x2880, s25;
	[sflag:s20] =	ssyncadd.s32 $0xFFFFE000  }
0x45: {  	[spmem:s3] =	stream.indirect.scatter.add.f32 [tilespmem:s18], [sflag:$0x3], $0x40, s25, s16, $0xb8;
	[tilespmem:$0x1CC40] =	vst v63  }
0x46: {  	_ =	swait.ge [sflag:s11], $0x2000  }
0x47: {  	s26 =	smov.u32 s30;
	s25 =	sshra.s32 s29, $0x2;
	[sflag:s11] =	ssyncset.done $0x0  }
0x48: {  	s26 =	sadd.s32 $0x80, s25;
	[sflag:s11] =	ssyncadd.s32 $0xFFFFE000  }
0x49: {  	[tilespmem:s18], [sflag:$0x2] =	stream.indirect.gather [spmem:s2], $0x40, s26, s16, $0xb8;
	[tilespmem:$0x1CC40] =	vst v63  }
0x4a: {  	_ =	swait.ge [sflag:s19], $0x2000  }
0x4b: {  	[sflag:s19] =	ssyncset.done $0x0  }
0x4c: {  	s29 =	sadd.s32 $0x2800, s25;
	[sflag:s19] =	ssyncadd.s32 $0xFFFFE000  }
0x4d: {  	[spmem:s3] =	stream.indirect.scatter.add.f32 [tilespmem:s17], [sflag:$0x3], $0x40, s29, s16, $0xb8;
	[tilespmem:$0x1CC40] =	vst v63  }
0x4e: {  	_ =	swait.ge [sflag:s11], $0x2000  }
0x4f: {  	[sflag:s11] =	ssyncset.done $0x0  }
0x50: {  	s30 =	sadd.s32 $0x100, s25;
	[sflag:s11] =	ssyncadd.s32 $0xFFFFE000  }
0x51: {  	[tilespmem:s17], [sflag:$0x1] =	stream.indirect.gather [spmem:s2], $0x40, s30, s16, $0xb8;
	[tilespmem:$0x1CC40] =	vst v63  }
0x52: {  	_ =	swait.ge [sflag:s20], $0x2000  }
0x53: {  	[sflag:s20] =	ssyncset.done $0x0  }
0x54: {  	s31 =	sadd.s32 $0x2880, s25;
	[sflag:s20] =	ssyncadd.s32 $0xFFFFE000  }
0x55: {  	[spmem:s3] =	stream.indirect.scatter.add.f32 [tilespmem:s18], [sflag:$0x3], $0x40, s31, s16, $0xb8;
	[tilespmem:$0x1CC40] =	vst v63  }
0x56: {  	_ =	swait.ge [sflag:s11], $0x2000  }
0x57: {  	[sflag:s11] =	ssyncset.done $0x0  }
0x58: {  	[sflag:s11] =	ssyncadd.s32 $0xFFFFE000  }
0x59: {  	[tilespmem:s18], [sflag:$0x2] =	stream.indirect.gather [spmem:s2], $0x40, s21, s16, $0xb8;
	[tilespmem:$0x1CC40] =	vst v63  }
0x5a: {  	_ =	swait.ge [sflag:s19], $0x2000  }
0x5b: {  	[sflag:s19] =	ssyncset.done $0x0  }
0x5c: {  	[sflag:s19] =	ssyncadd.s32 $0xFFFFE000  }
0x5d: {  	[spmem:s3] =	stream.indirect.scatter.add.f32 [tilespmem:s17], [sflag:$0x3], $0x40, s22, s16, $0xb8;
	[tilespmem:$0x1CC40] =	vst v63  }
0x5e: {  	_ =	swait.ge [sflag:s11], $0x2000  }
0x5f: {  	[sflag:s11] =	ssyncset.done $0x0  }
0x60: {  	[sflag:s11] =	ssyncadd.s32 $0xFFFFE000  }
0x61: {  	_ =	swait.ge [sflag:s20], $0x2000  }
0x62: {  	[sflag:s20] =	ssyncset.done $0x0  }
0x63: {  	[sflag:s20] =	ssyncadd.s32 $0xFFFFE000  }
0x64: {  	[spmem:s3] =	stream.indirect.scatter.add.f32 [tilespmem:s18], [sflag:$0x3], $0x40, s23, s16, $0xb8;
	[tilespmem:$0x1CC40] =	vst v63  }
0x65: {  	_ =	swait.ge [sflag:s11], $0x2000  }
0x66: {  	s24 =	sadd.s32 $0x1, s24;
	[sflag:s11] =	ssyncset.done $0x0  }
0x67: {  	p0 =	sne.s32 s24, s10;
	[sflag:s11] =	ssyncadd.s32 $0xFFFFE000  }
.Ltmp1:
0x68: {  	[bflag:$0x0] =	sbarrier.arrive $0xFFFF;
	(pc) =	sbr.rel @p0 .LBB2_1-.Ltmp1, $4  }
0x69: {  	[hbm:s9], [sflag:s13] =	dma.local [spmem:s15], $0x1400  }
0x6a: {  	_ =	swait.ge [sflag:s11], $0x1400  }
0x6b: {  	[sflag:s11] =	ssyncset.done $0x0  }
0x6c: {  	[sflag:s11] =	ssyncadd.s32 $0xFFFFEC00  }
0x6d: {  	_ =	sfence.sel $0x180000  }
0x6e: {  	[bflag:$0x0] =	sbarrier.arrive $0xFFFF  }
0x6f: {  	p0 =	sne.s32 s1, $0x0;
	_ =	strace $0x9000004D  }
0x70: {  	s0 =	sadd.s32 @!p0 $0x100000, s0;
	[bflag:$0x2] =	sbarrier.arrive $0xFFFF  }
0x71: {  	[sflag:s0] =	ssyncadd.tile.s32 @!p0 $0x1;
	_ =	shalt  }
.Lfunc_end2:
_tile_overlayer_lowered:
.L_overlay_start_2:
0x72: {  	(tag) =	ssettag $0x2  }
0x73: {  	s0 =	rddreg [dreg:$0x0];
	s2 =	stileid.u32  }
0x74: {  	s1 =	rddreg [dreg:$0x1];
	p0 =	sne.s32 s2, $0x0  }
0x75: {  	s3 =	rddreg [dreg:$0x2];
	[bflag:$0x3] =	sbarrier.arrive $0xFFFF;
	s2 =	simm.s32 @!p0 $0x1C03  }
0x76: {  	[timem:s3], [sflag:s2] =	dma.local @!p0 [hbm:s0], s1  }
0x77: {  	s0 =	simm.s32 @!p0 $0x3  }
0x78: {  	_ =	swait.ge @!p0 [sflag:s0], s1  }
0x79: {  	s1 =	ssub.s32 @!p0 $0x0, s1;
	[sflag:s0] =	ssyncset.done @!p0 $0x0  }
0x7a: {  	[sflag:s0] =	ssyncadd.s32 @!p0 s1  }
0x7b: {  	[bflag:$0x3] =	sbarrier.arrive $0xFFFF  }
0x7c: {  	_ =	shalt  }

// kernel: kernel.21.cloned.1.call-start
scs
__scs_entry_jumppad:
0x0: {  	(pc) =	sbr.rel $0x88, $3  }
0x1: {  	(tag) =	ssettag $0x0;
	lr =	simm.s32 $0x1  }
0x2: {  	[smem:$0x3F95] =	sst lr;
	_ =	strace $0xD0000000  }
0x3: {  	_ = 	snop  }
0x4: {  	_ = 	snop  }
0x5: {  	_ = 	snop  }
0x6: {  	_ = 	snop  }
0x7: {  	_ = 	snop  }
__scs_overlays_trampoline_lowered:
0x8: {  	[smem:$0x3FA4] =	sst s0  }
0x9: {  	[smem:$0x3FA5] =	sst s1  }
0xa: {  	[smem:$0x3FA6] =	sst s2  }
0xb: {  	[smem:$0x3FA7] =	sst s3  }
0xc: {  	[smem:$0x3FA8] =	sst s4  }
0xd: {  	[smem:$0x3FA9] =	sst s5  }
0xe: {  	[smem:$0x3FAA] =	sst s6  }
0xf: {  	[smem:$0x3FAB] =	sst s7  }
0x10: {  	[smem:$0x3FAC] =	sst s8  }
0x11: {  	[smem:$0x3FAD] =	sst s9;
	s0 =	simm.s32 @!p0 $0x0  }
0x12: {  	s1 =	sld [smem:$0x3F93];
	s0 =	simm.s32 @p0 $0x1  }
0x13: {  	[smem:$0x3FAE] =	sst s0;
	s0 =	simm.s32 @!p1 $0x0  }
0x14: {  	s2 =	sld [smem:$0x3F92];
	s0 =	simm.s32 @p1 $0x1  }
0x15: {  	[smem:$0x3FAF] =	sst s0;
	s0 =	simm.s32 @!p2 $0x0  }
0x16: {  	s3 =	sld [smem:$0x3FDB];
	s0 =	simm.s32 @p2 $0x1  }
0x17: {  	s4 =	simm.s32 $0x1BF5;
	[smem:$0x3FB1] =	sst s0  }
0x18: {  	s0 =	sld [smem:$0x3F94];
	_ =	swait.ge [sflag:s4], $0x0  }
0x19: {  	s7 =	sld [smem:$0x3F95]  }
0x1a: {  	s8 =	sadd.s32 $0xFFFFE003, lr  }
0x1b: {  	s9 =	sadd.s32 $0xFFFFFEF7, lr;
	s5 =	simm.s32 $0xFFFFFFFF;
	p2 =	slt.u32 s8, $0xFFFFF086  }
0x1c: {  	p1 =	slt.u32 s9, $0xF7A;
	s5 =	simm.s32 @!p2 $0x0  }
0x1d: {  	s5 =	simm.s32 @p1 $0x1;
	p0 =	seq.s32 s7, s2  }
0x1e: {  	s7 =	smul.u32 @!p0 $0xF7A, s2;
	p2 =	seq.s32 @!p0 s5, $0x0  }
0x1f: {  	s9 =	smul.u32 $0xF7A, s1;
	s8 =	simm.s32 @!p0 $0x1BF5;
	p2 =	por !p2, p0  }
0x20: {  	[sflag:s8] =	ssyncset.s32 @!p0 $0xFFFFF086;
	s6 =	sadd.s32 @!p0 s3, s7;
	s7 =	simm.s32 @!p0 $0x108  }
0x21: {  	s3 =	sadd.s32 s3, s9;
	s6 =	sadd.s32 @!p0 $0x88, s6;
	s7 =	simm.s32 @p2 $0x1082  }
0x22: {  	[simem:s7], [sflag:s8] =	dma.local @!p0 [hbm:s6], $0xF7A  }
0x23: {  	s9 =	sor.u32 $0xD0000000, s2;
	s6 =	simm.s32 $0x108;
	_ =	swait.ge @!p0 [sflag:s8], $0x0  }
0x24: {  	s3 =	sadd.s32 $0x88, s3;
	s6 =	simm.s32 @!p1 $0x1082;
	[sflag:s4] =	ssyncset.s32 $0xFFFFF086  }
0x25: {  	[simem:s6], [sflag:s4] =	dma.local [hbm:s3], $0xF7A  }
0x26: {  	[smem:$0x3F95] =	sst s1;
	(tag) =	ssettag s2;
	_ =	strace s9  }
0x27: {  	s1 =	sld [smem:$0x3FA5]  }
0x28: {  	s2 =	sld [smem:$0x3FA6]  }
0x29: {  	s4 =	sld [smem:$0x3FA8]  }
0x2a: {  	p0 =	seq.s32 s5, $0x0;
	s5 =	sld [smem:$0x3FA9]  }
0x2b: {  	s6 =	sld [smem:$0x3FAA]  }
0x2c: {  	s7 =	sld [smem:$0x3FAB]  }
0x2d: {  	s3 =	simm.s32 $0x108;
	s8 =	sld [smem:$0x3FAC]  }
0x2e: {  	s3 =	simm.s32 @!p0 $0x1082;
	s9 =	sld [smem:$0x3FAD]  }
0x2f: {  	lr =	sadd.s32 s0, s3;
	s0 =	sld [smem:$0x3FA4]  }
0x30: {  	s3 =	sld [smem:$0x3FA7]  }
0x31: {  	[smem:$0x3FB0] =	sst s10  }
0x32: {  	s10 =	sld [smem:$0x3FAE];
	_ =	sdelay $0x3  }
0x33: {  	p0 =	seq.s32 s10, $0x1;
	s10 =	sld [smem:$0x3FB0];
	_ =	sdelay $0x3  }
0x34: {  	[smem:$0x3FB0] =	sst s10  }
0x35: {  	s10 =	sld [smem:$0x3FAF];
	_ =	sdelay $0x3  }
0x36: {  	p1 =	seq.s32 s10, $0x1;
	s10 =	sld [smem:$0x3FB0];
	_ =	sdelay $0x3  }
0x37: {  	[smem:$0x3FB0] =	sst s10  }
0x38: {  	s10 =	sld [smem:$0x3FB1]  }
0x39: {  	_ = 	snop;
	(pc) =	sbr.ind lr, $3  }
0x3a: {  	_ = 	snop  }
0x3b: {  	_ = 	snop  }
0x3c: {  	p2 =	seq.s32 s10, $0x1;
	s10 =	sld [smem:$0x3FB0]  }
0x3d: {  	_ =	shalt  }
0x3e: {  	_ =	shalt  }
0x3f: {  	_ =	shalt  }
0x40: {  	_ =	shalt  }
0x41: {  	_ =	shalt  }
0x42: {  	_ =	shalt  }
0x43: {  	_ =	shalt  }
0x44: {  	_ =	shalt  }
0x45: {  	_ =	shalt  }
0x46: {  	_ =	shalt  }
0x47: {  	_ =	shalt  }
0x48: {  	_ =	shalt  }
0x49: {  	_ =	shalt  }
0x4a: {  	_ =	shalt  }
0x4b: {  	_ =	shalt  }
0x4c: {  	_ =	shalt  }
0x4d: {  	_ =	shalt  }
0x4e: {  	_ =	shalt  }
0x4f: {  	_ =	shalt  }
0x50: {  	_ =	shalt  }
0x51: {  	_ =	shalt  }
0x52: {  	_ =	shalt  }
0x53: {  	_ =	shalt  }
0x54: {  	_ =	shalt  }
0x55: {  	_ =	shalt  }
0x56: {  	_ =	shalt  }
0x57: {  	_ =	shalt  }
0x58: {  	_ =	shalt  }
0x59: {  	_ =	shalt  }
0x5a: {  	_ =	shalt  }
0x5b: {  	_ =	shalt  }
0x5c: {  	_ =	shalt  }
0x5d: {  	_ =	shalt  }
0x5e: {  	_ =	shalt  }
0x5f: {  	_ =	shalt  }
0x60: {  	_ =	shalt  }
0x61: {  	_ =	shalt  }
0x62: {  	_ =	shalt  }
0x63: {  	_ =	shalt  }
0x64: {  	_ =	shalt  }
0x65: {  	_ =	shalt  }
0x66: {  	_ =	shalt  }
0x67: {  	_ =	shalt  }
0x68: {  	_ =	shalt  }
0x69: {  	_ =	shalt  }
0x6a: {  	_ =	shalt  }
0x6b: {  	_ =	shalt  }
0x6c: {  	_ =	shalt  }
0x6d: {  	_ =	shalt  }
0x6e: {  	_ =	shalt  }
0x6f: {  	_ =	shalt  }
0x70: {  	_ =	shalt  }
0x71: {  	_ =	shalt  }
0x72: {  	_ =	shalt  }
0x73: {  	_ =	shalt  }
0x74: {  	_ =	shalt  }
0x75: {  	_ =	shalt  }
0x76: {  	_ =	shalt  }
0x77: {  	_ =	shalt  }
0x78: {  	_ =	shalt  }
0x79: {  	_ =	shalt  }
0x7a: {  	_ =	shalt  }
0x7b: {  	_ =	shalt  }
0x7c: {  	_ =	shalt  }
0x7d: {  	_ =	shalt  }
0x7e: {  	_ =	shalt  }
0x7f: {  	_ =	shalt  }
0x80: {  	_ =	shalt  }
0x81: {  	_ =	shalt  }
0x82: {  	_ =	shalt  }
0x83: {  	_ =	shalt  }
0x84: {  	_ =	shalt  }
0x85: {  	_ =	shalt  }
0x86: {  	_ =	shalt  }
0x87: {  	_ =	shalt  }
.Lfunc_end0:
.L_simem_size_0:
called_computation.3_lowered:
.L_overlay_start_0:
0x88: {  	s2 =	sld [smem:$0x3FD9]  }
0x89: {  	s3 =	sld [smem:$0x3FFE];
	_ =	sdelay $0x1  }
0x8a: {  	s1 =	srdreg.scid  }
0x8b: {  	s0 =	sand.u32 $0x1, s1  }
0x8c: {  	s16 =	sshll.u32 s0, $0xA;
	s2 =	sadd.s32 s3, s2  }
0x8d: {  	s2 =	sadd.s32 s2, s16  }
0x8e: {  	[smem:$0x3FBC] =	sst s2  }
0x8f: {  	_ = 	snop  }
0x90: {  	(tm) =	ssettm $0x1  }
0x91: {  	s17 =	sld [smem:$0x3FFB];
	_ =	sdelay $0x3  }
0x92: {  	_ =	strace s17  }
0x93: {  	s2 =	sld [smem:$0x3FFC];
	_ =	sdelay $0x3  }
0x94: {  	_ =	strace s2  }
0x95: {  	s2 =	sld [smem:$0x3FFD];
	_ =	sdelay $0x3  }
0x96: {  	_ =	strace s2  }
0x97: {  	_ =	strace $0x8FFFFFFF  }
0x98: {  	s18 =	sld [smem:$0x3FDB];
	_ =	sdelay $0x1  }
0x99: {  	s19 =	simm.s32 $_scs_section_size  }
0x9a: {  	s4 =	simm.s32 $_size__tile_overlayer_lowered;
	s5 =	simm.s32 $_tile_overlayer_lowered  }
0x9b: {  	s22 =	simm.s32 $0x1BFF;
	s21 =	sshll.u32 s5, $0x1;
	s2 =	sadd.s32 s19, s18  }
0x9c: {  	s6 =	simm.s32 $0x0;
	s20 =	sshll.u32 s4, $0x1;
	s4 =	sadd.s32 s21, s2  }
0x9d: {  	[timem:s6], [sflag:s22] =	dma.local [hbm:s4], s20  }
0x9e: {  	_ =	swait.ge [sflag:s22], s20  }
0x9f: {  	s3 =	ssub.s32 $0x0, s20;
	[sflag:s22] =	ssyncset.done $0x0  }
0xa0: {  	[sflag:s22] =	ssyncadd.s32 s3;
	_ =	sdelay $0x1  }
0xa1: {  	s23 =	simm.s32 $0x1B8B  }
0xa2: {  	_ =	swait.ge [sflag:s23], $0x1  }
0xa3: {  	[sflag:s23] =	ssyncset.done $0x0  }
0xa4: {  	s25 =	simm.s32 $0x1B8E;
	s24 =	sld [smem:$0x3FFE];
	[sflag:s23] =	ssyncadd.s32 $0xFFFFFFFF  }
0xa5: {  	s26 =	simm.s32 $execute0_lowered;
	[smem:$0x3FD2] =	sst s25  }
0xa6: {  	s4 =	sshll.u32 s26, $0x1;
	_ =	strace $0x8000004F;
	[dreg:$0x1] =	wrdreg $0xFFFFFFFF  }
0xa7: {  	s28 =	simm.s32 $_size_execute0_lowered;
	s2 =	sadd.s32 s2, s4;
	[dreg:$0x0] =	wrdreg $0x0  }
0xa8: {  	s4 =	sshll.u32 s28, $0x1;
	[dreg:$0x2] =	wrdreg s2  }
0xa9: {  	[dreg:$0x3] =	wrdreg s4  }
0xaa: {  	[dreg:$0x4] =	wrdreg $0xC0  }
0xab: {  	_ =	task [dreg:s6], $0x5FFFF  }
0xac: {  	[dreg:$0x1] =	wrdreg $0xFFFFFFFF  }
0xad: {  	[dreg:$0x0] =	wrdreg $0x60  }
0xae: {  	[dreg:$0x2] =	wrdreg s24  }
0xaf: {  	[dreg:$0x3] =	wrdreg $0x6C000  }
0xb0: {  	[dreg:$0x4] =	wrdreg $0x58000  }
0xb1: {  	[dreg:$0x5] =	wrdreg $0x9  }
0xb2: {  	_ =	task.clear_ibuf [dreg:s6], $0x6FFFF;
	_ =	strace $0x9000004F  }
0xb3: {  	s29 =	simm.s32 $0x9;
	_ =	strace $0x80000051  }
0xb4: {  	_ =	swait.ge [sflag:s29], $0x1  }
0xb5: {  	[sflag:s29] =	ssyncadd.s32 $0xFFFFFFFF  }
0xb6: {  	_ =	strace $0x90000051  }
0xb7: {  	_ =	sfence  }
0xb8: {  	s30 =	sld [smem:$0x0];
	_ =	sdelay $0x2  }
0xb9: {  	s31 =	sshll.u32 s1, $0xD;
	s1 =	sshrl.u32 s1, $0x2  }
0xba: {  	s3 =	sand.u32 $0x4000, s31;
	s1 =	sadd.s32 s1, s30  }
0xbb: {  	s0 =	sor.u32 s3, s0;
	s1 =	sshll.u32 s1, $0x11  }
0xbc: {  	s0 =	sor.u32 s1, s0  }
0xbd: {  	s0 =	sadd.s32 $0x8F2B, s0  }
0xbe: {  	[sflag:s0] =	ssyncadd.remote.s32 $0x1  }
0xbf: {  	_ =	sfence.sel $0xFFFF  }
0xc0: {  	[dreg:$0x0] =	wrdreg $0xFFFFFFFF;
	(pc) =	sbr.abs _section_cstart, $3  }
0xc1: {  	[dreg:$0x1] =	wrdreg $0xFFFFFFFF  }
0xc2: {  	_ =	task.clear_ibuf [dreg:s6], $0x2FFFF;
	_ =	strace $0x9FFFFFFF  }
0xc3: {  	(tm) =	ssettm $0x7FFFFFFF  }
tec
execute0_lowered:
.L_overlay_start_1:
0x0: {  	(tag) =	ssettag $0x1  }
0x1: {  	s5 =	rddreg [dreg:$0x0]  }
0x2: {  	s2 =	rddreg [dreg:$0x1]  }
0x3: {  	s3 =	rddreg [dreg:$0x2]  }
0x4: {  	s0 =	rddreg [dreg:$0x3]  }
0x5: {  	s1 =	stileid.u32;
	s4 =	simm.s32 $0x0;
	s6 =	srdreg.scid  }
0x6: {  	s17 =	simm.s32 $0x5000;
	s18 =	simm.s32 $0x5400;
	s19 =	simm.s32 $0x1  }
0x7: {  	s20 =	simm.s32 $0x2;
	s21 =	simm.s32 $0x2780;
	s22 =	simm.s32 $0x4F00  }
0x8: {  	s23 =	simm.s32 $0x4F80;
	s24 =	simm.s32 $0x0;
	s7 =	smul.u32 $0x2800, s1  }
0x9: {  	[smem:$0x7FF] =	sst s4;
	s8 =	smul.u32 $0x1388, s1;
	s6 =	sand.u32 $0x1, s6  }
0xa: {  	s10 =	smul.u32 $0x1400, s1;
	s31 =	sshll.u32 s1, $0x6;
	p0 =	seq.s32 s6, $0x0  }
0xb: {  	s29 =	smul.u32 $0x14000, s6;
	_ =	strace $0x80000050;
	s6 =	ssub.s32 $0x2, s6  }
0xc: {  	s9 =	sadd.s32 $0x28000, s7;
	s11 =	sshrl.u32 s8, $0x3;
	s12 =	sshrl.u32 s10, $0x3  }
0xd: {  	s30 =	sshrl.u32 s6, $0x1;
	s15 =	sadd.s32 s8, s2;
	s16 =	sadd.s32 s10, s3  }
0xe: {  	s9 =	smov.u32 @p0 s7;
	s11 =	sadd.s32 s11, s5;
	s7 =	sadd.s32 s10, s29  }
0xf: {  	s12 =	sadd.s32 s12, s5;
	s14 =	ssub.s32 s6, s30;
	s9 =	sshrl.u32 s9, $0x3  }
0x10: {  	s7 =	sshrl.u32 s7, $0x3;
	s8 =	sadd.s32 $0x18000, s12;
	s10 =	smax.u32 s14, $0x1  }
0x11: {  	s12 =	simm.s32 $0x2800;
	s14 =	sshrl.u32 s15, $0x3;
	s15 =	sshrl.u32 s16, $0x3  }
0x12: {  	s16 =	simm.s32 $0x80;
	s9 =	sadd.s32 s9, s5;
	s13 =	sadd.s32 s7, s5  }
0x13: {  	s7 =	sadd.s32 $0x1A800, s11;
	s11 =	simm.s32 $0x3;
	s5 =	sadd.s32 $0xDE00, s9  }
0x14: {  	s6 =	sadd.s32 $0x3C00, s9;
	s9 =	sadd.s32 $0x1D000, s13;
	s13 =	sor.u32 $0x1C03, s31  }
.LBB2_1:
0x15: {  	[tilespmem:s4], [sflag:$0x3] =	stream.linear.gather [hbm4b:s5+s4], $0x2800, $0x38;
	[tilespmem:$0x7F88] =	vst v63  }
0x16: {  	_ =	swait.ge [sflag:s11], $0x2800  }
0x17: {  	[sflag:s11] =	ssyncset.done $0x0  }
0x18: {  	[sflag:s11] =	ssyncadd.s32 $0xFFFFD800  }
0x19: {  	[tilespmem:s12], [sflag:$0x3] =	stream.linear.gather [hbm4b:s6+s4], $0x2800, $0x38;
	[tilespmem:$0x7F88] =	vst v63  }
0x1a: {  	_ =	swait.ge [sflag:s11], $0x2800  }
0x1b: {  	[sflag:s11] =	ssyncset.done $0x0  }
0x1c: {  	[sflag:s11] =	ssyncadd.s32 $0xFFFFD800  }
0x1d: {  	[spmem:s14], [sflag:s13] =	dma.local [hbm:s7], $0x271  }
0x1e: {  	_ =	swait.ge [sflag:s11], $0x271  }
0x1f: {  	[sflag:s11] =	ssyncset.done $0x0  }
0x20: {  	[sflag:s11] =	ssyncadd.s32 $0xFFFFFD8F  }
0x21: {  	[spmem:s15], [sflag:s13] =	dma.local [hbm:s8], $0x280  }
0x22: {  	_ =	swait.ge [sflag:s11], $0x280  }
0x23: {  	[sflag:s11] =	ssyncset.done $0x0  }
0x24: {  	[sflag:s11] =	ssyncadd.s32 $0xFFFFFD80  }
0x25: {  	[bflag:$0x0] =	sbarrier.arrive $0xFFFF  }
0x26: {  	[tilespmem:s17], [sflag:$0x1] =	stream.indirect.gather [spmem:s2], $0x8, s4, s16, $0xb8;
	[tilespmem:$0x7F88] =	vst v63  }
0x27: {  	s25 =	simm.s32 $0x80  }
0x28: {  	[tilespmem:s18], [sflag:$0x2] =	stream.indirect.gather [spmem:s2], $0x8, s25, s16, $0xb8;
	[tilespmem:$0x7F88] =	vst v63  }
0x29: {  	_ =	swait.ge [sflag:s19], $0x400  }
0x2a: {  	[sflag:s19] =	ssyncset.done $0x0  }
0x2b: {  	s29 =	simm.s32 $0x2800;
	[sflag:s19] =	ssyncadd.s32 $0xFFFFFC00  }
0x2c: {  	[spmem:s3] =	stream.indirect.scatter.add.f32 [tilespmem:s17], [sflag:$0x3], $0x8, s29, s16, $0xb8;
	[tilespmem:$0x7F88] =	vst v63  }
0x2d: {  	_ =	swait.ge [sflag:s11], $0x400  }
0x2e: {  	[sflag:s11] =	ssyncset.done $0x0  }
0x2f: {  	s30 =	simm.s32 $0x100;
	[sflag:s11] =	ssyncadd.s32 $0xFFFFFC00  }
0x30: {  	[tilespmem:s17], [sflag:$0x1] =	stream.indirect.gather [spmem:s2], $0x8, s30, s16, $0xb8;
	[tilespmem:$0x7F88] =	vst v63  }
0x31: {  	_ =	swait.ge [sflag:s20], $0x400  }
0x32: {  	[sflag:s20] =	ssyncset.done $0x0  }
0x33: {  	s31 =	simm.s32 $0x2880;
	[sflag:s20] =	ssyncadd.s32 $0xFFFFFC00  }
0x34: {  	[spmem:s3] =	stream.indirect.scatter.add.f32 [tilespmem:s18], [sflag:$0x3], $0x8, s31, s16, $0xb8;
	[tilespmem:$0x7F88] =	vst v63  }
0x35: {  	_ =	swait.ge [sflag:s11], $0x400  }
0x36: {  	s26 =	simm.s32 $0x800;
	s25 =	simm.s32 $0x100;
	[sflag:s11] =	ssyncset.done $0x0  }
.LBB2_2:
0x37: {  	s28 =	sadd.s32 $0x80, s25  }
0x38: {  	[sflag:s11] =	ssyncadd.s32 $0xFFFFFC00;
	s29 =	smov.u32 s26;
	s30 =	sadd.s32 $0x400, s26  }
0x39: {  	[tilespmem:s18], [sflag:$0x2] =	stream.indirect.gather [spmem:s2], $0x8, s28, s16, $0xb8;
	[tilespmem:$0x7F88] =	vst v63  }
0x3a: {  	p0 =	sne.s32 s26, $0x9800;
	_ =	swait.ge [sflag:s19], $0x400  }
0x3b: {  	[sflag:s19] =	ssyncset.done $0x0  }
0x3c: {  	s26 =	sadd.s32 $0x2800, s25;
	[sflag:s19] =	ssyncadd.s32 $0xFFFFFC00  }
0x3d: {  	[spmem:s3] =	stream.indirect.scatter.add.f32 [tilespmem:s17], [sflag:$0x3], $0x8, s26, s16, $0xb8;
	[tilespmem:$0x7F88] =	vst v63  }
0x3e: {  	_ =	swait.ge [sflag:s11], $0x400  }
0x3f: {  	[sflag:s11] =	ssyncset.done $0x0  }
0x40: {  	s26 =	sadd.s32 $0x100, s25;
	[sflag:s11] =	ssyncadd.s32 $0xFFFFFC00  }
0x41: {  	[tilespmem:s17], [sflag:$0x1] =	stream.indirect.gather [spmem:s2], $0x8, s26, s16, $0xb8;
	[tilespmem:$0x7F88] =	vst v63  }
0x42: {  	_ =	swait.ge [sflag:s20], $0x400  }
.Ltmp0:
0x43: {  	[sflag:s20] =	ssyncset.done $0x0;
	(pc) =	sbr.rel @p0 .LBB2_2-.Ltmp0, $4  }
0x44: {  	s25 =	sadd.s32 $0x2880, s25;
	[sflag:s20] =	ssyncadd.s32 $0xFFFFFC00  }
0x45: {  	[spmem:s3] =	stream.indirect.scatter.add.f32 [tilespmem:s18], [sflag:$0x3], $0x8, s25, s16, $0xb8;
	[tilespmem:$0x7F88] =	vst v63  }
0x46: {  	_ =	swait.ge [sflag:s11], $0x400  }
0x47: {  	s26 =	smov.u32 s30;
	s25 =	sshra.s32 s29, $0x2;
	[sflag:s11] =	ssyncset.done $0x0  }
0x48: {  	s26 =	sadd.s32 $0x80, s25;
	[sflag:s11] =	ssyncadd.s32 $0xFFFFFC00  }
0x49: {  	[tilespmem:s18], [sflag:$0x2] =	stream.indirect.gather [spmem:s2], $0x8, s26, s16, $0xb8;
	[tilespmem:$0x7F88] =	vst v63  }
0x4a: {  	_ =	swait.ge [sflag:s19], $0x400  }
0x4b: {  	[sflag:s19] =	ssyncset.done $0x0  }
0x4c: {  	s29 =	sadd.s32 $0x2800, s25;
	[sflag:s19] =	ssyncadd.s32 $0xFFFFFC00  }
0x4d: {  	[spmem:s3] =	stream.indirect.scatter.add.f32 [tilespmem:s17], [sflag:$0x3], $0x8, s29, s16, $0xb8;
	[tilespmem:$0x7F88] =	vst v63  }
0x4e: {  	_ =	swait.ge [sflag:s11], $0x400  }
0x4f: {  	[sflag:s11] =	ssyncset.done $0x0  }
0x50: {  	s30 =	sadd.s32 $0x100, s25;
	[sflag:s11] =	ssyncadd.s32 $0xFFFFFC00  }
0x51: {  	[tilespmem:s17], [sflag:$0x1] =	stream.indirect.gather [spmem:s2], $0x8, s30, s16, $0xb8;
	[tilespmem:$0x7F88] =	vst v63  }
0x52: {  	_ =	swait.ge [sflag:s20], $0x400  }
0x53: {  	[sflag:s20] =	ssyncset.done $0x0  }
0x54: {  	s31 =	sadd.s32 $0x2880, s25;
	[sflag:s20] =	ssyncadd.s32 $0xFFFFFC00  }
0x55: {  	[spmem:s3] =	stream.indirect.scatter.add.f32 [tilespmem:s18], [sflag:$0x3], $0x8, s31, s16, $0xb8;
	[tilespmem:$0x7F88] =	vst v63  }
0x56: {  	_ =	swait.ge [sflag:s11], $0x400  }
0x57: {  	[sflag:s11] =	ssyncset.done $0x0  }
0x58: {  	[sflag:s11] =	ssyncadd.s32 $0xFFFFFC00  }
0x59: {  	[tilespmem:s18], [sflag:$0x2] =	stream.indirect.gather [spmem:s2], $0x8, s21, s16, $0xb8;
	[tilespmem:$0x7F88] =	vst v63  }
0x5a: {  	_ =	swait.ge [sflag:s19], $0x400  }
0x5b: {  	[sflag:s19] =	ssyncset.done $0x0  }
0x5c: {  	[sflag:s19] =	ssyncadd.s32 $0xFFFFFC00  }
0x5d: {  	[spmem:s3] =	stream.indirect.scatter.add.f32 [tilespmem:s17], [sflag:$0x3], $0x8, s22, s16, $0xb8;
	[tilespmem:$0x7F88] =	vst v63  }
0x5e: {  	_ =	swait.ge [sflag:s11], $0x400  }
0x5f: {  	[sflag:s11] =	ssyncset.done $0x0  }
0x60: {  	[sflag:s11] =	ssyncadd.s32 $0xFFFFFC00  }
0x61: {  	_ =	swait.ge [sflag:s20], $0x400  }
0x62: {  	[sflag:s20] =	ssyncset.done $0x0  }
0x63: {  	[sflag:s20] =	ssyncadd.s32 $0xFFFFFC00  }
0x64: {  	[spmem:s3] =	stream.indirect.scatter.add.f32 [tilespmem:s18], [sflag:$0x3], $0x8, s23, s16, $0xb8;
	[tilespmem:$0x7F88] =	vst v63  }
0x65: {  	_ =	swait.ge [sflag:s11], $0x400  }
0x66: {  	s24 =	sadd.s32 $0x1, s24;
	[sflag:s11] =	ssyncset.done $0x0  }
0x67: {  	p0 =	sne.s32 s24, s10;
	[sflag:s11] =	ssyncadd.s32 $0xFFFFFC00  }
.Ltmp1:
0x68: {  	[bflag:$0x0] =	sbarrier.arrive $0xFFFF;
	(pc) =	sbr.rel @p0 .LBB2_1-.Ltmp1, $4  }
0x69: {  	[hbm:s9], [sflag:s13] =	dma.local [spmem:s15], $0x280  }
0x6a: {  	_ =	swait.ge [sflag:s11], $0x280  }
0x6b: {  	[sflag:s11] =	ssyncset.done $0x0  }
0x6c: {  	[sflag:s11] =	ssyncadd.s32 $0xFFFFFD80  }
0x6d: {  	_ =	sfence.sel $0x180000  }
0x6e: {  	[bflag:$0x0] =	sbarrier.arrive $0xFFFF  }
0x6f: {  	p0 =	sne.s32 s1, $0x0;
	_ =	strace $0x90000050  }
0x70: {  	s0 =	sadd.s32 @!p0 $0x100000, s0;
	[bflag:$0x2] =	sbarrier.arrive $0xFFFF  }
0x71: {  	[sflag:s0] =	ssyncadd.tile.s32 @!p0 $0x1;
	_ =	shalt  }
.Lfunc_end2:
_tile_overlayer_lowered:
.L_overlay_start_2:
0x72: {  	(tag) =	ssettag $0x2  }
0x73: {  	s0 =	rddreg [dreg:$0x0];
	s2 =	stileid.u32  }
0x74: {  	s1 =	rddreg [dreg:$0x1];
	p0 =	sne.s32 s2, $0x0  }
0x75: {  	s3 =	rddreg [dreg:$0x2];
	[bflag:$0x3] =	sbarrier.arrive $0xFFFF;
	s2 =	simm.s32 @!p0 $0x1C03  }
0x76: {  	[timem:s3], [sflag:s2] =	dma.local @!p0 [hbm:s0], s1  }
0x77: {  	s0 =	simm.s32 @!p0 $0x3  }
0x78: {  	_ =	swait.ge @!p0 [sflag:s0], s1  }
0x79: {  	s1 =	ssub.s32 @!p0 $0x0, s1;
	[sflag:s0] =	ssyncset.done @!p0 $0x0  }
0x7a: {  	[sflag:s0] =	ssyncadd.s32 @!p0 s1  }
0x7b: {  	[bflag:$0x3] =	sbarrier.arrive $0xFFFF  }
0x7c: {  	_ =	shalt  }

</sc_bundles>
